<compile_context>
chip_gen: v7x
topology: tpu7x:2x2x1
jax: 0.10.2.dev20260603
libtpu: 0.0.44.dev20260713+nightly
codegen_flags: <defaults>
</compile_context>

<pallas_src>
import functools

import jax
import jax.numpy as jnp
from jax import lax
from jax.experimental import pallas as pl
from jax.experimental.pallas import tpu as pltpu
from jax.experimental.pallas import tpu_sc as plsc

B, S, D = 4, 2048, 1024
V, H = 128, 1024
TOTAL = S + V
NW = 32
WPB = NW // B
CHUNK = TOTAL // WPB
ZPAD = CHUNK + 8
AUXR = 8 + V + ZPAD
CAP = 96


def _mlp_body(seq_ref, w_emb_ref, w1_ref, b1_ref, w2_ref, b2_ref, aux_ref):
    h = jnp.tanh(
        jnp.dot(w_emb_ref[...], w1_ref[...], preferred_element_type=jnp.float32)
        + b1_ref[...]
    )
    virt = (
        jnp.dot(h, w2_ref[...], preferred_element_type=jnp.float32) + b2_ref[...]
    )
    aux_ref[...] = jnp.zeros((B, AUXR, D), jnp.float32)
    for b in range(B):
        rb = seq_ref[b] % 8
        for s in range(8):
            @pl.when(rb == s)
            def _():
                aux_ref[b, s:s + V, :] = virt


def _make_aux(seq32, w_emb, w1, b1, w2, b2):
    return pl.pallas_call(
        _mlp_body,
        out_shape=jax.ShapeDtypeStruct((B, AUXR, D), jnp.float32),
        in_specs=[
            pl.BlockSpec(memory_space=pltpu.SMEM),
            pl.BlockSpec(memory_space=pltpu.VMEM),
            pl.BlockSpec(memory_space=pltpu.VMEM),
            pl.BlockSpec(memory_space=pltpu.VMEM),
            pl.BlockSpec(memory_space=pltpu.VMEM),
            pl.BlockSpec(memory_space=pltpu.VMEM),
        ],
    )(seq32, w_emb, w1, b1.reshape(1, H), w2, b2.reshape(1, D))


def _al8(x):
    return pl.multiple_of(x, 8)


def _piece(src_ref, dst_ref, buf, src_base, dst_base, off, rows):
    pltpu.sync_copy(src_ref.at[pl.ds(_al8(src_base + off), rows)], buf.at[pl.ds(0, rows)])
    pltpu.sync_copy(buf.at[pl.ds(0, rows)], dst_ref.at[pl.ds(_al8(dst_base + off), rows)])


def _copy_region(src_ref, dst_ref, buf, src_base, dst_base, count, max_count):
    nblk = max_count // CAP
    for i in range(nblk):
        @pl.when(count >= (i + 1) * CAP)
        def _():
            _piece(src_ref, dst_ref, buf, src_base, dst_base, i * CAP, CAP)
    blkrows = (count // CAP) * CAP
    rem = count - blkrows
    for p in (64, 32, 16, 8):
        if p >= CAP or p > max_count:
            continue
        off = blkrows + jnp.bitwise_and(rem, jnp.int32(~(2 * p - 1)))

        @pl.when(jnp.bitwise_and(rem, jnp.int32(p)) != 0)
        def _():
            _piece(src_ref, dst_ref, buf, src_base, dst_base, off, p)


@functools.partial(
    pl.kernel,
    mesh=plsc.VectorSubcoreMesh(core_axis_name="c", subcore_axis_name="s"),
    out_type=jax.ShapeDtypeStruct((B * TOTAL, D), jnp.float32),
    scratch_types=[
        pltpu.VMEM((32,), jnp.int32),
        pltpu.VMEM((CAP, D), jnp.float32),
        pltpu.VMEM((8, D), jnp.float32),
        pltpu.VMEM((8, D), jnp.float32),
    ],
)
def _sc_union(inp_hbm, seq_hbm, aux_hbm, out_hbm, seq_v, buf, bin8, baux8):
    cid = lax.axis_index("c")
    sid = lax.axis_index("s")
    w = sid * 2 + cid
    b = w // WPB
    t0 = (w % WPB) * CHUNK

    pltpu.sync_copy(seq_hbm, seq_v)
    ln = seq_v[pl.ds(b, 16)][0]
    r = ln % 8
    g = ln - r
    g2 = g + V
    out_base = b * TOTAL

    k1 = jnp.clip(g - t0, 0, CHUNK)
    _copy_region(inp_hbm, out_hbm, buf, b * S + t0, out_base + t0, k1, CHUNK)

    va = g + jnp.where(r > 0, 8, 0)
    s2 = jnp.clip(va, t0, t0 + CHUNK)
    e2 = jnp.clip(g2, t0, t0 + CHUNK)
    _copy_region(aux_hbm.at[b], out_hbm, buf, s2 - g, out_base + s2, e2 - s2, V)

    @pl.when((r > 0) & (g2 >= t0) & (g2 < t0 + CHUNK))
    def _():
        _piece(aux_hbm.at[b], out_hbm, buf, jnp.int32(V), out_base + g2, 0, 8)

    z0 = jnp.clip(g2 + jnp.where(r > 0, 8, 0), t0, t0 + CHUNK)
    _copy_region(aux_hbm.at[b], out_hbm, buf, jnp.int32(V + 8), out_base + z0,
                 t0 + CHUNK - z0, CHUNK)

    @pl.when((r > 0) & (g >= t0) & (g < t0 + CHUNK))
    def _():
        pltpu.sync_copy(inp_hbm.at[pl.ds(_al8(b * S + g), 8)], bin8)
        pltpu.sync_copy(aux_hbm.at[b, pl.ds(0, 8)], baux8)

        def body(i, _):
            jj = i // 64
            c = (i % 64) * 16
            baux8[jj, pl.ds(c, 16)] = bin8[jj, pl.ds(c, 16)]
            return 0

        lax.fori_loop(0, r * 64, body, 0)
        pltpu.sync_copy(baux8, out_hbm.at[pl.ds(_al8(out_base + g), 8)])


def kernel(inputs, seq_len, W_emb, W1, b1, W2, b2):
    seq32 = seq_len.astype(jnp.int32)
    aux = _make_aux(seq32, W_emb, W1, b1, W2, b2)
    seq_pad = jnp.zeros((32,), jnp.int32).at[:B].set(seq32)
    out2d = _sc_union(inputs.reshape(B * S, D), seq_pad, aux)
    return out2d.reshape(B, TOTAL, D), seq_len + V

# --- scband reference (transcript-rebuilt; emitter-appended) ---
"""Pipeline reference for scband-point-union-17076789969264 (READ-ONLY COPY).

The authoritative reference and input builder live on the scoring server;
editing this copy changes nothing except your own understanding.
"""

import jax, jax.numpy as jnp
import numpy as np

B, S, D = 4, 2048, 1024
V, H = 128, 1024

def setup_inputs(seed: int = 0) -> dict:
    key = jax.random.key(seed)
    k1, k2, k3, k4, k5, k6, k7 = jax.random.split(key, 7)
    inputs = jax.random.normal(k1, (B, S, D), dtype=jnp.float32)
    seq_len = jax.random.randint(k2, (B,), 0, S, dtype=jnp.int64) if jax.config.jax_enable_x64 else jax.random.randint(k2, (B,), 0, S, dtype=jnp.int32)
    W_emb = jax.random.normal(k3, (V, H), dtype=jnp.float32) * 0.02
    W1 = jax.random.normal(k4, (H, H), dtype=jnp.float32) * (1.0 / np.sqrt(H))
    b1 = jnp.zeros((H,), dtype=jnp.float32)
    W2 = jax.random.normal(k5, (H, D), dtype=jnp.float32) * (1.0 / np.sqrt(H))
    b2 = jnp.zeros((D,), dtype=jnp.float32)
    return {"inputs": inputs, "seq_len": seq_len, "W_emb": W_emb, "W1": W1, "b1": b1, "W2": W2, "b2": b2}

def reference(inputs, seq_len, W_emb, W1, b1, W2, b2):
    # append_virtual_embedding with projection=True
    b, s, d = inputs.shape
    v, h = W_emb.shape
    # indices = arange(V) stacked over batch -> embedding lookup of full table per batch row
    idx = jnp.broadcast_to(jnp.arange(v)[None, :], (b, v))
    virtual_tokens = jnp.take(W_emb, idx, axis=0)  # [B, V, H]
    hidden = jnp.tanh(jnp.einsum('bvh,hk->bvk', virtual_tokens, W1) + b1)
    virtual_inputs = jnp.einsum('bvh,hd->bvd', hidden, W2) + b2  # [B, V, D]
    total = s + v
    pos = jnp.arange(total)[None, :]            # [1, total]
    len_b = seq_len[:, None].astype(jnp.int32)  # [B, 1]
    brow = jnp.arange(b)[:, None]
    in_idx = jnp.clip(jnp.broadcast_to(pos, (b, total)), 0, s - 1)
    in_g = inputs[brow, in_idx]                 # [B, total, D]
    v_idx = jnp.clip(pos - len_b, 0, v - 1)
    v_g = virtual_inputs[brow, v_idx]           # [B, total, D]
    mask_in = (pos < len_b)[..., None]
    mask_v = ((pos >= len_b) & (pos < len_b + v))[..., None]
    outputs = jnp.where(mask_in, in_g, 0.0) + jnp.where(mask_v, v_g, 0.0)
    new_seq_len = seq_len + v
    return outputs, new_seq_len

if __name__ == "__main__":
    import jax
    _d = setup_inputs()
    print(jax.jit(kernel)(*tuple(_d.values())))

</pallas_src>

<mosaic_0001>
#map = affine_map<(d0, d1) -> (0, 0)>
#map1 = affine_map<(d0, d1) -> (0)>
#map2 = affine_map<(d0, d1) -> (0, 0, 0)>
module attributes {stable_mosaic.version = 14 : i64} {
  func.func @_sc_union(%arg0: i32, %arg1: i32, %arg2: memref<8192x1024xf32, #tpu.memory_space<hbm>>, %arg3: memref<32xi32, #tpu.memory_space<hbm>>, %arg4: memref<4x416x1024xf32, #tpu.memory_space<hbm>>, %arg5: memref<8704x1024xf32, #tpu.memory_space<hbm>>, %arg6: memref<32xi32, #tpu.memory_space<vmem>>, %arg7: memref<96x1024xf32, #tpu.memory_space<vmem>>, %arg8: memref<8x1024xf32, #tpu.memory_space<vmem>>, %arg9: memref<8x1024xf32, #tpu.memory_space<vmem>>) attributes {dimension_semantics = [#tpu.dimension_semantics<core_parallel>, #tpu.dimension_semantics<subcore_parallel>], iteration_bounds = array<i64: 2, 16>, scalar_prefetch = 0 : i64, scratch_operands = 4 : i64, tpu.core_type = #tpu.core_type<sc_vector_subcore>, window_params = [{transform_indices = #map}, {transform_indices = #map1}, {transform_indices = #map2}, {transform_indices = #map}]} {
    %mul3A = arith.constant 2 : i32
    %mul3A_0 = arith.muli %arg1, %mul3A : i32
    %add3A = arith.addi %mul3A_0, %arg0 : i32
    %jit3A = arith.constant 8 : i32
    %div3A = arith.divsi %add3A, %jit3A : i32
    %sign3A = arith.constant 0 : i32
    %sign3A_1 = arith.cmpi sgt, %add3A, %sign3A : i32
    %sign3A_2 = arith.extui %sign3A_1 : i1 to i32
    %sign3A_3 = arith.constant 0 : i32
    %sign3A_4 = arith.cmpi slt, %add3A, %sign3A_3 : i32
    %sign3A_5 = arith.extui %sign3A_4 : i1 to i32
    %sign3A_6 = arith.subi %sign3A_2, %sign3A_5 : i32
    %sign3A_7 = arith.constant 0 : i32
    %sign3A_8 = arith.cmpi sgt, %jit3A, %sign3A_7 : i32
    %sign3A_9 = arith.extui %sign3A_8 : i1 to i32
    %sign3A_10 = arith.constant 0 : i32
    %sign3A_11 = arith.cmpi slt, %jit3A, %sign3A_10 : i32
    %sign3A_12 = arith.extui %sign3A_11 : i1 to i32
    %sign3A_13 = arith.subi %sign3A_9, %sign3A_12 : i32
    %ne3A = arith.cmpi ne, %sign3A_6, %sign3A_13 : i32
    %rem3A = arith.remsi %add3A, %jit3A : i32
    %ne3A_14 = arith.constant 0 : i32
    %ne3A_15 = arith.cmpi ne, %rem3A, %ne3A_14 : i32
    %and3A = arith.andi %ne3A, %ne3A_15 : i1
    %sub3A = arith.constant 1 : i32
    %sub3A_16 = arith.subi %div3A, %sub3A : i32
    %select_n3A = arith.select %and3A, %sub3A_16, %div3A : i32
    %jit3A_17 = arith.constant 8 : i32
    %eq3A = arith.constant 0 : i32
    %eq3A_18 = arith.cmpi eq, %jit3A_17, %eq3A : i32
    %jit3A_19 = arith.constant 1 : i32
    %select_n3A_20 = arith.select %eq3A_18, %jit3A_19, %jit3A_17 : i32
    %rem3A_21 = arith.remsi %add3A, %select_n3A_20 : i32
    %ne3A_22 = arith.constant 0 : i32
    %ne3A_23 = arith.cmpi ne, %rem3A_21, %ne3A_22 : i32
    %lt3A = arith.constant 0 : i32
    %lt3A_24 = arith.cmpi slt, %rem3A_21, %lt3A : i32
    %lt3A_25 = arith.constant 0 : i32
    %lt3A_26 = arith.cmpi slt, %select_n3A_20, %lt3A_25 : i32
    %ne3A_27 = arith.xori %lt3A_24, %lt3A_26 : i1
    %and3A_28 = arith.andi %ne3A_27, %ne3A_23 : i1
    %add3A_29 = arith.addi %rem3A_21, %select_n3A_20 : i32
    %select_n3A_30 = arith.select %and3A_28, %add3A_29, %rem3A_21 : i32
    %mul3A_31 = arith.constant 272 : i32
    %mul3A_32 = arith.muli %select_n3A_30, %mul3A_31 : i32
    "tpu.region"() ({
      %run_scoped3A = tpu.sem_alloc : memref<!tpu.dma_semaphore, #tpu.memory_space<semaphore_mem>>
      tpu.enqueue_dma source(%arg3 : memref<32xi32, #tpu.memory_space<hbm>>) target(%arg6 : memref<32xi32, #tpu.memory_space<vmem>>) target_semaphore(%run_scoped3A : memref<!tpu.dma_semaphore, #tpu.memory_space<semaphore_mem>>)
      tpu.wait_dma2 semaphore(%run_scoped3A : memref<!tpu.dma_semaphore, #tpu.memory_space<semaphore_mem>>) src(%arg3 : memref<32xi32, #tpu.memory_space<hbm>>) dst(%arg6 : memref<32xi32, #tpu.memory_space<vmem>>)
      tpu.yield
    }) : () -> ()
    %get3A = arith.index_cast %select_n3A : i32 to index
    %get3A_33 = tpu.vector_load %arg6[%get3A] {strides = array<i32>} : memref<32xi32, #tpu.memory_space<vmem>>, vector<16xi32>,
    %get3A_34 = vector.shape_cast %get3A_33 : vector<16xi32> to vector<16xi32>
    %slice3A = vector.extract_strided_slice %get3A_34 {offsets = [0], sizes = [1], strides = [1]} : vector<16xi32> to vector<1xi32>
    %squeeze3A = vector.extract %slice3A[0] : i32 from vector<1xi32>
    %jit3A_35 = arith.constant 8 : i32
    %eq3A_36 = arith.constant 0 : i32
    %eq3A_37 = arith.cmpi eq, %jit3A_35, %eq3A_36 : i32
    %jit3A_38 = arith.constant 1 : i32
    %select_n3A_39 = arith.select %eq3A_37, %jit3A_38, %jit3A_35 : i32
    %rem3A_40 = arith.remsi %squeeze3A, %select_n3A_39 : i32
    %ne3A_41 = arith.constant 0 : i32
    %ne3A_42 = arith.cmpi ne, %rem3A_40, %ne3A_41 : i32
    %lt3A_43 = arith.constant 0 : i32
    %lt3A_44 = arith.cmpi slt, %rem3A_40, %lt3A_43 : i32
    %lt3A_45 = arith.constant 0 : i32
    %lt3A_46 = arith.cmpi slt, %select_n3A_39, %lt3A_45 : i32
    %ne3A_47 = arith.xori %lt3A_44, %lt3A_46 : i1
    %and3A_48 = arith.andi %ne3A_47, %ne3A_42 : i1
    %add3A_49 = arith.addi %rem3A_40, %select_n3A_39 : i32
    %select_n3A_50 = arith.select %and3A_48, %add3A_49, %rem3A_40 : i32
    %sub3A_51 = arith.subi %squeeze3A, %select_n3A_50 : i32
    %add3A_52 = arith.constant 128 : i32
    %add3A_53 = arith.addi %sub3A_51, %add3A_52 : i32
    %mul3A_54 = arith.constant 2176 : i32
    %mul3A_55 = arith.muli %select_n3A, %mul3A_54 : i32
    %sub3A_56 = arith.subi %sub3A_51, %mul3A_32 : i32
    %jit3A_57 = arith.constant 0 : i32
    %jit3A_58 = arith.constant 272 : i32
    %max3A = arith.maxsi %jit3A_57, %sub3A_56 : i32
    %min3A = arith.minsi %jit3A_58, %max3A : i32
    %mul3A_59 = arith.constant 2048 : i32
    %mul3A_60 = arith.muli %select_n3A, %mul3A_59 : i32
    %add3A_61 = arith.addi %mul3A_60, %mul3A_32 : i32
    %add3A_62 = arith.addi %mul3A_55, %mul3A_32 : i32
    %ge3A = arith.constant 96 : i32
    %ge3A_63 = arith.cmpi sge, %min3A, %ge3A : i32
    %convert_element_type3A = arith.extui %ge3A_63 : i1 to i32
    %cond3A = arith.constant 0 : i32
    %cond3A_64 = arith.cmpi ne, %convert_element_type3A, %cond3A : i32
    scf.if %cond3A_64 {
      %add3A_344 = arith.constant 0 : i32
      %add3A_345 = arith.addi %add3A_61, %add3A_344 : i32
      %multiple_of3A = tpu.assume_multiple %add3A_345, 8 : i32
      "tpu.region"() ({
        %run_scoped3A = tpu.sem_alloc : memref<!tpu.dma_semaphore, #tpu.memory_space<semaphore_mem>>
        %dma_start3A = arith.constant 0 : i32
        %dma_start3A_349 = arith.constant 0 : i32
        %dma_start3A_350 = tpu.memref_slice %arg7[%dma_start3A, %dma_start3A_349] : memref<96x1024xf32, #tpu.memory_space<vmem>> -> memref<96x1024xf32, #tpu.memory_space<vmem>>
        %dma_start3A_351 = arith.constant 0 : i32
        %dma_start3A_352 = tpu.memref_slice %arg2[%multiple_of3A, %dma_start3A_351] : memref<8192x1024xf32, #tpu.memory_space<hbm>> -> memref<96x1024xf32, #tpu.memory_space<hbm>>
        %dma_start3A_353 = arith.constant 0 : i32
        %dma_start3A_354 = arith.constant 0 : i32
        %dma_start3A_355 = tpu.memref_slice %arg7[%dma_start3A_353, %dma_start3A_354] : memref<96x1024xf32, #tpu.memory_space<vmem>> -> memref<96x1024xf32, #tpu.memory_space<vmem>>
        %dma_start3A_356 = arith.constant 0 : i32
        %dma_start3A_357 = tpu.memref_slice %arg2[%multiple_of3A, %dma_start3A_356] : memref<8192x1024xf32, #tpu.memory_space<hbm>> -> memref<96x1024xf32, #tpu.memory_space<hbm>>
        tpu.enqueue_dma source(%dma_start3A_357 : memref<96x1024xf32, #tpu.memory_space<hbm>>) target(%dma_start3A_355 : memref<96x1024xf32, #tpu.memory_space<vmem>>) target_semaphore(%run_scoped3A : memref<!tpu.dma_semaphore, #tpu.memory_space<semaphore_mem>>)
        %dma_wait3A = arith.constant 0 : i32
        %dma_wait3A_358 = arith.constant 0 : i32
        %dma_wait3A_359 = tpu.memref_slice %arg7[%dma_wait3A, %dma_wait3A_358] : memref<96x1024xf32, #tpu.memory_space<vmem>> -> memref<96x1024xf32, #tpu.memory_space<vmem>>
        %dma_wait3A_360 = arith.constant 0 : i32
        %dma_wait3A_361 = tpu.memref_slice %arg2[%multiple_of3A, %dma_wait3A_360] : memref<8192x1024xf32, #tpu.memory_space<hbm>> -> memref<96x1024xf32, #tpu.memory_space<hbm>>
        %dma_wait3A_362 = arith.constant 0 : i32
        %dma_wait3A_363 = arith.constant 0 : i32
        %dma_wait3A_364 = tpu.memref_slice %arg7[%dma_wait3A_362, %dma_wait3A_363] : memref<96x1024xf32, #tpu.memory_space<vmem>> -> memref<96x1024xf32, #tpu.memory_space<vmem>>
        %dma_wait3A_365 = arith.constant 0 : i32
        %dma_wait3A_366 = tpu.memref_slice %arg2[%multiple_of3A, %dma_wait3A_365] : memref<8192x1024xf32, #tpu.memory_space<hbm>> -> memref<96x1024xf32, #tpu.memory_space<hbm>>
        tpu.wait_dma2 semaphore(%run_scoped3A : memref<!tpu.dma_semaphore, #tpu.memory_space<semaphore_mem>>) src(%dma_wait3A_366 : memref<96x1024xf32, #tpu.memory_space<hbm>>) dst(%dma_wait3A_364 : memref<96x1024xf32, #tpu.memory_space<vmem>>)
        tpu.yield
      }) : () -> ()
      %add3A_346 = arith.constant 0 : i32
      %add3A_347 = arith.addi %add3A_62, %add3A_346 : i32
      %multiple_of3A_348 = tpu.assume_multiple %add3A_347, 8 : i32
      "tpu.region"() ({
        %run_scoped3A = tpu.sem_alloc : memref<!tpu.dma_semaphore, #tpu.memory_space<semaphore_mem>>
        %dma_start3A = arith.constant 0 : i32
        %dma_start3A_349 = arith.constant 0 : i32
        %dma_start3A_350 = tpu.memref_slice %arg7[%dma_start3A, %dma_start3A_349] : memref<96x1024xf32, #tpu.memory_space<vmem>> -> memref<96x1024xf32, #tpu.memory_space<vmem>>
        %dma_start3A_351 = arith.constant 0 : i32
        %dma_start3A_352 = tpu.memref_slice %arg5[%multiple_of3A_348, %dma_start3A_351] : memref<8704x1024xf32, #tpu.memory_space<hbm>> -> memref<96x1024xf32, #tpu.memory_space<hbm>>
        %dma_start3A_353 = arith.constant 0 : i32
        %dma_start3A_354 = tpu.memref_slice %arg5[%multiple_of3A_348, %dma_start3A_353] : memref<8704x1024xf32, #tpu.memory_space<hbm>> -> memref<96x1024xf32, #tpu.memory_space<hbm>>
        %dma_start3A_355 = arith.constant 0 : i32
        %dma_start3A_356 = arith.constant 0 : i32
        %dma_start3A_357 = tpu.memref_slice %arg7[%dma_start3A_355, %dma_start3A_356] : memref<96x1024xf32, #tpu.memory_space<vmem>> -> memref<96x1024xf32, #tpu.memory_space<vmem>>
        tpu.enqueue_dma source(%dma_start3A_357 : memref<96x1024xf32, #tpu.memory_space<vmem>>) target(%dma_start3A_354 : memref<96x1024xf32, #tpu.memory_space<hbm>>) target_semaphore(%run_scoped3A : memref<!tpu.dma_semaphore, #tpu.memory_space<semaphore_mem>>)
        %dma_wait3A = arith.constant 0 : i32
        %dma_wait3A_358 = arith.constant 0 : i32
        %dma_wait3A_359 = tpu.memref_slice %arg7[%dma_wait3A, %dma_wait3A_358] : memref<96x1024xf32, #tpu.memory_space<vmem>> -> memref<96x1024xf32, #tpu.memory_space<vmem>>
        %dma_wait3A_360 = arith.constant 0 : i32
        %dma_wait3A_361 = tpu.memref_slice %arg5[%multiple_of3A_348, %dma_wait3A_360] : memref<8704x1024xf32, #tpu.memory_space<hbm>> -> memref<96x1024xf32, #tpu.memory_space<hbm>>
        %dma_wait3A_362 = arith.constant 0 : i32
        %dma_wait3A_363 = tpu.memref_slice %arg5[%multiple_of3A_348, %dma_wait3A_362] : memref<8704x1024xf32, #tpu.memory_space<hbm>> -> memref<96x1024xf32, #tpu.memory_space<hbm>>
        %dma_wait3A_364 = arith.constant 0 : i32
        %dma_wait3A_365 = arith.constant 0 : i32
        %dma_wait3A_366 = tpu.memref_slice %arg7[%dma_wait3A_364, %dma_wait3A_365] : memref<96x1024xf32, #tpu.memory_space<vmem>> -> memref<96x1024xf32, #tpu.memory_space<vmem>>
        tpu.wait_dma2 semaphore(%run_scoped3A : memref<!tpu.dma_semaphore, #tpu.memory_space<semaphore_mem>>) src(%dma_wait3A_366 : memref<96x1024xf32, #tpu.memory_space<vmem>>) dst(%dma_wait3A_363 : memref<96x1024xf32, #tpu.memory_space<hbm>>)
        tpu.yield
      }) : () -> ()
    } else {
    }
    %ge3A_65 = arith.constant 192 : i32
    %ge3A_66 = arith.cmpi sge, %min3A, %ge3A_65 : i32
    %convert_element_type3A_67 = arith.extui %ge3A_66 : i1 to i32
    %cond3A_68 = arith.constant 0 : i32
    %cond3A_69 = arith.cmpi ne, %convert_element_type3A_67, %cond3A_68 : i32
    scf.if %cond3A_69 {
      %add3A_344 = arith.constant 96 : i32
      %add3A_345 = arith.addi %add3A_61, %add3A_344 : i32
      %multiple_of3A = tpu.assume_multiple %add3A_345, 8 : i32
      "tpu.region"() ({
        %run_scoped3A = tpu.sem_alloc : memref<!tpu.dma_semaphore, #tpu.memory_space<semaphore_mem>>
        %dma_start3A = arith.constant 0 : i32
        %dma_start3A_349 = arith.constant 0 : i32
        %dma_start3A_350 = tpu.memref_slice %arg7[%dma_start3A, %dma_start3A_349] : memref<96x1024xf32, #tpu.memory_space<vmem>> -> memref<96x1024xf32, #tpu.memory_space<vmem>>
        %dma_start3A_351 = arith.constant 0 : i32
        %dma_start3A_352 = tpu.memref_slice %arg2[%multiple_of3A, %dma_start3A_351] : memref<8192x1024xf32, #tpu.memory_space<hbm>> -> memref<96x1024xf32, #tpu.memory_space<hbm>>
        %dma_start3A_353 = arith.constant 0 : i32
        %dma_start3A_354 = arith.constant 0 : i32
        %dma_start3A_355 = tpu.memref_slice %arg7[%dma_start3A_353, %dma_start3A_354] : memref<96x1024xf32, #tpu.memory_space<vmem>> -> memref<96x1024xf32, #tpu.memory_space<vmem>>
        %dma_start3A_356 = arith.constant 0 : i32
        %dma_start3A_357 = tpu.memref_slice %arg2[%multiple_of3A, %dma_start3A_356] : memref<8192x1024xf32, #tpu.memory_space<hbm>> -> memref<96x1024xf32, #tpu.memory_space<hbm>>
        tpu.enqueue_dma source(%dma_start3A_357 : memref<96x1024xf32, #tpu.memory_space<hbm>>) target(%dma_start3A_355 : memref<96x1024xf32, #tpu.memory_space<vmem>>) target_semaphore(%run_scoped3A : memref<!tpu.dma_semaphore, #tpu.memory_space<semaphore_mem>>)
        %dma_wait3A = arith.constant 0 : i32
        %dma_wait3A_358 = arith.constant 0 : i32
        %dma_wait3A_359 = tpu.memref_slice %arg7[%dma_wait3A, %dma_wait3A_358] : memref<96x1024xf32, #tpu.memory_space<vmem>> -> memref<96x1024xf32, #tpu.memory_space<vmem>>
        %dma_wait3A_360 = arith.constant 0 : i32
        %dma_wait3A_361 = tpu.memref_slice %arg2[%multiple_of3A, %dma_wait3A_360] : memref<8192x1024xf32, #tpu.memory_space<hbm>> -> memref<96x1024xf32, #tpu.memory_space<hbm>>
        %dma_wait3A_362 = arith.constant 0 : i32
        %dma_wait3A_363 = arith.constant 0 : i32
        %dma_wait3A_364 = tpu.memref_slice %arg7[%dma_wait3A_362, %dma_wait3A_363] : memref<96x1024xf32, #tpu.memory_space<vmem>> -> memref<96x1024xf32, #tpu.memory_space<vmem>>
        %dma_wait3A_365 = arith.constant 0 : i32
        %dma_wait3A_366 = tpu.memref_slice %arg2[%multiple_of3A, %dma_wait3A_365] : memref<8192x1024xf32, #tpu.memory_space<hbm>> -> memref<96x1024xf32, #tpu.memory_space<hbm>>
        tpu.wait_dma2 semaphore(%run_scoped3A : memref<!tpu.dma_semaphore, #tpu.memory_space<semaphore_mem>>) src(%dma_wait3A_366 : memref<96x1024xf32, #tpu.memory_space<hbm>>) dst(%dma_wait3A_364 : memref<96x1024xf32, #tpu.memory_space<vmem>>)
        tpu.yield
      }) : () -> ()
      %add3A_346 = arith.constant 96 : i32
      %add3A_347 = arith.addi %add3A_62, %add3A_346 : i32
      %multiple_of3A_348 = tpu.assume_multiple %add3A_347, 8 : i32
      "tpu.region"() ({
        %run_scoped3A = tpu.sem_alloc : memref<!tpu.dma_semaphore, #tpu.memory_space<semaphore_mem>>
        %dma_start3A = arith.constant 0 : i32
        %dma_start3A_349 = arith.constant 0 : i32
        %dma_start3A_350 = tpu.memref_slice %arg7[%dma_start3A, %dma_start3A_349] : memref<96x1024xf32, #tpu.memory_space<vmem>> -> memref<96x1024xf32, #tpu.memory_space<vmem>>
        %dma_start3A_351 = arith.constant 0 : i32
        %dma_start3A_352 = tpu.memref_slice %arg5[%multiple_of3A_348, %dma_start3A_351] : memref<8704x1024xf32, #tpu.memory_space<hbm>> -> memref<96x1024xf32, #tpu.memory_space<hbm>>
        %dma_start3A_353 = arith.constant 0 : i32
        %dma_start3A_354 = tpu.memref_slice %arg5[%multiple_of3A_348, %dma_start3A_353] : memref<8704x1024xf32, #tpu.memory_space<hbm>> -> memref<96x1024xf32, #tpu.memory_space<hbm>>
        %dma_start3A_355 = arith.constant 0 : i32
        %dma_start3A_356 = arith.constant 0 : i32
        %dma_start3A_357 = tpu.memref_slice %arg7[%dma_start3A_355, %dma_start3A_356] : memref<96x1024xf32, #tpu.memory_space<vmem>> -> memref<96x1024xf32, #tpu.memory_space<vmem>>
        tpu.enqueue_dma source(%dma_start3A_357 : memref<96x1024xf32, #tpu.memory_space<vmem>>) target(%dma_start3A_354 : memref<96x1024xf32, #tpu.memory_space<hbm>>) target_semaphore(%run_scoped3A : memref<!tpu.dma_semaphore, #tpu.memory_space<semaphore_mem>>)
        %dma_wait3A = arith.constant 0 : i32
        %dma_wait3A_358 = arith.constant 0 : i32
        %dma_wait3A_359 = tpu.memref_slice %arg7[%dma_wait3A, %dma_wait3A_358] : memref<96x1024xf32, #tpu.memory_space<vmem>> -> memref<96x1024xf32, #tpu.memory_space<vmem>>
        %dma_wait3A_360 = arith.constant 0 : i32
        %dma_wait3A_361 = tpu.memref_slice %arg5[%multiple_of3A_348, %dma_wait3A_360] : memref<8704x1024xf32, #tpu.memory_space<hbm>> -> memref<96x1024xf32, #tpu.memory_space<hbm>>
        %dma_wait3A_362 = arith.constant 0 : i32
        %dma_wait3A_363 = tpu.memref_slice %arg5[%multiple_of3A_348, %dma_wait3A_362] : memref<8704x1024xf32, #tpu.memory_space<hbm>> -> memref<96x1024xf32, #tpu.memory_space<hbm>>
        %dma_wait3A_364 = arith.constant 0 : i32
        %dma_wait3A_365 = arith.constant 0 : i32
        %dma_wait3A_366 = tpu.memref_slice %arg7[%dma_wait3A_364, %dma_wait3A_365] : memref<96x1024xf32, #tpu.memory_space<vmem>> -> memref<96x1024xf32, #tpu.memory_space<vmem>>
        tpu.wait_dma2 semaphore(%run_scoped3A : memref<!tpu.dma_semaphore, #tpu.memory_space<semaphore_mem>>) src(%dma_wait3A_366 : memref<96x1024xf32, #tpu.memory_space<vmem>>) dst(%dma_wait3A_363 : memref<96x1024xf32, #tpu.memory_space<hbm>>)
        tpu.yield
      }) : () -> ()
    } else {
    }
    %jit3A_70 = arith.constant 96 : i32
    %div3A_71 = arith.divsi %min3A, %jit3A_70 : i32
    %sign3A_72 = arith.constant 0 : i32
    %sign3A_73 = arith.cmpi sgt, %min3A, %sign3A_72 : i32
    %sign3A_74 = arith.extui %sign3A_73 : i1 to i32
    %sign3A_75 = arith.constant 0 : i32
    %sign3A_76 = arith.cmpi slt, %min3A, %sign3A_75 : i32
    %sign3A_77 = arith.extui %sign3A_76 : i1 to i32
    %sign3A_78 = arith.subi %sign3A_74, %sign3A_77 : i32
    %sign3A_79 = arith.constant 0 : i32
    %sign3A_80 = arith.cmpi sgt, %jit3A_70, %sign3A_79 : i32
    %sign3A_81 = arith.extui %sign3A_80 : i1 to i32
    %sign3A_82 = arith.constant 0 : i32
    %sign3A_83 = arith.cmpi slt, %jit3A_70, %sign3A_82 : i32
    %sign3A_84 = arith.extui %sign3A_83 : i1 to i32
    %sign3A_85 = arith.subi %sign3A_81, %sign3A_84 : i32
    %ne3A_86 = arith.cmpi ne, %sign3A_78, %sign3A_85 : i32
    %rem3A_87 = arith.remsi %min3A, %jit3A_70 : i32
    %ne3A_88 = arith.constant 0 : i32
    %ne3A_89 = arith.cmpi ne, %rem3A_87, %ne3A_88 : i32
    %and3A_90 = arith.andi %ne3A_86, %ne3A_89 : i1
    %sub3A_91 = arith.constant 1 : i32
    %sub3A_92 = arith.subi %div3A_71, %sub3A_91 : i32
    %select_n3A_93 = arith.select %and3A_90, %sub3A_92, %div3A_71 : i32
    %mul3A_94 = arith.constant 96 : i32
    %mul3A_95 = arith.muli %select_n3A_93, %mul3A_94 : i32
    %sub3A_96 = arith.subi %min3A, %mul3A_95 : i32
    %and3A_97 = arith.constant -128 : i32
    %and3A_98 = arith.andi %sub3A_96, %and3A_97 : i32
    %add3A_99 = arith.addi %mul3A_95, %and3A_98 : i32
    %and3A_100 = arith.constant 64 : i32
    %and3A_101 = arith.andi %sub3A_96, %and3A_100 : i32
    %ne3A_102 = arith.constant 0 : i32
    %ne3A_103 = arith.cmpi ne, %and3A_101, %ne3A_102 : i32
    %convert_element_type3A_104 = arith.extui %ne3A_103 : i1 to i32
    %cond3A_105 = arith.constant 0 : i32
    %cond3A_106 = arith.cmpi ne, %convert_element_type3A_104, %cond3A_105 : i32
    scf.if %cond3A_106 {
      %add3A_344 = arith.addi %add3A_61, %add3A_99 : i32
      %multiple_of3A = tpu.assume_multiple %add3A_344, 8 : i32
      "tpu.region"() ({
        %run_scoped3A = tpu.sem_alloc : memref<!tpu.dma_semaphore, #tpu.memory_space<semaphore_mem>>
        %dma_start3A = arith.constant 0 : i32
        %dma_start3A_347 = arith.constant 0 : i32
        %dma_start3A_348 = tpu.memref_slice %arg7[%dma_start3A, %dma_start3A_347] : memref<96x1024xf32, #tpu.memory_space<vmem>> -> memref<64x1024xf32, #tpu.memory_space<vmem>>
        %dma_start3A_349 = arith.constant 0 : i32
        %dma_start3A_350 = tpu.memref_slice %arg2[%multiple_of3A, %dma_start3A_349] : memref<8192x1024xf32, #tpu.memory_space<hbm>> -> memref<64x1024xf32, #tpu.memory_space<hbm>>
        %dma_start3A_351 = arith.constant 0 : i32
        %dma_start3A_352 = arith.constant 0 : i32
        %dma_start3A_353 = tpu.memref_slice %arg7[%dma_start3A_351, %dma_start3A_352] : memref<96x1024xf32, #tpu.memory_space<vmem>> -> memref<64x1024xf32, #tpu.memory_space<vmem>>
        %dma_start3A_354 = arith.constant 0 : i32
        %dma_start3A_355 = tpu.memref_slice %arg2[%multiple_of3A, %dma_start3A_354] : memref<8192x1024xf32, #tpu.memory_space<hbm>> -> memref<64x1024xf32, #tpu.memory_space<hbm>>
        tpu.enqueue_dma source(%dma_start3A_355 : memref<64x1024xf32, #tpu.memory_space<hbm>>) target(%dma_start3A_353 : memref<64x1024xf32, #tpu.memory_space<vmem>>) target_semaphore(%run_scoped3A : memref<!tpu.dma_semaphore, #tpu.memory_space<semaphore_mem>>)
        %dma_wait3A = arith.constant 0 : i32
        %dma_wait3A_356 = arith.constant 0 : i32
        %dma_wait3A_357 = tpu.memref_slice %arg7[%dma_wait3A, %dma_wait3A_356] : memref<96x1024xf32, #tpu.memory_space<vmem>> -> memref<64x1024xf32, #tpu.memory_space<vmem>>
        %dma_wait3A_358 = arith.constant 0 : i32
        %dma_wait3A_359 = tpu.memref_slice %arg2[%multiple_of3A, %dma_wait3A_358] : memref<8192x1024xf32, #tpu.memory_space<hbm>> -> memref<64x1024xf32, #tpu.memory_space<hbm>>
        %dma_wait3A_360 = arith.constant 0 : i32
        %dma_wait3A_361 = arith.constant 0 : i32
        %dma_wait3A_362 = tpu.memref_slice %arg7[%dma_wait3A_360, %dma_wait3A_361] : memref<96x1024xf32, #tpu.memory_space<vmem>> -> memref<64x1024xf32, #tpu.memory_space<vmem>>
        %dma_wait3A_363 = arith.constant 0 : i32
        %dma_wait3A_364 = tpu.memref_slice %arg2[%multiple_of3A, %dma_wait3A_363] : memref<8192x1024xf32, #tpu.memory_space<hbm>> -> memref<64x1024xf32, #tpu.memory_space<hbm>>
        tpu.wait_dma2 semaphore(%run_scoped3A : memref<!tpu.dma_semaphore, #tpu.memory_space<semaphore_mem>>) src(%dma_wait3A_364 : memref<64x1024xf32, #tpu.memory_space<hbm>>) dst(%dma_wait3A_362 : memref<64x1024xf32, #tpu.memory_space<vmem>>)
        tpu.yield
      }) : () -> ()
      %add3A_345 = arith.addi %add3A_62, %add3A_99 : i32
      %multiple_of3A_346 = tpu.assume_multiple %add3A_345, 8 : i32
      "tpu.region"() ({
        %run_scoped3A = tpu.sem_alloc : memref<!tpu.dma_semaphore, #tpu.memory_space<semaphore_mem>>
        %dma_start3A = arith.constant 0 : i32
        %dma_start3A_347 = arith.constant 0 : i32
        %dma_start3A_348 = tpu.memref_slice %arg7[%dma_start3A, %dma_start3A_347] : memref<96x1024xf32, #tpu.memory_space<vmem>> -> memref<64x1024xf32, #tpu.memory_space<vmem>>
        %dma_start3A_349 = arith.constant 0 : i32
        %dma_start3A_350 = tpu.memref_slice %arg5[%multiple_of3A_346, %dma_start3A_349] : memref<8704x1024xf32, #tpu.memory_space<hbm>> -> memref<64x1024xf32, #tpu.memory_space<hbm>>
        %dma_start3A_351 = arith.constant 0 : i32
        %dma_start3A_352 = tpu.memref_slice %arg5[%multiple_of3A_346, %dma_start3A_351] : memref<8704x1024xf32, #tpu.memory_space<hbm>> -> memref<64x1024xf32, #tpu.memory_space<hbm>>
        %dma_start3A_353 = arith.constant 0 : i32
        %dma_start3A_354 = arith.constant 0 : i32
        %dma_start3A_355 = tpu.memref_slice %arg7[%dma_start3A_353, %dma_start3A_354] : memref<96x1024xf32, #tpu.memory_space<vmem>> -> memref<64x1024xf32, #tpu.memory_space<vmem>>
        tpu.enqueue_dma source(%dma_start3A_355 : memref<64x1024xf32, #tpu.memory_space<vmem>>) target(%dma_start3A_352 : memref<64x1024xf32, #tpu.memory_space<hbm>>) target_semaphore(%run_scoped3A : memref<!tpu.dma_semaphore, #tpu.memory_space<semaphore_mem>>)
        %dma_wait3A = arith.constant 0 : i32
        %dma_wait3A_356 = arith.constant 0 : i32
        %dma_wait3A_357 = tpu.memref_slice %arg7[%dma_wait3A, %dma_wait3A_356] : memref<96x1024xf32, #tpu.memory_space<vmem>> -> memref<64x1024xf32, #tpu.memory_space<vmem>>
        %dma_wait3A_358 = arith.constant 0 : i32
        %dma_wait3A_359 = tpu.memref_slice %arg5[%multiple_of3A_346, %dma_wait3A_358] : memref<8704x1024xf32, #tpu.memory_space<hbm>> -> memref<64x1024xf32, #tpu.memory_space<hbm>>
        %dma_wait3A_360 = arith.constant 0 : i32
        %dma_wait3A_361 = tpu.memref_slice %arg5[%multiple_of3A_346, %dma_wait3A_360] : memref<8704x1024xf32, #tpu.memory_space<hbm>> -> memref<64x1024xf32, #tpu.memory_space<hbm>>
        %dma_wait3A_362 = arith.constant 0 : i32
        %dma_wait3A_363 = arith.constant 0 : i32
        %dma_wait3A_364 = tpu.memref_slice %arg7[%dma_wait3A_362, %dma_wait3A_363] : memref<96x1024xf32, #tpu.memory_space<vmem>> -> memref<64x1024xf32, #tpu.memory_space<vmem>>
        tpu.wait_dma2 semaphore(%run_scoped3A : memref<!tpu.dma_semaphore, #tpu.memory_space<semaphore_mem>>) src(%dma_wait3A_364 : memref<64x1024xf32, #tpu.memory_space<vmem>>) dst(%dma_wait3A_361 : memref<64x1024xf32, #tpu.memory_space<hbm>>)
        tpu.yield
      }) : () -> ()
    } else {
    }
    %and3A_107 = arith.constant -64 : i32
    %and3A_108 = arith.andi %sub3A_96, %and3A_107 : i32
    %add3A_109 = arith.addi %mul3A_95, %and3A_108 : i32
    %and3A_110 = arith.constant 32 : i32
    %and3A_111 = arith.andi %sub3A_96, %and3A_110 : i32
    %ne3A_112 = arith.constant 0 : i32
    %ne3A_113 = arith.cmpi ne, %and3A_111, %ne3A_112 : i32
    %convert_element_type3A_114 = arith.extui %ne3A_113 : i1 to i32
    %cond3A_115 = arith.constant 0 : i32
    %cond3A_116 = arith.cmpi ne, %convert_element_type3A_114, %cond3A_115 : i32
    scf.if %cond3A_116 {
      %add3A_344 = arith.addi %add3A_61, %add3A_109 : i32
      %multiple_of3A = tpu.assume_multiple %add3A_344, 8 : i32
      "tpu.region"() ({
        %run_scoped3A = tpu.sem_alloc : memref<!tpu.dma_semaphore, #tpu.memory_space<semaphore_mem>>
        %dma_start3A = arith.constant 0 : i32
        %dma_start3A_347 = arith.constant 0 : i32
        %dma_start3A_348 = tpu.memref_slice %arg7[%dma_start3A, %dma_start3A_347] : memref<96x1024xf32, #tpu.memory_space<vmem>> -> memref<32x1024xf32, #tpu.memory_space<vmem>>
        %dma_start3A_349 = arith.constant 0 : i32
        %dma_start3A_350 = tpu.memref_slice %arg2[%multiple_of3A, %dma_start3A_349] : memref<8192x1024xf32, #tpu.memory_space<hbm>> -> memref<32x1024xf32, #tpu.memory_space<hbm>>
        %dma_start3A_351 = arith.constant 0 : i32
        %dma_start3A_352 = arith.constant 0 : i32
        %dma_start3A_353 = tpu.memref_slice %arg7[%dma_start3A_351, %dma_start3A_352] : memref<96x1024xf32, #tpu.memory_space<vmem>> -> memref<32x1024xf32, #tpu.memory_space<vmem>>
        %dma_start3A_354 = arith.constant 0 : i32
        %dma_start3A_355 = tpu.memref_slice %arg2[%multiple_of3A, %dma_start3A_354] : memref<8192x1024xf32, #tpu.memory_space<hbm>> -> memref<32x1024xf32, #tpu.memory_space<hbm>>
        tpu.enqueue_dma source(%dma_start3A_355 : memref<32x1024xf32, #tpu.memory_space<hbm>>) target(%dma_start3A_353 : memref<32x1024xf32, #tpu.memory_space<vmem>>) target_semaphore(%run_scoped3A : memref<!tpu.dma_semaphore, #tpu.memory_space<semaphore_mem>>)
        %dma_wait3A = arith.constant 0 : i32
        %dma_wait3A_356 = arith.constant 0 : i32
        %dma_wait3A_357 = tpu.memref_slice %arg7[%dma_wait3A, %dma_wait3A_356] : memref<96x1024xf32, #tpu.memory_space<vmem>> -> memref<32x1024xf32, #tpu.memory_space<vmem>>
        %dma_wait3A_358 = arith.constant 0 : i32
        %dma_wait3A_359 = tpu.memref_slice %arg2[%multiple_of3A, %dma_wait3A_358] : memref<8192x1024xf32, #tpu.memory_space<hbm>> -> memref<32x1024xf32, #tpu.memory_space<hbm>>
        %dma_wait3A_360 = arith.constant 0 : i32
        %dma_wait3A_361 = arith.constant 0 : i32
        %dma_wait3A_362 = tpu.memref_slice %arg7[%dma_wait3A_360, %dma_wait3A_361] : memref<96x1024xf32, #tpu.memory_space<vmem>> -> memref<32x1024xf32, #tpu.memory_space<vmem>>
        %dma_wait3A_363 = arith.constant 0 : i32
        %dma_wait3A_364 = tpu.memref_slice %arg2[%multiple_of3A, %dma_wait3A_363] : memref<8192x1024xf32, #tpu.memory_space<hbm>> -> memref<32x1024xf32, #tpu.memory_space<hbm>>
        tpu.wait_dma2 semaphore(%run_scoped3A : memref<!tpu.dma_semaphore, #tpu.memory_space<semaphore_mem>>) src(%dma_wait3A_364 : memref<32x1024xf32, #tpu.memory_space<hbm>>) dst(%dma_wait3A_362 : memref<32x1024xf32, #tpu.memory_space<vmem>>)
        tpu.yield
      }) : () -> ()
      %add3A_345 = arith.addi %add3A_62, %add3A_109 : i32
      %multiple_of3A_346 = tpu.assume_multiple %add3A_345, 8 : i32
      "tpu.region"() ({
        %run_scoped3A = tpu.sem_alloc : memref<!tpu.dma_semaphore, #tpu.memory_space<semaphore_mem>>
        %dma_start3A = arith.constant 0 : i32
        %dma_start3A_347 = arith.constant 0 : i32
        %dma_start3A_348 = tpu.memref_slice %arg7[%dma_start3A, %dma_start3A_347] : memref<96x1024xf32, #tpu.memory_space<vmem>> -> memref<32x1024xf32, #tpu.memory_space<vmem>>
        %dma_start3A_349 = arith.constant 0 : i32
        %dma_start3A_350 = tpu.memref_slice %arg5[%multiple_of3A_346, %dma_start3A_349] : memref<8704x1024xf32, #tpu.memory_space<hbm>> -> memref<32x1024xf32, #tpu.memory_space<hbm>>
        %dma_start3A_351 = arith.constant 0 : i32
        %dma_start3A_352 = tpu.memref_slice %arg5[%multiple_of3A_346, %dma_start3A_351] : memref<8704x1024xf32, #tpu.memory_space<hbm>> -> memref<32x1024xf32, #tpu.memory_space<hbm>>
        %dma_start3A_353 = arith.constant 0 : i32
        %dma_start3A_354 = arith.constant 0 : i32
        %dma_start3A_355 = tpu.memref_slice %arg7[%dma_start3A_353, %dma_start3A_354] : memref<96x1024xf32, #tpu.memory_space<vmem>> -> memref<32x1024xf32, #tpu.memory_space<vmem>>
        tpu.enqueue_dma source(%dma_start3A_355 : memref<32x1024xf32, #tpu.memory_space<vmem>>) target(%dma_start3A_352 : memref<32x1024xf32, #tpu.memory_space<hbm>>) target_semaphore(%run_scoped3A : memref<!tpu.dma_semaphore, #tpu.memory_space<semaphore_mem>>)
        %dma_wait3A = arith.constant 0 : i32
        %dma_wait3A_356 = arith.constant 0 : i32
        %dma_wait3A_357 = tpu.memref_slice %arg7[%dma_wait3A, %dma_wait3A_356] : memref<96x1024xf32, #tpu.memory_space<vmem>> -> memref<32x1024xf32, #tpu.memory_space<vmem>>
        %dma_wait3A_358 = arith.constant 0 : i32
        %dma_wait3A_359 = tpu.memref_slice %arg5[%multiple_of3A_346, %dma_wait3A_358] : memref<8704x1024xf32, #tpu.memory_space<hbm>> -> memref<32x1024xf32, #tpu.memory_space<hbm>>
        %dma_wait3A_360 = arith.constant 0 : i32
        %dma_wait3A_361 = tpu.memref_slice %arg5[%multiple_of3A_346, %dma_wait3A_360] : memref<8704x1024xf32, #tpu.memory_space<hbm>> -> memref<32x1024xf32, #tpu.memory_space<hbm>>
        %dma_wait3A_362 = arith.constant 0 : i32
        %dma_wait3A_363 = arith.constant 0 : i32
        %dma_wait3A_364 = tpu.memref_slice %arg7[%dma_wait3A_362, %dma_wait3A_363] : memref<96x1024xf32, #tpu.memory_space<vmem>> -> memref<32x1024xf32, #tpu.memory_space<vmem>>
        tpu.wait_dma2 semaphore(%run_scoped3A : memref<!tpu.dma_semaphore, #tpu.memory_space<semaphore_mem>>) src(%dma_wait3A_364 : memref<32x1024xf32, #tpu.memory_space<vmem>>) dst(%dma_wait3A_361 : memref<32x1024xf32, #tpu.memory_space<hbm>>)
        tpu.yield
      }) : () -> ()
    } else {
    }
    %and3A_117 = arith.constant -32 : i32
    %and3A_118 = arith.andi %sub3A_96, %and3A_117 : i32
    %add3A_119 = arith.addi %mul3A_95, %and3A_118 : i32
    %and3A_120 = arith.constant 16 : i32
    %and3A_121 = arith.andi %sub3A_96, %and3A_120 : i32
    %ne3A_122 = arith.constant 0 : i32
    %ne3A_123 = arith.cmpi ne, %and3A_121, %ne3A_122 : i32
    %convert_element_type3A_124 = arith.extui %ne3A_123 : i1 to i32
    %cond3A_125 = arith.constant 0 : i32
    %cond3A_126 = arith.cmpi ne, %convert_element_type3A_124, %cond3A_125 : i32
    scf.if %cond3A_126 {
      %add3A_344 = arith.addi %add3A_61, %add3A_119 : i32
      %multiple_of3A = tpu.assume_multiple %add3A_344, 8 : i32
      "tpu.region"() ({
        %run_scoped3A = tpu.sem_alloc : memref<!tpu.dma_semaphore, #tpu.memory_space<semaphore_mem>>
        %dma_start3A = arith.constant 0 : i32
        %dma_start3A_347 = arith.constant 0 : i32
        %dma_start3A_348 = tpu.memref_slice %arg7[%dma_start3A, %dma_start3A_347] : memref<96x1024xf32, #tpu.memory_space<vmem>> -> memref<16x1024xf32, #tpu.memory_space<vmem>>
        %dma_start3A_349 = arith.constant 0 : i32
        %dma_start3A_350 = tpu.memref_slice %arg2[%multiple_of3A, %dma_start3A_349] : memref<8192x1024xf32, #tpu.memory_space<hbm>> -> memref<16x1024xf32, #tpu.memory_space<hbm>>
        %dma_start3A_351 = arith.constant 0 : i32
        %dma_start3A_352 = arith.constant 0 : i32
        %dma_start3A_353 = tpu.memref_slice %arg7[%dma_start3A_351, %dma_start3A_352] : memref<96x1024xf32, #tpu.memory_space<vmem>> -> memref<16x1024xf32, #tpu.memory_space<vmem>>
        %dma_start3A_354 = arith.constant 0 : i32
        %dma_start3A_355 = tpu.memref_slice %arg2[%multiple_of3A, %dma_start3A_354] : memref<8192x1024xf32, #tpu.memory_space<hbm>> -> memref<16x1024xf32, #tpu.memory_space<hbm>>
        tpu.enqueue_dma source(%dma_start3A_355 : memref<16x1024xf32, #tpu.memory_space<hbm>>) target(%dma_start3A_353 : memref<16x1024xf32, #tpu.memory_space<vmem>>) target_semaphore(%run_scoped3A : memref<!tpu.dma_semaphore, #tpu.memory_space<semaphore_mem>>)
        %dma_wait3A = arith.constant 0 : i32
        %dma_wait3A_356 = arith.constant 0 : i32
        %dma_wait3A_357 = tpu.memref_slice %arg7[%dma_wait3A, %dma_wait3A_356] : memref<96x1024xf32, #tpu.memory_space<vmem>> -> memref<16x1024xf32, #tpu.memory_space<vmem>>
        %dma_wait3A_358 = arith.constant 0 : i32
        %dma_wait3A_359 = tpu.memref_slice %arg2[%multiple_of3A, %dma_wait3A_358] : memref<8192x1024xf32, #tpu.memory_space<hbm>> -> memref<16x1024xf32, #tpu.memory_space<hbm>>
        %dma_wait3A_360 = arith.constant 0 : i32
        %dma_wait3A_361 = arith.constant 0 : i32
        %dma_wait3A_362 = tpu.memref_slice %arg7[%dma_wait3A_360, %dma_wait3A_361] : memref<96x1024xf32, #tpu.memory_space<vmem>> -> memref<16x1024xf32, #tpu.memory_space<vmem>>
        %dma_wait3A_363 = arith.constant 0 : i32
        %dma_wait3A_364 = tpu.memref_slice %arg2[%multiple_of3A, %dma_wait3A_363] : memref<8192x1024xf32, #tpu.memory_space<hbm>> -> memref<16x1024xf32, #tpu.memory_space<hbm>>
        tpu.wait_dma2 semaphore(%run_scoped3A : memref<!tpu.dma_semaphore, #tpu.memory_space<semaphore_mem>>) src(%dma_wait3A_364 : memref<16x1024xf32, #tpu.memory_space<hbm>>) dst(%dma_wait3A_362 : memref<16x1024xf32, #tpu.memory_space<vmem>>)
        tpu.yield
      }) : () -> ()
      %add3A_345 = arith.addi %add3A_62, %add3A_119 : i32
      %multiple_of3A_346 = tpu.assume_multiple %add3A_345, 8 : i32
      "tpu.region"() ({
        %run_scoped3A = tpu.sem_alloc : memref<!tpu.dma_semaphore, #tpu.memory_space<semaphore_mem>>
        %dma_start3A = arith.constant 0 : i32
        %dma_start3A_347 = arith.constant 0 : i32
        %dma_start3A_348 = tpu.memref_slice %arg7[%dma_start3A, %dma_start3A_347] : memref<96x1024xf32, #tpu.memory_space<vmem>> -> memref<16x1024xf32, #tpu.memory_space<vmem>>
        %dma_start3A_349 = arith.constant 0 : i32
        %dma_start3A_350 = tpu.memref_slice %arg5[%multiple_of3A_346, %dma_start3A_349] : memref<8704x1024xf32, #tpu.memory_space<hbm>> -> memref<16x1024xf32, #tpu.memory_space<hbm>>
        %dma_start3A_351 = arith.constant 0 : i32
        %dma_start3A_352 = tpu.memref_slice %arg5[%multiple_of3A_346, %dma_start3A_351] : memref<8704x1024xf32, #tpu.memory_space<hbm>> -> memref<16x1024xf32, #tpu.memory_space<hbm>>
        %dma_start3A_353 = arith.constant 0 : i32
        %dma_start3A_354 = arith.constant 0 : i32
        %dma_start3A_355 = tpu.memref_slice %arg7[%dma_start3A_353, %dma_start3A_354] : memref<96x1024xf32, #tpu.memory_space<vmem>> -> memref<16x1024xf32, #tpu.memory_space<vmem>>
        tpu.enqueue_dma source(%dma_start3A_355 : memref<16x1024xf32, #tpu.memory_space<vmem>>) target(%dma_start3A_352 : memref<16x1024xf32, #tpu.memory_space<hbm>>) target_semaphore(%run_scoped3A : memref<!tpu.dma_semaphore, #tpu.memory_space<semaphore_mem>>)
        %dma_wait3A = arith.constant 0 : i32
        %dma_wait3A_356 = arith.constant 0 : i32
        %dma_wait3A_357 = tpu.memref_slice %arg7[%dma_wait3A, %dma_wait3A_356] : memref<96x1024xf32, #tpu.memory_space<vmem>> -> memref<16x1024xf32, #tpu.memory_space<vmem>>
        %dma_wait3A_358 = arith.constant 0 : i32
        %dma_wait3A_359 = tpu.memref_slice %arg5[%multiple_of3A_346, %dma_wait3A_358] : memref<8704x1024xf32, #tpu.memory_space<hbm>> -> memref<16x1024xf32, #tpu.memory_space<hbm>>
        %dma_wait3A_360 = arith.constant 0 : i32
        %dma_wait3A_361 = tpu.memref_slice %arg5[%multiple_of3A_346, %dma_wait3A_360] : memref<8704x1024xf32, #tpu.memory_space<hbm>> -> memref<16x1024xf32, #tpu.memory_space<hbm>>
        %dma_wait3A_362 = arith.constant 0 : i32
        %dma_wait3A_363 = arith.constant 0 : i32
        %dma_wait3A_364 = tpu.memref_slice %arg7[%dma_wait3A_362, %dma_wait3A_363] : memref<96x1024xf32, #tpu.memory_space<vmem>> -> memref<16x1024xf32, #tpu.memory_space<vmem>>
        tpu.wait_dma2 semaphore(%run_scoped3A : memref<!tpu.dma_semaphore, #tpu.memory_space<semaphore_mem>>) src(%dma_wait3A_364 : memref<16x1024xf32, #tpu.memory_space<vmem>>) dst(%dma_wait3A_361 : memref<16x1024xf32, #tpu.memory_space<hbm>>)
        tpu.yield
      }) : () -> ()
    } else {
    }
    %and3A_127 = arith.constant -16 : i32
    %and3A_128 = arith.andi %sub3A_96, %and3A_127 : i32
    %add3A_129 = arith.addi %mul3A_95, %and3A_128 : i32
    %and3A_130 = arith.constant 8 : i32
    %and3A_131 = arith.andi %sub3A_96, %and3A_130 : i32
    %ne3A_132 = arith.constant 0 : i32
    %ne3A_133 = arith.cmpi ne, %and3A_131, %ne3A_132 : i32
    %convert_element_type3A_134 = arith.extui %ne3A_133 : i1 to i32
    %cond3A_135 = arith.constant 0 : i32
    %cond3A_136 = arith.cmpi ne, %convert_element_type3A_134, %cond3A_135 : i32
    scf.if %cond3A_136 {
      %add3A_344 = arith.addi %add3A_61, %add3A_129 : i32
      %multiple_of3A = tpu.assume_multiple %add3A_344, 8 : i32
      "tpu.region"() ({
        %run_scoped3A = tpu.sem_alloc : memref<!tpu.dma_semaphore, #tpu.memory_space<semaphore_mem>>
        %dma_start3A = arith.constant 0 : i32
        %dma_start3A_347 = arith.constant 0 : i32
        %dma_start3A_348 = tpu.memref_slice %arg7[%dma_start3A, %dma_start3A_347] : memref<96x1024xf32, #tpu.memory_space<vmem>> -> memref<8x1024xf32, #tpu.memory_space<vmem>>
        %dma_start3A_349 = arith.constant 0 : i32
        %dma_start3A_350 = tpu.memref_slice %arg2[%multiple_of3A, %dma_start3A_349] : memref<8192x1024xf32, #tpu.memory_space<hbm>> -> memref<8x1024xf32, #tpu.memory_space<hbm>>
        %dma_start3A_351 = arith.constant 0 : i32
        %dma_start3A_352 = arith.constant 0 : i32
        %dma_start3A_353 = tpu.memref_slice %arg7[%dma_start3A_351, %dma_start3A_352] : memref<96x1024xf32, #tpu.memory_space<vmem>> -> memref<8x1024xf32, #tpu.memory_space<vmem>>
        %dma_start3A_354 = arith.constant 0 : i32
        %dma_start3A_355 = tpu.memref_slice %arg2[%multiple_of3A, %dma_start3A_354] : memref<8192x1024xf32, #tpu.memory_space<hbm>> -> memref<8x1024xf32, #tpu.memory_space<hbm>>
        tpu.enqueue_dma source(%dma_start3A_355 : memref<8x1024xf32, #tpu.memory_space<hbm>>) target(%dma_start3A_353 : memref<8x1024xf32, #tpu.memory_space<vmem>>) target_semaphore(%run_scoped3A : memref<!tpu.dma_semaphore, #tpu.memory_space<semaphore_mem>>)
        %dma_wait3A = arith.constant 0 : i32
        %dma_wait3A_356 = arith.constant 0 : i32
        %dma_wait3A_357 = tpu.memref_slice %arg7[%dma_wait3A, %dma_wait3A_356] : memref<96x1024xf32, #tpu.memory_space<vmem>> -> memref<8x1024xf32, #tpu.memory_space<vmem>>
        %dma_wait3A_358 = arith.constant 0 : i32
        %dma_wait3A_359 = tpu.memref_slice %arg2[%multiple_of3A, %dma_wait3A_358] : memref<8192x1024xf32, #tpu.memory_space<hbm>> -> memref<8x1024xf32, #tpu.memory_space<hbm>>
        %dma_wait3A_360 = arith.constant 0 : i32
        %dma_wait3A_361 = arith.constant 0 : i32
        %dma_wait3A_362 = tpu.memref_slice %arg7[%dma_wait3A_360, %dma_wait3A_361] : memref<96x1024xf32, #tpu.memory_space<vmem>> -> memref<8x1024xf32, #tpu.memory_space<vmem>>
        %dma_wait3A_363 = arith.constant 0 : i32
        %dma_wait3A_364 = tpu.memref_slice %arg2[%multiple_of3A, %dma_wait3A_363] : memref<8192x1024xf32, #tpu.memory_space<hbm>> -> memref<8x1024xf32, #tpu.memory_space<hbm>>
        tpu.wait_dma2 semaphore(%run_scoped3A : memref<!tpu.dma_semaphore, #tpu.memory_space<semaphore_mem>>) src(%dma_wait3A_364 : memref<8x1024xf32, #tpu.memory_space<hbm>>) dst(%dma_wait3A_362 : memref<8x1024xf32, #tpu.memory_space<vmem>>)
        tpu.yield
      }) : () -> ()
      %add3A_345 = arith.addi %add3A_62, %add3A_129 : i32
      %multiple_of3A_346 = tpu.assume_multiple %add3A_345, 8 : i32
      "tpu.region"() ({
        %run_scoped3A = tpu.sem_alloc : memref<!tpu.dma_semaphore, #tpu.memory_space<semaphore_mem>>
        %dma_start3A = arith.constant 0 : i32
        %dma_start3A_347 = arith.constant 0 : i32
        %dma_start3A_348 = tpu.memref_slice %arg7[%dma_start3A, %dma_start3A_347] : memref<96x1024xf32, #tpu.memory_space<vmem>> -> memref<8x1024xf32, #tpu.memory_space<vmem>>
        %dma_start3A_349 = arith.constant 0 : i32
        %dma_start3A_350 = tpu.memref_slice %arg5[%multiple_of3A_346, %dma_start3A_349] : memref<8704x1024xf32, #tpu.memory_space<hbm>> -> memref<8x1024xf32, #tpu.memory_space<hbm>>
        %dma_start3A_351 = arith.constant 0 : i32
        %dma_start3A_352 = tpu.memref_slice %arg5[%multiple_of3A_346, %dma_start3A_351] : memref<8704x1024xf32, #tpu.memory_space<hbm>> -> memref<8x1024xf32, #tpu.memory_space<hbm>>
        %dma_start3A_353 = arith.constant 0 : i32
        %dma_start3A_354 = arith.constant 0 : i32
        %dma_start3A_355 = tpu.memref_slice %arg7[%dma_start3A_353, %dma_start3A_354] : memref<96x1024xf32, #tpu.memory_space<vmem>> -> memref<8x1024xf32, #tpu.memory_space<vmem>>
        tpu.enqueue_dma source(%dma_start3A_355 : memref<8x1024xf32, #tpu.memory_space<vmem>>) target(%dma_start3A_352 : memref<8x1024xf32, #tpu.memory_space<hbm>>) target_semaphore(%run_scoped3A : memref<!tpu.dma_semaphore, #tpu.memory_space<semaphore_mem>>)
        %dma_wait3A = arith.constant 0 : i32
        %dma_wait3A_356 = arith.constant 0 : i32
        %dma_wait3A_357 = tpu.memref_slice %arg7[%dma_wait3A, %dma_wait3A_356] : memref<96x1024xf32, #tpu.memory_space<vmem>> -> memref<8x1024xf32, #tpu.memory_space<vmem>>
        %dma_wait3A_358 = arith.constant 0 : i32
        %dma_wait3A_359 = tpu.memref_slice %arg5[%multiple_of3A_346, %dma_wait3A_358] : memref<8704x1024xf32, #tpu.memory_space<hbm>> -> memref<8x1024xf32, #tpu.memory_space<hbm>>
        %dma_wait3A_360 = arith.constant 0 : i32
        %dma_wait3A_361 = tpu.memref_slice %arg5[%multiple_of3A_346, %dma_wait3A_360] : memref<8704x1024xf32, #tpu.memory_space<hbm>> -> memref<8x1024xf32, #tpu.memory_space<hbm>>
        %dma_wait3A_362 = arith.constant 0 : i32
        %dma_wait3A_363 = arith.constant 0 : i32
        %dma_wait3A_364 = tpu.memref_slice %arg7[%dma_wait3A_362, %dma_wait3A_363] : memref<96x1024xf32, #tpu.memory_space<vmem>> -> memref<8x1024xf32, #tpu.memory_space<vmem>>
        tpu.wait_dma2 semaphore(%run_scoped3A : memref<!tpu.dma_semaphore, #tpu.memory_space<semaphore_mem>>) src(%dma_wait3A_364 : memref<8x1024xf32, #tpu.memory_space<vmem>>) dst(%dma_wait3A_361 : memref<8x1024xf32, #tpu.memory_space<hbm>>)
        tpu.yield
      }) : () -> ()
    } else {
    }
    %gt3A = arith.constant 0 : i32
    %gt3A_137 = arith.cmpi sgt, %select_n3A_50, %gt3A : i32
    %jit3A_138 = arith.constant 8 : i32
    %jit3A_139 = arith.constant 0 : i32
    %select_n3A_140 = arith.select %gt3A_137, %jit3A_138, %jit3A_139 : i32
    %add3A_141 = arith.addi %sub3A_51, %select_n3A_140 : i32
    %add3A_142 = arith.constant 272 : i32
    %add3A_143 = arith.addi %mul3A_32, %add3A_142 : i32
    %max3A_144 = arith.maxsi %mul3A_32, %add3A_141 : i32
    %min3A_145 = arith.minsi %add3A_143, %max3A_144 : i32
    %add3A_146 = arith.constant 272 : i32
    %add3A_147 = arith.addi %mul3A_32, %add3A_146 : i32
    %max3A_148 = arith.maxsi %mul3A_32, %add3A_53 : i32
    %min3A_149 = arith.minsi %add3A_147, %max3A_148 : i32
    %sub3A_150 = arith.subi %min3A_145, %sub3A_51 : i32
    %add3A_151 = arith.addi %mul3A_55, %min3A_145 : i32
    %sub3A_152 = arith.subi %min3A_149, %min3A_145 : i32
    %ge3A_153 = arith.constant 96 : i32
    %ge3A_154 = arith.cmpi sge, %sub3A_152, %ge3A_153 : i32
    %convert_element_type3A_155 = arith.extui %ge3A_154 : i1 to i32
    %cond3A_156 = arith.constant 0 : i32
    %cond3A_157 = arith.cmpi ne, %convert_element_type3A_155, %cond3A_156 : i32
    scf.if %cond3A_157 {
      %add3A_344 = arith.constant 0 : i32
      %add3A_345 = arith.addi %sub3A_150, %add3A_344 : i32
      %multiple_of3A = tpu.assume_multiple %add3A_345, 8 : i32
      "tpu.region"() ({
        %run_scoped3A = tpu.sem_alloc : memref<!tpu.dma_semaphore, #tpu.memory_space<semaphore_mem>>
        %dma_start3A = arith.constant 0 : i32
        %dma_start3A_349 = arith.constant 0 : i32
        %dma_start3A_350 = tpu.memref_slice %arg7[%dma_start3A, %dma_start3A_349] : memref<96x1024xf32, #tpu.memory_space<vmem>> -> memref<96x1024xf32, #tpu.memory_space<vmem>>
        %dma_start3A_351 = arith.constant 0 : i32
        %dma_start3A_352 = arith.constant 0 : i32
        %dma_start3A_353 = tpu.memref_slice %arg4[%select_n3A, %dma_start3A_351, %dma_start3A_352] : memref<4x416x1024xf32, #tpu.memory_space<hbm>> -> memref<1x416x1024xf32, #tpu.memory_space<hbm>>
        %dma_start3A_354 = tpu.memref_squeeze %dma_start3A_353 : memref<1x416x1024xf32, #tpu.memory_space<hbm>> -> memref<416x1024xf32, #tpu.memory_space<hbm>>
        %dma_start3A_355 = arith.constant 0 : i32
        %dma_start3A_356 = tpu.memref_slice %dma_start3A_354[%multiple_of3A, %dma_start3A_355] : memref<416x1024xf32, #tpu.memory_space<hbm>> -> memref<96x1024xf32, #tpu.memory_space<hbm>>
        %dma_start3A_357 = arith.constant 0 : i32
        %dma_start3A_358 = arith.constant 0 : i32
        %dma_start3A_359 = tpu.memref_slice %arg7[%dma_start3A_357, %dma_start3A_358] : memref<96x1024xf32, #tpu.memory_space<vmem>> -> memref<96x1024xf32, #tpu.memory_space<vmem>>
        %dma_start3A_360 = arith.constant 0 : i32
        %dma_start3A_361 = arith.constant 0 : i32
        %dma_start3A_362 = tpu.memref_slice %arg4[%select_n3A, %dma_start3A_360, %dma_start3A_361] : memref<4x416x1024xf32, #tpu.memory_space<hbm>> -> memref<1x416x1024xf32, #tpu.memory_space<hbm>>
        %dma_start3A_363 = tpu.memref_squeeze %dma_start3A_362 : memref<1x416x1024xf32, #tpu.memory_space<hbm>> -> memref<416x1024xf32, #tpu.memory_space<hbm>>
        %dma_start3A_364 = arith.constant 0 : i32
        %dma_start3A_365 = tpu.memref_slice %dma_start3A_363[%multiple_of3A, %dma_start3A_364] : memref<416x1024xf32, #tpu.memory_space<hbm>> -> memref<96x1024xf32, #tpu.memory_space<hbm>>
        tpu.enqueue_dma source(%dma_start3A_365 : memref<96x1024xf32, #tpu.memory_space<hbm>>) target(%dma_start3A_359 : memref<96x1024xf32, #tpu.memory_space<vmem>>) target_semaphore(%run_scoped3A : memref<!tpu.dma_semaphore, #tpu.memory_space<semaphore_mem>>)
        %dma_wait3A = arith.constant 0 : i32
        %dma_wait3A_366 = arith.constant 0 : i32
        %dma_wait3A_367 = tpu.memref_slice %arg7[%dma_wait3A, %dma_wait3A_366] : memref<96x1024xf32, #tpu.memory_space<vmem>> -> memref<96x1024xf32, #tpu.memory_space<vmem>>
        %dma_wait3A_368 = arith.constant 0 : i32
        %dma_wait3A_369 = arith.constant 0 : i32
        %dma_wait3A_370 = tpu.memref_slice %arg4[%select_n3A, %dma_wait3A_368, %dma_wait3A_369] : memref<4x416x1024xf32, #tpu.memory_space<hbm>> -> memref<1x416x1024xf32, #tpu.memory_space<hbm>>
        %dma_wait3A_371 = tpu.memref_squeeze %dma_wait3A_370 : memref<1x416x1024xf32, #tpu.memory_space<hbm>> -> memref<416x1024xf32, #tpu.memory_space<hbm>>
        %dma_wait3A_372 = arith.constant 0 : i32
        %dma_wait3A_373 = tpu.memref_slice %dma_wait3A_371[%multiple_of3A, %dma_wait3A_372] : memref<416x1024xf32, #tpu.memory_space<hbm>> -> memref<96x1024xf32, #tpu.memory_space<hbm>>
        %dma_wait3A_374 = arith.constant 0 : i32
        %dma_wait3A_375 = arith.constant 0 : i32
        %dma_wait3A_376 = tpu.memref_slice %arg7[%dma_wait3A_374, %dma_wait3A_375] : memref<96x1024xf32, #tpu.memory_space<vmem>> -> memref<96x1024xf32, #tpu.memory_space<vmem>>
        %dma_wait3A_377 = arith.constant 0 : i32
        %dma_wait3A_378 = arith.constant 0 : i32
        %dma_wait3A_379 = tpu.memref_slice %arg4[%select_n3A, %dma_wait3A_377, %dma_wait3A_378] : memref<4x416x1024xf32, #tpu.memory_space<hbm>> -> memref<1x416x1024xf32, #tpu.memory_space<hbm>>
        %dma_wait3A_380 = tpu.memref_squeeze %dma_wait3A_379 : memref<1x416x1024xf32, #tpu.memory_space<hbm>> -> memref<416x1024xf32, #tpu.memory_space<hbm>>
        %dma_wait3A_381 = arith.constant 0 : i32
        %dma_wait3A_382 = tpu.memref_slice %dma_wait3A_380[%multiple_of3A, %dma_wait3A_381] : memref<416x1024xf32, #tpu.memory_space<hbm>> -> memref<96x1024xf32, #tpu.memory_space<hbm>>
        tpu.wait_dma2 semaphore(%run_scoped3A : memref<!tpu.dma_semaphore, #tpu.memory_space<semaphore_mem>>) src(%dma_wait3A_382 : memref<96x1024xf32, #tpu.memory_space<hbm>>) dst(%dma_wait3A_376 : memref<96x1024xf32, #tpu.memory_space<vmem>>)
        tpu.yield
      }) : () -> ()
      %add3A_346 = arith.constant 0 : i32
      %add3A_347 = arith.addi %add3A_151, %add3A_346 : i32
      %multiple_of3A_348 = tpu.assume_multiple %add3A_347, 8 : i32
      "tpu.region"() ({
        %run_scoped3A = tpu.sem_alloc : memref<!tpu.dma_semaphore, #tpu.memory_space<semaphore_mem>>
        %dma_start3A = arith.constant 0 : i32
        %dma_start3A_349 = arith.constant 0 : i32
        %dma_start3A_350 = tpu.memref_slice %arg7[%dma_start3A, %dma_start3A_349] : memref<96x1024xf32, #tpu.memory_space<vmem>> -> memref<96x1024xf32, #tpu.memory_space<vmem>>
        %dma_start3A_351 = arith.constant 0 : i32
        %dma_start3A_352 = tpu.memref_slice %arg5[%multiple_of3A_348, %dma_start3A_351] : memref<8704x1024xf32, #tpu.memory_space<hbm>> -> memref<96x1024xf32, #tpu.memory_space<hbm>>
        %dma_start3A_353 = arith.constant 0 : i32
        %dma_start3A_354 = tpu.memref_slice %arg5[%multiple_of3A_348, %dma_start3A_353] : memref<8704x1024xf32, #tpu.memory_space<hbm>> -> memref<96x1024xf32, #tpu.memory_space<hbm>>
        %dma_start3A_355 = arith.constant 0 : i32
        %dma_start3A_356 = arith.constant 0 : i32
        %dma_start3A_357 = tpu.memref_slice %arg7[%dma_start3A_355, %dma_start3A_356] : memref<96x1024xf32, #tpu.memory_space<vmem>> -> memref<96x1024xf32, #tpu.memory_space<vmem>>
        tpu.enqueue_dma source(%dma_start3A_357 : memref<96x1024xf32, #tpu.memory_space<vmem>>) target(%dma_start3A_354 : memref<96x1024xf32, #tpu.memory_space<hbm>>) target_semaphore(%run_scoped3A : memref<!tpu.dma_semaphore, #tpu.memory_space<semaphore_mem>>)
        %dma_wait3A = arith.constant 0 : i32
        %dma_wait3A_358 = arith.constant 0 : i32
        %dma_wait3A_359 = tpu.memref_slice %arg7[%dma_wait3A, %dma_wait3A_358] : memref<96x1024xf32, #tpu.memory_space<vmem>> -> memref<96x1024xf32, #tpu.memory_space<vmem>>
        %dma_wait3A_360 = arith.constant 0 : i32
        %dma_wait3A_361 = tpu.memref_slice %arg5[%multiple_of3A_348, %dma_wait3A_360] : memref<8704x1024xf32, #tpu.memory_space<hbm>> -> memref<96x1024xf32, #tpu.memory_space<hbm>>
        %dma_wait3A_362 = arith.constant 0 : i32
        %dma_wait3A_363 = tpu.memref_slice %arg5[%multiple_of3A_348, %dma_wait3A_362] : memref<8704x1024xf32, #tpu.memory_space<hbm>> -> memref<96x1024xf32, #tpu.memory_space<hbm>>
        %dma_wait3A_364 = arith.constant 0 : i32
        %dma_wait3A_365 = arith.constant 0 : i32
        %dma_wait3A_366 = tpu.memref_slice %arg7[%dma_wait3A_364, %dma_wait3A_365] : memref<96x1024xf32, #tpu.memory_space<vmem>> -> memref<96x1024xf32, #tpu.memory_space<vmem>>
        tpu.wait_dma2 semaphore(%run_scoped3A : memref<!tpu.dma_semaphore, #tpu.memory_space<semaphore_mem>>) src(%dma_wait3A_366 : memref<96x1024xf32, #tpu.memory_space<vmem>>) dst(%dma_wait3A_363 : memref<96x1024xf32, #tpu.memory_space<hbm>>)
        tpu.yield
      }) : () -> ()
    } else {
    }
    %jit3A_158 = arith.constant 96 : i32
    %div3A_159 = arith.divsi %sub3A_152, %jit3A_158 : i32
    %sign3A_160 = arith.constant 0 : i32
    %sign3A_161 = arith.cmpi sgt, %sub3A_152, %sign3A_160 : i32
    %sign3A_162 = arith.extui %sign3A_161 : i1 to i32
    %sign3A_163 = arith.constant 0 : i32
    %sign3A_164 = arith.cmpi slt, %sub3A_152, %sign3A_163 : i32
    %sign3A_165 = arith.extui %sign3A_164 : i1 to i32
    %sign3A_166 = arith.subi %sign3A_162, %sign3A_165 : i32
    %sign3A_167 = arith.constant 0 : i32
    %sign3A_168 = arith.cmpi sgt, %jit3A_158, %sign3A_167 : i32
    %sign3A_169 = arith.extui %sign3A_168 : i1 to i32
    %sign3A_170 = arith.constant 0 : i32
    %sign3A_171 = arith.cmpi slt, %jit3A_158, %sign3A_170 : i32
    %sign3A_172 = arith.extui %sign3A_171 : i1 to i32
    %sign3A_173 = arith.subi %sign3A_169, %sign3A_172 : i32
    %ne3A_174 = arith.cmpi ne, %sign3A_166, %sign3A_173 : i32
    %rem3A_175 = arith.remsi %sub3A_152, %jit3A_158 : i32
    %ne3A_176 = arith.constant 0 : i32
    %ne3A_177 = arith.cmpi ne, %rem3A_175, %ne3A_176 : i32
    %and3A_178 = arith.andi %ne3A_174, %ne3A_177 : i1
    %sub3A_179 = arith.constant 1 : i32
    %sub3A_180 = arith.subi %div3A_159, %sub3A_179 : i32
    %select_n3A_181 = arith.select %and3A_178, %sub3A_180, %div3A_159 : i32
    %mul3A_182 = arith.constant 96 : i32
    %mul3A_183 = arith.muli %select_n3A_181, %mul3A_182 : i32
    %sub3A_184 = arith.subi %sub3A_152, %mul3A_183 : i32
    %and3A_185 = arith.constant -128 : i32
    %and3A_186 = arith.andi %sub3A_184, %and3A_185 : i32
    %add3A_187 = arith.addi %mul3A_183, %and3A_186 : i32
    %and3A_188 = arith.constant 64 : i32
    %and3A_189 = arith.andi %sub3A_184, %and3A_188 : i32
    %ne3A_190 = arith.constant 0 : i32
    %ne3A_191 = arith.cmpi ne, %and3A_189, %ne3A_190 : i32
    %convert_element_type3A_192 = arith.extui %ne3A_191 : i1 to i32
    %cond3A_193 = arith.constant 0 : i32
    %cond3A_194 = arith.cmpi ne, %convert_element_type3A_192, %cond3A_193 : i32
    scf.if %cond3A_194 {
      %add3A_344 = arith.addi %sub3A_150, %add3A_187 : i32
      %multiple_of3A = tpu.assume_multiple %add3A_344, 8 : i32
      "tpu.region"() ({
        %run_scoped3A = tpu.sem_alloc : memref<!tpu.dma_semaphore, #tpu.memory_space<semaphore_mem>>
        %dma_start3A = arith.constant 0 : i32
        %dma_start3A_347 = arith.constant 0 : i32
        %dma_start3A_348 = tpu.memref_slice %arg7[%dma_start3A, %dma_start3A_347] : memref<96x1024xf32, #tpu.memory_space<vmem>> -> memref<64x1024xf32, #tpu.memory_space<vmem>>
        %dma_start3A_349 = arith.constant 0 : i32
        %dma_start3A_350 = arith.constant 0 : i32
        %dma_start3A_351 = tpu.memref_slice %arg4[%select_n3A, %dma_start3A_349, %dma_start3A_350] : memref<4x416x1024xf32, #tpu.memory_space<hbm>> -> memref<1x416x1024xf32, #tpu.memory_space<hbm>>
        %dma_start3A_352 = tpu.memref_squeeze %dma_start3A_351 : memref<1x416x1024xf32, #tpu.memory_space<hbm>> -> memref<416x1024xf32, #tpu.memory_space<hbm>>
        %dma_start3A_353 = arith.constant 0 : i32
        %dma_start3A_354 = tpu.memref_slice %dma_start3A_352[%multiple_of3A, %dma_start3A_353] : memref<416x1024xf32, #tpu.memory_space<hbm>> -> memref<64x1024xf32, #tpu.memory_space<hbm>>
        %dma_start3A_355 = arith.constant 0 : i32
        %dma_start3A_356 = arith.constant 0 : i32
        %dma_start3A_357 = tpu.memref_slice %arg7[%dma_start3A_355, %dma_start3A_356] : memref<96x1024xf32, #tpu.memory_space<vmem>> -> memref<64x1024xf32, #tpu.memory_space<vmem>>
        %dma_start3A_358 = arith.constant 0 : i32
        %dma_start3A_359 = arith.constant 0 : i32
        %dma_start3A_360 = tpu.memref_slice %arg4[%select_n3A, %dma_start3A_358, %dma_start3A_359] : memref<4x416x1024xf32, #tpu.memory_space<hbm>> -> memref<1x416x1024xf32, #tpu.memory_space<hbm>>
        %dma_start3A_361 = tpu.memref_squeeze %dma_start3A_360 : memref<1x416x1024xf32, #tpu.memory_space<hbm>> -> memref<416x1024xf32, #tpu.memory_space<hbm>>
        %dma_start3A_362 = arith.constant 0 : i32
        %dma_start3A_363 = tpu.memref_slice %dma_start3A_361[%multiple_of3A, %dma_start3A_362] : memref<416x1024xf32, #tpu.memory_space<hbm>> -> memref<64x1024xf32, #tpu.memory_space<hbm>>
        tpu.enqueue_dma source(%dma_start3A_363 : memref<64x1024xf32, #tpu.memory_space<hbm>>) target(%dma_start3A_357 : memref<64x1024xf32, #tpu.memory_space<vmem>>) target_semaphore(%run_scoped3A : memref<!tpu.dma_semaphore, #tpu.memory_space<semaphore_mem>>)
        %dma_wait3A = arith.constant 0 : i32
        %dma_wait3A_364 = arith.constant 0 : i32
        %dma_wait3A_365 = tpu.memref_slice %arg7[%dma_wait3A, %dma_wait3A_364] : memref<96x1024xf32, #tpu.memory_space<vmem>> -> memref<64x1024xf32, #tpu.memory_space<vmem>>
        %dma_wait3A_366 = arith.constant 0 : i32
        %dma_wait3A_367 = arith.constant 0 : i32
        %dma_wait3A_368 = tpu.memref_slice %arg4[%select_n3A, %dma_wait3A_366, %dma_wait3A_367] : memref<4x416x1024xf32, #tpu.memory_space<hbm>> -> memref<1x416x1024xf32, #tpu.memory_space<hbm>>
        %dma_wait3A_369 = tpu.memref_squeeze %dma_wait3A_368 : memref<1x416x1024xf32, #tpu.memory_space<hbm>> -> memref<416x1024xf32, #tpu.memory_space<hbm>>
        %dma_wait3A_370 = arith.constant 0 : i32
        %dma_wait3A_371 = tpu.memref_slice %dma_wait3A_369[%multiple_of3A, %dma_wait3A_370] : memref<416x1024xf32, #tpu.memory_space<hbm>> -> memref<64x1024xf32, #tpu.memory_space<hbm>>
        %dma_wait3A_372 = arith.constant 0 : i32
        %dma_wait3A_373 = arith.constant 0 : i32
        %dma_wait3A_374 = tpu.memref_slice %arg7[%dma_wait3A_372, %dma_wait3A_373] : memref<96x1024xf32, #tpu.memory_space<vmem>> -> memref<64x1024xf32, #tpu.memory_space<vmem>>
        %dma_wait3A_375 = arith.constant 0 : i32
        %dma_wait3A_376 = arith.constant 0 : i32
        %dma_wait3A_377 = tpu.memref_slice %arg4[%select_n3A, %dma_wait3A_375, %dma_wait3A_376] : memref<4x416x1024xf32, #tpu.memory_space<hbm>> -> memref<1x416x1024xf32, #tpu.memory_space<hbm>>
        %dma_wait3A_378 = tpu.memref_squeeze %dma_wait3A_377 : memref<1x416x1024xf32, #tpu.memory_space<hbm>> -> memref<416x1024xf32, #tpu.memory_space<hbm>>
        %dma_wait3A_379 = arith.constant 0 : i32
        %dma_wait3A_380 = tpu.memref_slice %dma_wait3A_378[%multiple_of3A, %dma_wait3A_379] : memref<416x1024xf32, #tpu.memory_space<hbm>> -> memref<64x1024xf32, #tpu.memory_space<hbm>>
        tpu.wait_dma2 semaphore(%run_scoped3A : memref<!tpu.dma_semaphore, #tpu.memory_space<semaphore_mem>>) src(%dma_wait3A_380 : memref<64x1024xf32, #tpu.memory_space<hbm>>) dst(%dma_wait3A_374 : memref<64x1024xf32, #tpu.memory_space<vmem>>)
        tpu.yield
      }) : () -> ()
      %add3A_345 = arith.addi %add3A_151, %add3A_187 : i32
      %multiple_of3A_346 = tpu.assume_multiple %add3A_345, 8 : i32
      "tpu.region"() ({
        %run_scoped3A = tpu.sem_alloc : memref<!tpu.dma_semaphore, #tpu.memory_space<semaphore_mem>>
        %dma_start3A = arith.constant 0 : i32
        %dma_start3A_347 = arith.constant 0 : i32
        %dma_start3A_348 = tpu.memref_slice %arg7[%dma_start3A, %dma_start3A_347] : memref<96x1024xf32, #tpu.memory_space<vmem>> -> memref<64x1024xf32, #tpu.memory_space<vmem>>
        %dma_start3A_349 = arith.constant 0 : i32
        %dma_start3A_350 = tpu.memref_slice %arg5[%multiple_of3A_346, %dma_start3A_349] : memref<8704x1024xf32, #tpu.memory_space<hbm>> -> memref<64x1024xf32, #tpu.memory_space<hbm>>
        %dma_start3A_351 = arith.constant 0 : i32
        %dma_start3A_352 = tpu.memref_slice %arg5[%multiple_of3A_346, %dma_start3A_351] : memref<8704x1024xf32, #tpu.memory_space<hbm>> -> memref<64x1024xf32, #tpu.memory_space<hbm>>
        %dma_start3A_353 = arith.constant 0 : i32
        %dma_start3A_354 = arith.constant 0 : i32
        %dma_start3A_355 = tpu.memref_slice %arg7[%dma_start3A_353, %dma_start3A_354] : memref<96x1024xf32, #tpu.memory_space<vmem>> -> memref<64x1024xf32, #tpu.memory_space<vmem>>
        tpu.enqueue_dma source(%dma_start3A_355 : memref<64x1024xf32, #tpu.memory_space<vmem>>) target(%dma_start3A_352 : memref<64x1024xf32, #tpu.memory_space<hbm>>) target_semaphore(%run_scoped3A : memref<!tpu.dma_semaphore, #tpu.memory_space<semaphore_mem>>)
        %dma_wait3A = arith.constant 0 : i32
        %dma_wait3A_356 = arith.constant 0 : i32
        %dma_wait3A_357 = tpu.memref_slice %arg7[%dma_wait3A, %dma_wait3A_356] : memref<96x1024xf32, #tpu.memory_space<vmem>> -> memref<64x1024xf32, #tpu.memory_space<vmem>>
        %dma_wait3A_358 = arith.constant 0 : i32
        %dma_wait3A_359 = tpu.memref_slice %arg5[%multiple_of3A_346, %dma_wait3A_358] : memref<8704x1024xf32, #tpu.memory_space<hbm>> -> memref<64x1024xf32, #tpu.memory_space<hbm>>
        %dma_wait3A_360 = arith.constant 0 : i32
        %dma_wait3A_361 = tpu.memref_slice %arg5[%multiple_of3A_346, %dma_wait3A_360] : memref<8704x1024xf32, #tpu.memory_space<hbm>> -> memref<64x1024xf32, #tpu.memory_space<hbm>>
        %dma_wait3A_362 = arith.constant 0 : i32
        %dma_wait3A_363 = arith.constant 0 : i32
        %dma_wait3A_364 = tpu.memref_slice %arg7[%dma_wait3A_362, %dma_wait3A_363] : memref<96x1024xf32, #tpu.memory_space<vmem>> -> memref<64x1024xf32, #tpu.memory_space<vmem>>
        tpu.wait_dma2 semaphore(%run_scoped3A : memref<!tpu.dma_semaphore, #tpu.memory_space<semaphore_mem>>) src(%dma_wait3A_364 : memref<64x1024xf32, #tpu.memory_space<vmem>>) dst(%dma_wait3A_361 : memref<64x1024xf32, #tpu.memory_space<hbm>>)
        tpu.yield
      }) : () -> ()
    } else {
    }
    %and3A_195 = arith.constant -64 : i32
    %and3A_196 = arith.andi %sub3A_184, %and3A_195 : i32
    %add3A_197 = arith.addi %mul3A_183, %and3A_196 : i32
    %and3A_198 = arith.constant 32 : i32
    %and3A_199 = arith.andi %sub3A_184, %and3A_198 : i32
    %ne3A_200 = arith.constant 0 : i32
    %ne3A_201 = arith.cmpi ne, %and3A_199, %ne3A_200 : i32
    %convert_element_type3A_202 = arith.extui %ne3A_201 : i1 to i32
    %cond3A_203 = arith.constant 0 : i32
    %cond3A_204 = arith.cmpi ne, %convert_element_type3A_202, %cond3A_203 : i32
    scf.if %cond3A_204 {
      %add3A_344 = arith.addi %sub3A_150, %add3A_197 : i32
      %multiple_of3A = tpu.assume_multiple %add3A_344, 8 : i32
      "tpu.region"() ({
        %run_scoped3A = tpu.sem_alloc : memref<!tpu.dma_semaphore, #tpu.memory_space<semaphore_mem>>
        %dma_start3A = arith.constant 0 : i32
        %dma_start3A_347 = arith.constant 0 : i32
        %dma_start3A_348 = tpu.memref_slice %arg7[%dma_start3A, %dma_start3A_347] : memref<96x1024xf32, #tpu.memory_space<vmem>> -> memref<32x1024xf32, #tpu.memory_space<vmem>>
        %dma_start3A_349 = arith.constant 0 : i32
        %dma_start3A_350 = arith.constant 0 : i32
        %dma_start3A_351 = tpu.memref_slice %arg4[%select_n3A, %dma_start3A_349, %dma_start3A_350] : memref<4x416x1024xf32, #tpu.memory_space<hbm>> -> memref<1x416x1024xf32, #tpu.memory_space<hbm>>
        %dma_start3A_352 = tpu.memref_squeeze %dma_start3A_351 : memref<1x416x1024xf32, #tpu.memory_space<hbm>> -> memref<416x1024xf32, #tpu.memory_space<hbm>>
        %dma_start3A_353 = arith.constant 0 : i32
        %dma_start3A_354 = tpu.memref_slice %dma_start3A_352[%multiple_of3A, %dma_start3A_353] : memref<416x1024xf32, #tpu.memory_space<hbm>> -> memref<32x1024xf32, #tpu.memory_space<hbm>>
        %dma_start3A_355 = arith.constant 0 : i32
        %dma_start3A_356 = arith.constant 0 : i32
        %dma_start3A_357 = tpu.memref_slice %arg7[%dma_start3A_355, %dma_start3A_356] : memref<96x1024xf32, #tpu.memory_space<vmem>> -> memref<32x1024xf32, #tpu.memory_space<vmem>>
        %dma_start3A_358 = arith.constant 0 : i32
        %dma_start3A_359 = arith.constant 0 : i32
        %dma_start3A_360 = tpu.memref_slice %arg4[%select_n3A, %dma_start3A_358, %dma_start3A_359] : memref<4x416x1024xf32, #tpu.memory_space<hbm>> -> memref<1x416x1024xf32, #tpu.memory_space<hbm>>
        %dma_start3A_361 = tpu.memref_squeeze %dma_start3A_360 : memref<1x416x1024xf32, #tpu.memory_space<hbm>> -> memref<416x1024xf32, #tpu.memory_space<hbm>>
        %dma_start3A_362 = arith.constant 0 : i32
        %dma_start3A_363 = tpu.memref_slice %dma_start3A_361[%multiple_of3A, %dma_start3A_362] : memref<416x1024xf32, #tpu.memory_space<hbm>> -> memref<32x1024xf32, #tpu.memory_space<hbm>>
        tpu.enqueue_dma source(%dma_start3A_363 : memref<32x1024xf32, #tpu.memory_space<hbm>>) target(%dma_start3A_357 : memref<32x1024xf32, #tpu.memory_space<vmem>>) target_semaphore(%run_scoped3A : memref<!tpu.dma_semaphore, #tpu.memory_space<semaphore_mem>>)
        %dma_wait3A = arith.constant 0 : i32
        %dma_wait3A_364 = arith.constant 0 : i32
        %dma_wait3A_365 = tpu.memref_slice %arg7[%dma_wait3A, %dma_wait3A_364] : memref<96x1024xf32, #tpu.memory_space<vmem>> -> memref<32x1024xf32, #tpu.memory_space<vmem>>
        %dma_wait3A_366 = arith.constant 0 : i32
        %dma_wait3A_367 = arith.constant 0 : i32
        %dma_wait3A_368 = tpu.memref_slice %arg4[%select_n3A, %dma_wait3A_366, %dma_wait3A_367] : memref<4x416x1024xf32, #tpu.memory_space<hbm>> -> memref<1x416x1024xf32, #tpu.memory_space<hbm>>
        %dma_wait3A_369 = tpu.memref_squeeze %dma_wait3A_368 : memref<1x416x1024xf32, #tpu.memory_space<hbm>> -> memref<416x1024xf32, #tpu.memory_space<hbm>>
        %dma_wait3A_370 = arith.constant 0 : i32
        %dma_wait3A_371 = tpu.memref_slice %dma_wait3A_369[%multiple_of3A, %dma_wait3A_370] : memref<416x1024xf32, #tpu.memory_space<hbm>> -> memref<32x1024xf32, #tpu.memory_space<hbm>>
        %dma_wait3A_372 = arith.constant 0 : i32
        %dma_wait3A_373 = arith.constant 0 : i32
        %dma_wait3A_374 = tpu.memref_slice %arg7[%dma_wait3A_372, %dma_wait3A_373] : memref<96x1024xf32, #tpu.memory_space<vmem>> -> memref<32x1024xf32, #tpu.memory_space<vmem>>
        %dma_wait3A_375 = arith.constant 0 : i32
        %dma_wait3A_376 = arith.constant 0 : i32
        %dma_wait3A_377 = tpu.memref_slice %arg4[%select_n3A, %dma_wait3A_375, %dma_wait3A_376] : memref<4x416x1024xf32, #tpu.memory_space<hbm>> -> memref<1x416x1024xf32, #tpu.memory_space<hbm>>
        %dma_wait3A_378 = tpu.memref_squeeze %dma_wait3A_377 : memref<1x416x1024xf32, #tpu.memory_space<hbm>> -> memref<416x1024xf32, #tpu.memory_space<hbm>>
        %dma_wait3A_379 = arith.constant 0 : i32
        %dma_wait3A_380 = tpu.memref_slice %dma_wait3A_378[%multiple_of3A, %dma_wait3A_379] : memref<416x1024xf32, #tpu.memory_space<hbm>> -> memref<32x1024xf32, #tpu.memory_space<hbm>>
        tpu.wait_dma2 semaphore(%run_scoped3A : memref<!tpu.dma_semaphore, #tpu.memory_space<semaphore_mem>>) src(%dma_wait3A_380 : memref<32x1024xf32, #tpu.memory_space<hbm>>) dst(%dma_wait3A_374 : memref<32x1024xf32, #tpu.memory_space<vmem>>)
        tpu.yield
      }) : () -> ()
      %add3A_345 = arith.addi %add3A_151, %add3A_197 : i32
      %multiple_of3A_346 = tpu.assume_multiple %add3A_345, 8 : i32
      "tpu.region"() ({
        %run_scoped3A = tpu.sem_alloc : memref<!tpu.dma_semaphore, #tpu.memory_space<semaphore_mem>>
        %dma_start3A = arith.constant 0 : i32
        %dma_start3A_347 = arith.constant 0 : i32
        %dma_start3A_348 = tpu.memref_slice %arg7[%dma_start3A, %dma_start3A_347] : memref<96x1024xf32, #tpu.memory_space<vmem>> -> memref<32x1024xf32, #tpu.memory_space<vmem>>
        %dma_start3A_349 = arith.constant 0 : i32
        %dma_start3A_350 = tpu.memref_slice %arg5[%multiple_of3A_346, %dma_start3A_349] : memref<8704x1024xf32, #tpu.memory_space<hbm>> -> memref<32x1024xf32, #tpu.memory_space<hbm>>
        %dma_start3A_351 = arith.constant 0 : i32
        %dma_start3A_352 = tpu.memref_slice %arg5[%multiple_of3A_346, %dma_start3A_351] : memref<8704x1024xf32, #tpu.memory_space<hbm>> -> memref<32x1024xf32, #tpu.memory_space<hbm>>
        %dma_start3A_353 = arith.constant 0 : i32
        %dma_start3A_354 = arith.constant 0 : i32
        %dma_start3A_355 = tpu.memref_slice %arg7[%dma_start3A_353, %dma_start3A_354] : memref<96x1024xf32, #tpu.memory_space<vmem>> -> memref<32x1024xf32, #tpu.memory_space<vmem>>
        tpu.enqueue_dma source(%dma_start3A_355 : memref<32x1024xf32, #tpu.memory_space<vmem>>) target(%dma_start3A_352 : memref<32x1024xf32, #tpu.memory_space<hbm>>) target_semaphore(%run_scoped3A : memref<!tpu.dma_semaphore, #tpu.memory_space<semaphore_mem>>)
        %dma_wait3A = arith.constant 0 : i32
        %dma_wait3A_356 = arith.constant 0 : i32
        %dma_wait3A_357 = tpu.memref_slice %arg7[%dma_wait3A, %dma_wait3A_356] : memref<96x1024xf32, #tpu.memory_space<vmem>> -> memref<32x1024xf32, #tpu.memory_space<vmem>>
        %dma_wait3A_358 = arith.constant 0 : i32
        %dma_wait3A_359 = tpu.memref_slice %arg5[%multiple_of3A_346, %dma_wait3A_358] : memref<8704x1024xf32, #tpu.memory_space<hbm>> -> memref<32x1024xf32, #tpu.memory_space<hbm>>
        %dma_wait3A_360 = arith.constant 0 : i32
        %dma_wait3A_361 = tpu.memref_slice %arg5[%multiple_of3A_346, %dma_wait3A_360] : memref<8704x1024xf32, #tpu.memory_space<hbm>> -> memref<32x1024xf32, #tpu.memory_space<hbm>>
        %dma_wait3A_362 = arith.constant 0 : i32
        %dma_wait3A_363 = arith.constant 0 : i32
        %dma_wait3A_364 = tpu.memref_slice %arg7[%dma_wait3A_362, %dma_wait3A_363] : memref<96x1024xf32, #tpu.memory_space<vmem>> -> memref<32x1024xf32, #tpu.memory_space<vmem>>
        tpu.wait_dma2 semaphore(%run_scoped3A : memref<!tpu.dma_semaphore, #tpu.memory_space<semaphore_mem>>) src(%dma_wait3A_364 : memref<32x1024xf32, #tpu.memory_space<vmem>>) dst(%dma_wait3A_361 : memref<32x1024xf32, #tpu.memory_space<hbm>>)
        tpu.yield
      }) : () -> ()
    } else {
    }
    %and3A_205 = arith.constant -32 : i32
    %and3A_206 = arith.andi %sub3A_184, %and3A_205 : i32
    %add3A_207 = arith.addi %mul3A_183, %and3A_206 : i32
    %and3A_208 = arith.constant 16 : i32
    %and3A_209 = arith.andi %sub3A_184, %and3A_208 : i32
    %ne3A_210 = arith.constant 0 : i32
    %ne3A_211 = arith.cmpi ne, %and3A_209, %ne3A_210 : i32
    %convert_element_type3A_212 = arith.extui %ne3A_211 : i1 to i32
    %cond3A_213 = arith.constant 0 : i32
    %cond3A_214 = arith.cmpi ne, %convert_element_type3A_212, %cond3A_213 : i32
    scf.if %cond3A_214 {
      %add3A_344 = arith.addi %sub3A_150, %add3A_207 : i32
      %multiple_of3A = tpu.assume_multiple %add3A_344, 8 : i32
      "tpu.region"() ({
        %run_scoped3A = tpu.sem_alloc : memref<!tpu.dma_semaphore, #tpu.memory_space<semaphore_mem>>
        %dma_start3A = arith.constant 0 : i32
        %dma_start3A_347 = arith.constant 0 : i32
        %dma_start3A_348 = tpu.memref_slice %arg7[%dma_start3A, %dma_start3A_347] : memref<96x1024xf32, #tpu.memory_space<vmem>> -> memref<16x1024xf32, #tpu.memory_space<vmem>>
        %dma_start3A_349 = arith.constant 0 : i32
        %dma_start3A_350 = arith.constant 0 : i32
        %dma_start3A_351 = tpu.memref_slice %arg4[%select_n3A, %dma_start3A_349, %dma_start3A_350] : memref<4x416x1024xf32, #tpu.memory_space<hbm>> -> memref<1x416x1024xf32, #tpu.memory_space<hbm>>
        %dma_start3A_352 = tpu.memref_squeeze %dma_start3A_351 : memref<1x416x1024xf32, #tpu.memory_space<hbm>> -> memref<416x1024xf32, #tpu.memory_space<hbm>>
        %dma_start3A_353 = arith.constant 0 : i32
        %dma_start3A_354 = tpu.memref_slice %dma_start3A_352[%multiple_of3A, %dma_start3A_353] : memref<416x1024xf32, #tpu.memory_space<hbm>> -> memref<16x1024xf32, #tpu.memory_space<hbm>>
        %dma_start3A_355 = arith.constant 0 : i32
        %dma_start3A_356 = arith.constant 0 : i32
        %dma_start3A_357 = tpu.memref_slice %arg7[%dma_start3A_355, %dma_start3A_356] : memref<96x1024xf32, #tpu.memory_space<vmem>> -> memref<16x1024xf32, #tpu.memory_space<vmem>>
        %dma_start3A_358 = arith.constant 0 : i32
        %dma_start3A_359 = arith.constant 0 : i32
        %dma_start3A_360 = tpu.memref_slice %arg4[%select_n3A, %dma_start3A_358, %dma_start3A_359] : memref<4x416x1024xf32, #tpu.memory_space<hbm>> -> memref<1x416x1024xf32, #tpu.memory_space<hbm>>
        %dma_start3A_361 = tpu.memref_squeeze %dma_start3A_360 : memref<1x416x1024xf32, #tpu.memory_space<hbm>> -> memref<416x1024xf32, #tpu.memory_space<hbm>>
        %dma_start3A_362 = arith.constant 0 : i32
        %dma_start3A_363 = tpu.memref_slice %dma_start3A_361[%multiple_of3A, %dma_start3A_362] : memref<416x1024xf32, #tpu.memory_space<hbm>> -> memref<16x1024xf32, #tpu.memory_space<hbm>>
        tpu.enqueue_dma source(%dma_start3A_363 : memref<16x1024xf32, #tpu.memory_space<hbm>>) target(%dma_start3A_357 : memref<16x1024xf32, #tpu.memory_space<vmem>>) target_semaphore(%run_scoped3A : memref<!tpu.dma_semaphore, #tpu.memory_space<semaphore_mem>>)
        %dma_wait3A = arith.constant 0 : i32
        %dma_wait3A_364 = arith.constant 0 : i32
        %dma_wait3A_365 = tpu.memref_slice %arg7[%dma_wait3A, %dma_wait3A_364] : memref<96x1024xf32, #tpu.memory_space<vmem>> -> memref<16x1024xf32, #tpu.memory_space<vmem>>
        %dma_wait3A_366 = arith.constant 0 : i32
        %dma_wait3A_367 = arith.constant 0 : i32
        %dma_wait3A_368 = tpu.memref_slice %arg4[%select_n3A, %dma_wait3A_366, %dma_wait3A_367] : memref<4x416x1024xf32, #tpu.memory_space<hbm>> -> memref<1x416x1024xf32, #tpu.memory_space<hbm>>
        %dma_wait3A_369 = tpu.memref_squeeze %dma_wait3A_368 : memref<1x416x1024xf32, #tpu.memory_space<hbm>> -> memref<416x1024xf32, #tpu.memory_space<hbm>>
        %dma_wait3A_370 = arith.constant 0 : i32
        %dma_wait3A_371 = tpu.memref_slice %dma_wait3A_369[%multiple_of3A, %dma_wait3A_370] : memref<416x1024xf32, #tpu.memory_space<hbm>> -> memref<16x1024xf32, #tpu.memory_space<hbm>>
        %dma_wait3A_372 = arith.constant 0 : i32
        %dma_wait3A_373 = arith.constant 0 : i32
        %dma_wait3A_374 = tpu.memref_slice %arg7[%dma_wait3A_372, %dma_wait3A_373] : memref<96x1024xf32, #tpu.memory_space<vmem>> -> memref<16x1024xf32, #tpu.memory_space<vmem>>
        %dma_wait3A_375 = arith.constant 0 : i32
        %dma_wait3A_376 = arith.constant 0 : i32
        %dma_wait3A_377 = tpu.memref_slice %arg4[%select_n3A, %dma_wait3A_375, %dma_wait3A_376] : memref<4x416x1024xf32, #tpu.memory_space<hbm>> -> memref<1x416x1024xf32, #tpu.memory_space<hbm>>
        %dma_wait3A_378 = tpu.memref_squeeze %dma_wait3A_377 : memref<1x416x1024xf32, #tpu.memory_space<hbm>> -> memref<416x1024xf32, #tpu.memory_space<hbm>>
        %dma_wait3A_379 = arith.constant 0 : i32
        %dma_wait3A_380 = tpu.memref_slice %dma_wait3A_378[%multiple_of3A, %dma_wait3A_379] : memref<416x1024xf32, #tpu.memory_space<hbm>> -> memref<16x1024xf32, #tpu.memory_space<hbm>>
        tpu.wait_dma2 semaphore(%run_scoped3A : memref<!tpu.dma_semaphore, #tpu.memory_space<semaphore_mem>>) src(%dma_wait3A_380 : memref<16x1024xf32, #tpu.memory_space<hbm>>) dst(%dma_wait3A_374 : memref<16x1024xf32, #tpu.memory_space<vmem>>)
        tpu.yield
      }) : () -> ()
      %add3A_345 = arith.addi %add3A_151, %add3A_207 : i32
      %multiple_of3A_346 = tpu.assume_multiple %add3A_345, 8 : i32
      "tpu.region"() ({
        %run_scoped3A = tpu.sem_alloc : memref<!tpu.dma_semaphore, #tpu.memory_space<semaphore_mem>>
        %dma_start3A = arith.constant 0 : i32
        %dma_start3A_347 = arith.constant 0 : i32
        %dma_start3A_348 = tpu.memref_slice %arg7[%dma_start3A, %dma_start3A_347] : memref<96x1024xf32, #tpu.memory_space<vmem>> -> memref<16x1024xf32, #tpu.memory_space<vmem>>
        %dma_start3A_349 = arith.constant 0 : i32
        %dma_start3A_350 = tpu.memref_slice %arg5[%multiple_of3A_346, %dma_start3A_349] : memref<8704x1024xf32, #tpu.memory_space<hbm>> -> memref<16x1024xf32, #tpu.memory_space<hbm>>
        %dma_start3A_351 = arith.constant 0 : i32
        %dma_start3A_352 = tpu.memref_slice %arg5[%multiple_of3A_346, %dma_start3A_351] : memref<8704x1024xf32, #tpu.memory_space<hbm>> -> memref<16x1024xf32, #tpu.memory_space<hbm>>
        %dma_start3A_353 = arith.constant 0 : i32
        %dma_start3A_354 = arith.constant 0 : i32
        %dma_start3A_355 = tpu.memref_slice %arg7[%dma_start3A_353, %dma_start3A_354] : memref<96x1024xf32, #tpu.memory_space<vmem>> -> memref<16x1024xf32, #tpu.memory_space<vmem>>
        tpu.enqueue_dma source(%dma_start3A_355 : memref<16x1024xf32, #tpu.memory_space<vmem>>) target(%dma_start3A_352 : memref<16x1024xf32, #tpu.memory_space<hbm>>) target_semaphore(%run_scoped3A : memref<!tpu.dma_semaphore, #tpu.memory_space<semaphore_mem>>)
        %dma_wait3A = arith.constant 0 : i32
        %dma_wait3A_356 = arith.constant 0 : i32
        %dma_wait3A_357 = tpu.memref_slice %arg7[%dma_wait3A, %dma_wait3A_356] : memref<96x1024xf32, #tpu.memory_space<vmem>> -> memref<16x1024xf32, #tpu.memory_space<vmem>>
        %dma_wait3A_358 = arith.constant 0 : i32
        %dma_wait3A_359 = tpu.memref_slice %arg5[%multiple_of3A_346, %dma_wait3A_358] : memref<8704x1024xf32, #tpu.memory_space<hbm>> -> memref<16x1024xf32, #tpu.memory_space<hbm>>
        %dma_wait3A_360 = arith.constant 0 : i32
        %dma_wait3A_361 = tpu.memref_slice %arg5[%multiple_of3A_346, %dma_wait3A_360] : memref<8704x1024xf32, #tpu.memory_space<hbm>> -> memref<16x1024xf32, #tpu.memory_space<hbm>>
        %dma_wait3A_362 = arith.constant 0 : i32
        %dma_wait3A_363 = arith.constant 0 : i32
        %dma_wait3A_364 = tpu.memref_slice %arg7[%dma_wait3A_362, %dma_wait3A_363] : memref<96x1024xf32, #tpu.memory_space<vmem>> -> memref<16x1024xf32, #tpu.memory_space<vmem>>
        tpu.wait_dma2 semaphore(%run_scoped3A : memref<!tpu.dma_semaphore, #tpu.memory_space<semaphore_mem>>) src(%dma_wait3A_364 : memref<16x1024xf32, #tpu.memory_space<vmem>>) dst(%dma_wait3A_361 : memref<16x1024xf32, #tpu.memory_space<hbm>>)
        tpu.yield
      }) : () -> ()
    } else {
    }
    %and3A_215 = arith.constant -16 : i32
    %and3A_216 = arith.andi %sub3A_184, %and3A_215 : i32
    %add3A_217 = arith.addi %mul3A_183, %and3A_216 : i32
    %and3A_218 = arith.constant 8 : i32
    %and3A_219 = arith.andi %sub3A_184, %and3A_218 : i32
    %ne3A_220 = arith.constant 0 : i32
    %ne3A_221 = arith.cmpi ne, %and3A_219, %ne3A_220 : i32
    %convert_element_type3A_222 = arith.extui %ne3A_221 : i1 to i32
    %cond3A_223 = arith.constant 0 : i32
    %cond3A_224 = arith.cmpi ne, %convert_element_type3A_222, %cond3A_223 : i32
    scf.if %cond3A_224 {
      %add3A_344 = arith.addi %sub3A_150, %add3A_217 : i32
      %multiple_of3A = tpu.assume_multiple %add3A_344, 8 : i32
      "tpu.region"() ({
        %run_scoped3A = tpu.sem_alloc : memref<!tpu.dma_semaphore, #tpu.memory_space<semaphore_mem>>
        %dma_start3A = arith.constant 0 : i32
        %dma_start3A_347 = arith.constant 0 : i32
        %dma_start3A_348 = tpu.memref_slice %arg7[%dma_start3A, %dma_start3A_347] : memref<96x1024xf32, #tpu.memory_space<vmem>> -> memref<8x1024xf32, #tpu.memory_space<vmem>>
        %dma_start3A_349 = arith.constant 0 : i32
        %dma_start3A_350 = arith.constant 0 : i32
        %dma_start3A_351 = tpu.memref_slice %arg4[%select_n3A, %dma_start3A_349, %dma_start3A_350] : memref<4x416x1024xf32, #tpu.memory_space<hbm>> -> memref<1x416x1024xf32, #tpu.memory_space<hbm>>
        %dma_start3A_352 = tpu.memref_squeeze %dma_start3A_351 : memref<1x416x1024xf32, #tpu.memory_space<hbm>> -> memref<416x1024xf32, #tpu.memory_space<hbm>>
        %dma_start3A_353 = arith.constant 0 : i32
        %dma_start3A_354 = tpu.memref_slice %dma_start3A_352[%multiple_of3A, %dma_start3A_353] : memref<416x1024xf32, #tpu.memory_space<hbm>> -> memref<8x1024xf32, #tpu.memory_space<hbm>>
        %dma_start3A_355 = arith.constant 0 : i32
        %dma_start3A_356 = arith.constant 0 : i32
        %dma_start3A_357 = tpu.memref_slice %arg7[%dma_start3A_355, %dma_start3A_356] : memref<96x1024xf32, #tpu.memory_space<vmem>> -> memref<8x1024xf32, #tpu.memory_space<vmem>>
        %dma_start3A_358 = arith.constant 0 : i32
        %dma_start3A_359 = arith.constant 0 : i32
        %dma_start3A_360 = tpu.memref_slice %arg4[%select_n3A, %dma_start3A_358, %dma_start3A_359] : memref<4x416x1024xf32, #tpu.memory_space<hbm>> -> memref<1x416x1024xf32, #tpu.memory_space<hbm>>
        %dma_start3A_361 = tpu.memref_squeeze %dma_start3A_360 : memref<1x416x1024xf32, #tpu.memory_space<hbm>> -> memref<416x1024xf32, #tpu.memory_space<hbm>>
        %dma_start3A_362 = arith.constant 0 : i32
        %dma_start3A_363 = tpu.memref_slice %dma_start3A_361[%multiple_of3A, %dma_start3A_362] : memref<416x1024xf32, #tpu.memory_space<hbm>> -> memref<8x1024xf32, #tpu.memory_space<hbm>>
        tpu.enqueue_dma source(%dma_start3A_363 : memref<8x1024xf32, #tpu.memory_space<hbm>>) target(%dma_start3A_357 : memref<8x1024xf32, #tpu.memory_space<vmem>>) target_semaphore(%run_scoped3A : memref<!tpu.dma_semaphore, #tpu.memory_space<semaphore_mem>>)
        %dma_wait3A = arith.constant 0 : i32
        %dma_wait3A_364 = arith.constant 0 : i32
        %dma_wait3A_365 = tpu.memref_slice %arg7[%dma_wait3A, %dma_wait3A_364] : memref<96x1024xf32, #tpu.memory_space<vmem>> -> memref<8x1024xf32, #tpu.memory_space<vmem>>
        %dma_wait3A_366 = arith.constant 0 : i32
        %dma_wait3A_367 = arith.constant 0 : i32
        %dma_wait3A_368 = tpu.memref_slice %arg4[%select_n3A, %dma_wait3A_366, %dma_wait3A_367] : memref<4x416x1024xf32, #tpu.memory_space<hbm>> -> memref<1x416x1024xf32, #tpu.memory_space<hbm>>
        %dma_wait3A_369 = tpu.memref_squeeze %dma_wait3A_368 : memref<1x416x1024xf32, #tpu.memory_space<hbm>> -> memref<416x1024xf32, #tpu.memory_space<hbm>>
        %dma_wait3A_370 = arith.constant 0 : i32
        %dma_wait3A_371 = tpu.memref_slice %dma_wait3A_369[%multiple_of3A, %dma_wait3A_370] : memref<416x1024xf32, #tpu.memory_space<hbm>> -> memref<8x1024xf32, #tpu.memory_space<hbm>>
        %dma_wait3A_372 = arith.constant 0 : i32
        %dma_wait3A_373 = arith.constant 0 : i32
        %dma_wait3A_374 = tpu.memref_slice %arg7[%dma_wait3A_372, %dma_wait3A_373] : memref<96x1024xf32, #tpu.memory_space<vmem>> -> memref<8x1024xf32, #tpu.memory_space<vmem>>
        %dma_wait3A_375 = arith.constant 0 : i32
        %dma_wait3A_376 = arith.constant 0 : i32
        %dma_wait3A_377 = tpu.memref_slice %arg4[%select_n3A, %dma_wait3A_375, %dma_wait3A_376] : memref<4x416x1024xf32, #tpu.memory_space<hbm>> -> memref<1x416x1024xf32, #tpu.memory_space<hbm>>
        %dma_wait3A_378 = tpu.memref_squeeze %dma_wait3A_377 : memref<1x416x1024xf32, #tpu.memory_space<hbm>> -> memref<416x1024xf32, #tpu.memory_space<hbm>>
        %dma_wait3A_379 = arith.constant 0 : i32
        %dma_wait3A_380 = tpu.memref_slice %dma_wait3A_378[%multiple_of3A, %dma_wait3A_379] : memref<416x1024xf32, #tpu.memory_space<hbm>> -> memref<8x1024xf32, #tpu.memory_space<hbm>>
        tpu.wait_dma2 semaphore(%run_scoped3A : memref<!tpu.dma_semaphore, #tpu.memory_space<semaphore_mem>>) src(%dma_wait3A_380 : memref<8x1024xf32, #tpu.memory_space<hbm>>) dst(%dma_wait3A_374 : memref<8x1024xf32, #tpu.memory_space<vmem>>)
        tpu.yield
      }) : () -> ()
      %add3A_345 = arith.addi %add3A_151, %add3A_217 : i32
      %multiple_of3A_346 = tpu.assume_multiple %add3A_345, 8 : i32
      "tpu.region"() ({
        %run_scoped3A = tpu.sem_alloc : memref<!tpu.dma_semaphore, #tpu.memory_space<semaphore_mem>>
        %dma_start3A = arith.constant 0 : i32
        %dma_start3A_347 = arith.constant 0 : i32
        %dma_start3A_348 = tpu.memref_slice %arg7[%dma_start3A, %dma_start3A_347] : memref<96x1024xf32, #tpu.memory_space<vmem>> -> memref<8x1024xf32, #tpu.memory_space<vmem>>
        %dma_start3A_349 = arith.constant 0 : i32
        %dma_start3A_350 = tpu.memref_slice %arg5[%multiple_of3A_346, %dma_start3A_349] : memref<8704x1024xf32, #tpu.memory_space<hbm>> -> memref<8x1024xf32, #tpu.memory_space<hbm>>
        %dma_start3A_351 = arith.constant 0 : i32
        %dma_start3A_352 = tpu.memref_slice %arg5[%multiple_of3A_346, %dma_start3A_351] : memref<8704x1024xf32, #tpu.memory_space<hbm>> -> memref<8x1024xf32, #tpu.memory_space<hbm>>
        %dma_start3A_353 = arith.constant 0 : i32
        %dma_start3A_354 = arith.constant 0 : i32
        %dma_start3A_355 = tpu.memref_slice %arg7[%dma_start3A_353, %dma_start3A_354] : memref<96x1024xf32, #tpu.memory_space<vmem>> -> memref<8x1024xf32, #tpu.memory_space<vmem>>
        tpu.enqueue_dma source(%dma_start3A_355 : memref<8x1024xf32, #tpu.memory_space<vmem>>) target(%dma_start3A_352 : memref<8x1024xf32, #tpu.memory_space<hbm>>) target_semaphore(%run_scoped3A : memref<!tpu.dma_semaphore, #tpu.memory_space<semaphore_mem>>)
        %dma_wait3A = arith.constant 0 : i32
        %dma_wait3A_356 = arith.constant 0 : i32
        %dma_wait3A_357 = tpu.memref_slice %arg7[%dma_wait3A, %dma_wait3A_356] : memref<96x1024xf32, #tpu.memory_space<vmem>> -> memref<8x1024xf32, #tpu.memory_space<vmem>>
        %dma_wait3A_358 = arith.constant 0 : i32
        %dma_wait3A_359 = tpu.memref_slice %arg5[%multiple_of3A_346, %dma_wait3A_358] : memref<8704x1024xf32, #tpu.memory_space<hbm>> -> memref<8x1024xf32, #tpu.memory_space<hbm>>
        %dma_wait3A_360 = arith.constant 0 : i32
        %dma_wait3A_361 = tpu.memref_slice %arg5[%multiple_of3A_346, %dma_wait3A_360] : memref<8704x1024xf32, #tpu.memory_space<hbm>> -> memref<8x1024xf32, #tpu.memory_space<hbm>>
        %dma_wait3A_362 = arith.constant 0 : i32
        %dma_wait3A_363 = arith.constant 0 : i32
        %dma_wait3A_364 = tpu.memref_slice %arg7[%dma_wait3A_362, %dma_wait3A_363] : memref<96x1024xf32, #tpu.memory_space<vmem>> -> memref<8x1024xf32, #tpu.memory_space<vmem>>
        tpu.wait_dma2 semaphore(%run_scoped3A : memref<!tpu.dma_semaphore, #tpu.memory_space<semaphore_mem>>) src(%dma_wait3A_364 : memref<8x1024xf32, #tpu.memory_space<vmem>>) dst(%dma_wait3A_361 : memref<8x1024xf32, #tpu.memory_space<hbm>>)
        tpu.yield
      }) : () -> ()
    } else {
    }
    %gt3A_225 = arith.constant 0 : i32
    %gt3A_226 = arith.cmpi sgt, %select_n3A_50, %gt3A_225 : i32
    %ge3A_227 = arith.cmpi sge, %add3A_53, %mul3A_32 : i32
    %and3A_228 = arith.andi %gt3A_226, %ge3A_227 : i1
    %add3A_229 = arith.constant 272 : i32
    %add3A_230 = arith.addi %mul3A_32, %add3A_229 : i32
    %lt3A_231 = arith.cmpi slt, %add3A_53, %add3A_230 : i32
    %and3A_232 = arith.andi %and3A_228, %lt3A_231 : i1
    %convert_element_type3A_233 = arith.extui %and3A_232 : i1 to i32
    %cond3A_234 = arith.constant 0 : i32
    %cond3A_235 = arith.cmpi ne, %convert_element_type3A_233, %cond3A_234 : i32
    scf.if %cond3A_235 {
      %add3A_344 = arith.addi %mul3A_55, %add3A_53 : i32
      %add3A_345 = arith.constant 128 : i32
      %add3A_346 = arith.constant 0 : i32
      %add3A_347 = arith.addi %add3A_345, %add3A_346 : i32
      %multiple_of3A = tpu.assume_multiple %add3A_347, 8 : i32
      "tpu.region"() ({
        %run_scoped3A = tpu.sem_alloc : memref<!tpu.dma_semaphore, #tpu.memory_space<semaphore_mem>>
        %dma_start3A = arith.constant 0 : i32
        %dma_start3A_351 = arith.constant 0 : i32
        %dma_start3A_352 = tpu.memref_slice %arg7[%dma_start3A, %dma_start3A_351] : memref<96x1024xf32, #tpu.memory_space<vmem>> -> memref<8x1024xf32, #tpu.memory_space<vmem>>
        %dma_start3A_353 = arith.constant 0 : i32
        %dma_start3A_354 = arith.constant 0 : i32
        %dma_start3A_355 = tpu.memref_slice %arg4[%select_n3A, %dma_start3A_353, %dma_start3A_354] : memref<4x416x1024xf32, #tpu.memory_space<hbm>> -> memref<1x416x1024xf32, #tpu.memory_space<hbm>>
        %dma_start3A_356 = tpu.memref_squeeze %dma_start3A_355 : memref<1x416x1024xf32, #tpu.memory_space<hbm>> -> memref<416x1024xf32, #tpu.memory_space<hbm>>
        %dma_start3A_357 = arith.constant 0 : i32
        %dma_start3A_358 = tpu.memref_slice %dma_start3A_356[%multiple_of3A, %dma_start3A_357] : memref<416x1024xf32, #tpu.memory_space<hbm>> -> memref<8x1024xf32, #tpu.memory_space<hbm>>
        %dma_start3A_359 = arith.constant 0 : i32
        %dma_start3A_360 = arith.constant 0 : i32
        %dma_start3A_361 = tpu.memref_slice %arg7[%dma_start3A_359, %dma_start3A_360] : memref<96x1024xf32, #tpu.memory_space<vmem>> -> memref<8x1024xf32, #tpu.memory_space<vmem>>
        %dma_start3A_362 = arith.constant 0 : i32
        %dma_start3A_363 = arith.constant 0 : i32
        %dma_start3A_364 = tpu.memref_slice %arg4[%select_n3A, %dma_start3A_362, %dma_start3A_363] : memref<4x416x1024xf32, #tpu.memory_space<hbm>> -> memref<1x416x1024xf32, #tpu.memory_space<hbm>>
        %dma_start3A_365 = tpu.memref_squeeze %dma_start3A_364 : memref<1x416x1024xf32, #tpu.memory_space<hbm>> -> memref<416x1024xf32, #tpu.memory_space<hbm>>
        %dma_start3A_366 = arith.constant 0 : i32
        %dma_start3A_367 = tpu.memref_slice %dma_start3A_365[%multiple_of3A, %dma_start3A_366] : memref<416x1024xf32, #tpu.memory_space<hbm>> -> memref<8x1024xf32, #tpu.memory_space<hbm>>
        tpu.enqueue_dma source(%dma_start3A_367 : memref<8x1024xf32, #tpu.memory_space<hbm>>) target(%dma_start3A_361 : memref<8x1024xf32, #tpu.memory_space<vmem>>) target_semaphore(%run_scoped3A : memref<!tpu.dma_semaphore, #tpu.memory_space<semaphore_mem>>)
        %dma_wait3A = arith.constant 0 : i32
        %dma_wait3A_368 = arith.constant 0 : i32
        %dma_wait3A_369 = tpu.memref_slice %arg7[%dma_wait3A, %dma_wait3A_368] : memref<96x1024xf32, #tpu.memory_space<vmem>> -> memref<8x1024xf32, #tpu.memory_space<vmem>>
        %dma_wait3A_370 = arith.constant 0 : i32
        %dma_wait3A_371 = arith.constant 0 : i32
        %dma_wait3A_372 = tpu.memref_slice %arg4[%select_n3A, %dma_wait3A_370, %dma_wait3A_371] : memref<4x416x1024xf32, #tpu.memory_space<hbm>> -> memref<1x416x1024xf32, #tpu.memory_space<hbm>>
        %dma_wait3A_373 = tpu.memref_squeeze %dma_wait3A_372 : memref<1x416x1024xf32, #tpu.memory_space<hbm>> -> memref<416x1024xf32, #tpu.memory_space<hbm>>
        %dma_wait3A_374 = arith.constant 0 : i32
        %dma_wait3A_375 = tpu.memref_slice %dma_wait3A_373[%multiple_of3A, %dma_wait3A_374] : memref<416x1024xf32, #tpu.memory_space<hbm>> -> memref<8x1024xf32, #tpu.memory_space<hbm>>
        %dma_wait3A_376 = arith.constant 0 : i32
        %dma_wait3A_377 = arith.constant 0 : i32
        %dma_wait3A_378 = tpu.memref_slice %arg7[%dma_wait3A_376, %dma_wait3A_377] : memref<96x1024xf32, #tpu.memory_space<vmem>> -> memref<8x1024xf32, #tpu.memory_space<vmem>>
        %dma_wait3A_379 = arith.constant 0 : i32
        %dma_wait3A_380 = arith.constant 0 : i32
        %dma_wait3A_381 = tpu.memref_slice %arg4[%select_n3A, %dma_wait3A_379, %dma_wait3A_380] : memref<4x416x1024xf32, #tpu.memory_space<hbm>> -> memref<1x416x1024xf32, #tpu.memory_space<hbm>>
        %dma_wait3A_382 = tpu.memref_squeeze %dma_wait3A_381 : memref<1x416x1024xf32, #tpu.memory_space<hbm>> -> memref<416x1024xf32, #tpu.memory_space<hbm>>
        %dma_wait3A_383 = arith.constant 0 : i32
        %dma_wait3A_384 = tpu.memref_slice %dma_wait3A_382[%multiple_of3A, %dma_wait3A_383] : memref<416x1024xf32, #tpu.memory_space<hbm>> -> memref<8x1024xf32, #tpu.memory_space<hbm>>
        tpu.wait_dma2 semaphore(%run_scoped3A : memref<!tpu.dma_semaphore, #tpu.memory_space<semaphore_mem>>) src(%dma_wait3A_384 : memref<8x1024xf32, #tpu.memory_space<hbm>>) dst(%dma_wait3A_378 : memref<8x1024xf32, #tpu.memory_space<vmem>>)
        tpu.yield
      }) : () -> ()
      %add3A_348 = arith.constant 0 : i32
      %add3A_349 = arith.addi %add3A_344, %add3A_348 : i32
      %multiple_of3A_350 = tpu.assume_multiple %add3A_349, 8 : i32
      "tpu.region"() ({
        %run_scoped3A = tpu.sem_alloc : memref<!tpu.dma_semaphore, #tpu.memory_space<semaphore_mem>>
        %dma_start3A = arith.constant 0 : i32
        %dma_start3A_351 = arith.constant 0 : i32
        %dma_start3A_352 = tpu.memref_slice %arg7[%dma_start3A, %dma_start3A_351] : memref<96x1024xf32, #tpu.memory_space<vmem>> -> memref<8x1024xf32, #tpu.memory_space<vmem>>
        %dma_start3A_353 = arith.constant 0 : i32
        %dma_start3A_354 = tpu.memref_slice %arg5[%multiple_of3A_350, %dma_start3A_353] : memref<8704x1024xf32, #tpu.memory_space<hbm>> -> memref<8x1024xf32, #tpu.memory_space<hbm>>
        %dma_start3A_355 = arith.constant 0 : i32
        %dma_start3A_356 = tpu.memref_slice %arg5[%multiple_of3A_350, %dma_start3A_355] : memref<8704x1024xf32, #tpu.memory_space<hbm>> -> memref<8x1024xf32, #tpu.memory_space<hbm>>
        %dma_start3A_357 = arith.constant 0 : i32
        %dma_start3A_358 = arith.constant 0 : i32
        %dma_start3A_359 = tpu.memref_slice %arg7[%dma_start3A_357, %dma_start3A_358] : memref<96x1024xf32, #tpu.memory_space<vmem>> -> memref<8x1024xf32, #tpu.memory_space<vmem>>
        tpu.enqueue_dma source(%dma_start3A_359 : memref<8x1024xf32, #tpu.memory_space<vmem>>) target(%dma_start3A_356 : memref<8x1024xf32, #tpu.memory_space<hbm>>) target_semaphore(%run_scoped3A : memref<!tpu.dma_semaphore, #tpu.memory_space<semaphore_mem>>)
        %dma_wait3A = arith.constant 0 : i32
        %dma_wait3A_360 = arith.constant 0 : i32
        %dma_wait3A_361 = tpu.memref_slice %arg7[%dma_wait3A, %dma_wait3A_360] : memref<96x1024xf32, #tpu.memory_space<vmem>> -> memref<8x1024xf32, #tpu.memory_space<vmem>>
        %dma_wait3A_362 = arith.constant 0 : i32
        %dma_wait3A_363 = tpu.memref_slice %arg5[%multiple_of3A_350, %dma_wait3A_362] : memref<8704x1024xf32, #tpu.memory_space<hbm>> -> memref<8x1024xf32, #tpu.memory_space<hbm>>
        %dma_wait3A_364 = arith.constant 0 : i32
        %dma_wait3A_365 = tpu.memref_slice %arg5[%multiple_of3A_350, %dma_wait3A_364] : memref<8704x1024xf32, #tpu.memory_space<hbm>> -> memref<8x1024xf32, #tpu.memory_space<hbm>>
        %dma_wait3A_366 = arith.constant 0 : i32
        %dma_wait3A_367 = arith.constant 0 : i32
        %dma_wait3A_368 = tpu.memref_slice %arg7[%dma_wait3A_366, %dma_wait3A_367] : memref<96x1024xf32, #tpu.memory_space<vmem>> -> memref<8x1024xf32, #tpu.memory_space<vmem>>
        tpu.wait_dma2 semaphore(%run_scoped3A : memref<!tpu.dma_semaphore, #tpu.memory_space<semaphore_mem>>) src(%dma_wait3A_368 : memref<8x1024xf32, #tpu.memory_space<vmem>>) dst(%dma_wait3A_365 : memref<8x1024xf32, #tpu.memory_space<hbm>>)
        tpu.yield
      }) : () -> ()
    } else {
    }
    %gt3A_236 = arith.constant 0 : i32
    %gt3A_237 = arith.cmpi sgt, %select_n3A_50, %gt3A_236 : i32
    %jit3A_238 = arith.constant 8 : i32
    %jit3A_239 = arith.constant 0 : i32
    %select_n3A_240 = arith.select %gt3A_237, %jit3A_238, %jit3A_239 : i32
    %add3A_241 = arith.addi %add3A_53, %select_n3A_240 : i32
    %add3A_242 = arith.constant 272 : i32
    %add3A_243 = arith.addi %mul3A_32, %add3A_242 : i32
    %max3A_244 = arith.maxsi %mul3A_32, %add3A_241 : i32
    %min3A_245 = arith.minsi %add3A_243, %max3A_244 : i32
    %add3A_246 = arith.addi %mul3A_55, %min3A_245 : i32
    %add3A_247 = arith.constant 272 : i32
    %add3A_248 = arith.addi %mul3A_32, %add3A_247 : i32
    %sub3A_249 = arith.subi %add3A_248, %min3A_245 : i32
    %ge3A_250 = arith.constant 96 : i32
    %ge3A_251 = arith.cmpi sge, %sub3A_249, %ge3A_250 : i32
    %convert_element_type3A_252 = arith.extui %ge3A_251 : i1 to i32
    %cond3A_253 = arith.constant 136 : i32
    %cond3A_254 = arith.constant 0 : i32
    %cond3A_255 = arith.cmpi ne, %convert_element_type3A_252, %cond3A_254 : i32
    scf.if %cond3A_255 {
      %add3A_344 = arith.constant 0 : i32
      %add3A_345 = arith.addi %cond3A_253, %add3A_344 : i32
      %multiple_of3A = tpu.assume_multiple %add3A_345, 8 : i32
      "tpu.region"() ({
        %run_scoped3A = tpu.sem_alloc : memref<!tpu.dma_semaphore, #tpu.memory_space<semaphore_mem>>
        %dma_start3A = arith.constant 0 : i32
        %dma_start3A_349 = arith.constant 0 : i32
        %dma_start3A_350 = tpu.memref_slice %arg7[%dma_start3A, %dma_start3A_349] : memref<96x1024xf32, #tpu.memory_space<vmem>> -> memref<96x1024xf32, #tpu.memory_space<vmem>>
        %dma_start3A_351 = arith.constant 0 : i32
        %dma_start3A_352 = arith.constant 0 : i32
        %dma_start3A_353 = tpu.memref_slice %arg4[%select_n3A, %dma_start3A_351, %dma_start3A_352] : memref<4x416x1024xf32, #tpu.memory_space<hbm>> -> memref<1x416x1024xf32, #tpu.memory_space<hbm>>
        %dma_start3A_354 = tpu.memref_squeeze %dma_start3A_353 : memref<1x416x1024xf32, #tpu.memory_space<hbm>> -> memref<416x1024xf32, #tpu.memory_space<hbm>>
        %dma_start3A_355 = arith.constant 0 : i32
        %dma_start3A_356 = tpu.memref_slice %dma_start3A_354[%multiple_of3A, %dma_start3A_355] : memref<416x1024xf32, #tpu.memory_space<hbm>> -> memref<96x1024xf32, #tpu.memory_space<hbm>>
        %dma_start3A_357 = arith.constant 0 : i32
        %dma_start3A_358 = arith.constant 0 : i32
        %dma_start3A_359 = tpu.memref_slice %arg7[%dma_start3A_357, %dma_start3A_358] : memref<96x1024xf32, #tpu.memory_space<vmem>> -> memref<96x1024xf32, #tpu.memory_space<vmem>>
        %dma_start3A_360 = arith.constant 0 : i32
        %dma_start3A_361 = arith.constant 0 : i32
        %dma_start3A_362 = tpu.memref_slice %arg4[%select_n3A, %dma_start3A_360, %dma_start3A_361] : memref<4x416x1024xf32, #tpu.memory_space<hbm>> -> memref<1x416x1024xf32, #tpu.memory_space<hbm>>
        %dma_start3A_363 = tpu.memref_squeeze %dma_start3A_362 : memref<1x416x1024xf32, #tpu.memory_space<hbm>> -> memref<416x1024xf32, #tpu.memory_space<hbm>>
        %dma_start3A_364 = arith.constant 0 : i32
        %dma_start3A_365 = tpu.memref_slice %dma_start3A_363[%multiple_of3A, %dma_start3A_364] : memref<416x1024xf32, #tpu.memory_space<hbm>> -> memref<96x1024xf32, #tpu.memory_space<hbm>>
        tpu.enqueue_dma source(%dma_start3A_365 : memref<96x1024xf32, #tpu.memory_space<hbm>>) target(%dma_start3A_359 : memref<96x1024xf32, #tpu.memory_space<vmem>>) target_semaphore(%run_scoped3A : memref<!tpu.dma_semaphore, #tpu.memory_space<semaphore_mem>>)
        %dma_wait3A = arith.constant 0 : i32
        %dma_wait3A_366 = arith.constant 0 : i32
        %dma_wait3A_367 = tpu.memref_slice %arg7[%dma_wait3A, %dma_wait3A_366] : memref<96x1024xf32, #tpu.memory_space<vmem>> -> memref<96x1024xf32, #tpu.memory_space<vmem>>
        %dma_wait3A_368 = arith.constant 0 : i32
        %dma_wait3A_369 = arith.constant 0 : i32
        %dma_wait3A_370 = tpu.memref_slice %arg4[%select_n3A, %dma_wait3A_368, %dma_wait3A_369] : memref<4x416x1024xf32, #tpu.memory_space<hbm>> -> memref<1x416x1024xf32, #tpu.memory_space<hbm>>
        %dma_wait3A_371 = tpu.memref_squeeze %dma_wait3A_370 : memref<1x416x1024xf32, #tpu.memory_space<hbm>> -> memref<416x1024xf32, #tpu.memory_space<hbm>>
        %dma_wait3A_372 = arith.constant 0 : i32
        %dma_wait3A_373 = tpu.memref_slice %dma_wait3A_371[%multiple_of3A, %dma_wait3A_372] : memref<416x1024xf32, #tpu.memory_space<hbm>> -> memref<96x1024xf32, #tpu.memory_space<hbm>>
        %dma_wait3A_374 = arith.constant 0 : i32
        %dma_wait3A_375 = arith.constant 0 : i32
        %dma_wait3A_376 = tpu.memref_slice %arg7[%dma_wait3A_374, %dma_wait3A_375] : memref<96x1024xf32, #tpu.memory_space<vmem>> -> memref<96x1024xf32, #tpu.memory_space<vmem>>
        %dma_wait3A_377 = arith.constant 0 : i32
        %dma_wait3A_378 = arith.constant 0 : i32
        %dma_wait3A_379 = tpu.memref_slice %arg4[%select_n3A, %dma_wait3A_377, %dma_wait3A_378] : memref<4x416x1024xf32, #tpu.memory_space<hbm>> -> memref<1x416x1024xf32, #tpu.memory_space<hbm>>
        %dma_wait3A_380 = tpu.memref_squeeze %dma_wait3A_379 : memref<1x416x1024xf32, #tpu.memory_space<hbm>> -> memref<416x1024xf32, #tpu.memory_space<hbm>>
        %dma_wait3A_381 = arith.constant 0 : i32
        %dma_wait3A_382 = tpu.memref_slice %dma_wait3A_380[%multiple_of3A, %dma_wait3A_381] : memref<416x1024xf32, #tpu.memory_space<hbm>> -> memref<96x1024xf32, #tpu.memory_space<hbm>>
        tpu.wait_dma2 semaphore(%run_scoped3A : memref<!tpu.dma_semaphore, #tpu.memory_space<semaphore_mem>>) src(%dma_wait3A_382 : memref<96x1024xf32, #tpu.memory_space<hbm>>) dst(%dma_wait3A_376 : memref<96x1024xf32, #tpu.memory_space<vmem>>)
        tpu.yield
      }) : () -> ()
      %add3A_346 = arith.constant 0 : i32
      %add3A_347 = arith.addi %add3A_246, %add3A_346 : i32
      %multiple_of3A_348 = tpu.assume_multiple %add3A_347, 8 : i32
      "tpu.region"() ({
        %run_scoped3A = tpu.sem_alloc : memref<!tpu.dma_semaphore, #tpu.memory_space<semaphore_mem>>
        %dma_start3A = arith.constant 0 : i32
        %dma_start3A_349 = arith.constant 0 : i32
        %dma_start3A_350 = tpu.memref_slice %arg7[%dma_start3A, %dma_start3A_349] : memref<96x1024xf32, #tpu.memory_space<vmem>> -> memref<96x1024xf32, #tpu.memory_space<vmem>>
        %dma_start3A_351 = arith.constant 0 : i32
        %dma_start3A_352 = tpu.memref_slice %arg5[%multiple_of3A_348, %dma_start3A_351] : memref<8704x1024xf32, #tpu.memory_space<hbm>> -> memref<96x1024xf32, #tpu.memory_space<hbm>>
        %dma_start3A_353 = arith.constant 0 : i32
        %dma_start3A_354 = tpu.memref_slice %arg5[%multiple_of3A_348, %dma_start3A_353] : memref<8704x1024xf32, #tpu.memory_space<hbm>> -> memref<96x1024xf32, #tpu.memory_space<hbm>>
        %dma_start3A_355 = arith.constant 0 : i32
        %dma_start3A_356 = arith.constant 0 : i32
        %dma_start3A_357 = tpu.memref_slice %arg7[%dma_start3A_355, %dma_start3A_356] : memref<96x1024xf32, #tpu.memory_space<vmem>> -> memref<96x1024xf32, #tpu.memory_space<vmem>>
        tpu.enqueue_dma source(%dma_start3A_357 : memref<96x1024xf32, #tpu.memory_space<vmem>>) target(%dma_start3A_354 : memref<96x1024xf32, #tpu.memory_space<hbm>>) target_semaphore(%run_scoped3A : memref<!tpu.dma_semaphore, #tpu.memory_space<semaphore_mem>>)
        %dma_wait3A = arith.constant 0 : i32
        %dma_wait3A_358 = arith.constant 0 : i32
        %dma_wait3A_359 = tpu.memref_slice %arg7[%dma_wait3A, %dma_wait3A_358] : memref<96x1024xf32, #tpu.memory_space<vmem>> -> memref<96x1024xf32, #tpu.memory_space<vmem>>
        %dma_wait3A_360 = arith.constant 0 : i32
        %dma_wait3A_361 = tpu.memref_slice %arg5[%multiple_of3A_348, %dma_wait3A_360] : memref<8704x1024xf32, #tpu.memory_space<hbm>> -> memref<96x1024xf32, #tpu.memory_space<hbm>>
        %dma_wait3A_362 = arith.constant 0 : i32
        %dma_wait3A_363 = tpu.memref_slice %arg5[%multiple_of3A_348, %dma_wait3A_362] : memref<8704x1024xf32, #tpu.memory_space<hbm>> -> memref<96x1024xf32, #tpu.memory_space<hbm>>
        %dma_wait3A_364 = arith.constant 0 : i32
        %dma_wait3A_365 = arith.constant 0 : i32
        %dma_wait3A_366 = tpu.memref_slice %arg7[%dma_wait3A_364, %dma_wait3A_365] : memref<96x1024xf32, #tpu.memory_space<vmem>> -> memref<96x1024xf32, #tpu.memory_space<vmem>>
        tpu.wait_dma2 semaphore(%run_scoped3A : memref<!tpu.dma_semaphore, #tpu.memory_space<semaphore_mem>>) src(%dma_wait3A_366 : memref<96x1024xf32, #tpu.memory_space<vmem>>) dst(%dma_wait3A_363 : memref<96x1024xf32, #tpu.memory_space<hbm>>)
        tpu.yield
      }) : () -> ()
    } else {
    }
    %ge3A_256 = arith.constant 192 : i32
    %ge3A_257 = arith.cmpi sge, %sub3A_249, %ge3A_256 : i32
    %convert_element_type3A_258 = arith.extui %ge3A_257 : i1 to i32
    %cond3A_259 = arith.constant 136 : i32
    %cond3A_260 = arith.constant 0 : i32
    %cond3A_261 = arith.cmpi ne, %convert_element_type3A_258, %cond3A_260 : i32
    scf.if %cond3A_261 {
      %add3A_344 = arith.constant 96 : i32
      %add3A_345 = arith.addi %cond3A_259, %add3A_344 : i32
      %multiple_of3A = tpu.assume_multiple %add3A_345, 8 : i32
      "tpu.region"() ({
        %run_scoped3A = tpu.sem_alloc : memref<!tpu.dma_semaphore, #tpu.memory_space<semaphore_mem>>
        %dma_start3A = arith.constant 0 : i32
        %dma_start3A_349 = arith.constant 0 : i32
        %dma_start3A_350 = tpu.memref_slice %arg7[%dma_start3A, %dma_start3A_349] : memref<96x1024xf32, #tpu.memory_space<vmem>> -> memref<96x1024xf32, #tpu.memory_space<vmem>>
        %dma_start3A_351 = arith.constant 0 : i32
        %dma_start3A_352 = arith.constant 0 : i32
        %dma_start3A_353 = tpu.memref_slice %arg4[%select_n3A, %dma_start3A_351, %dma_start3A_352] : memref<4x416x1024xf32, #tpu.memory_space<hbm>> -> memref<1x416x1024xf32, #tpu.memory_space<hbm>>
        %dma_start3A_354 = tpu.memref_squeeze %dma_start3A_353 : memref<1x416x1024xf32, #tpu.memory_space<hbm>> -> memref<416x1024xf32, #tpu.memory_space<hbm>>
        %dma_start3A_355 = arith.constant 0 : i32
        %dma_start3A_356 = tpu.memref_slice %dma_start3A_354[%multiple_of3A, %dma_start3A_355] : memref<416x1024xf32, #tpu.memory_space<hbm>> -> memref<96x1024xf32, #tpu.memory_space<hbm>>
        %dma_start3A_357 = arith.constant 0 : i32
        %dma_start3A_358 = arith.constant 0 : i32
        %dma_start3A_359 = tpu.memref_slice %arg7[%dma_start3A_357, %dma_start3A_358] : memref<96x1024xf32, #tpu.memory_space<vmem>> -> memref<96x1024xf32, #tpu.memory_space<vmem>>
        %dma_start3A_360 = arith.constant 0 : i32
        %dma_start3A_361 = arith.constant 0 : i32
        %dma_start3A_362 = tpu.memref_slice %arg4[%select_n3A, %dma_start3A_360, %dma_start3A_361] : memref<4x416x1024xf32, #tpu.memory_space<hbm>> -> memref<1x416x1024xf32, #tpu.memory_space<hbm>>
        %dma_start3A_363 = tpu.memref_squeeze %dma_start3A_362 : memref<1x416x1024xf32, #tpu.memory_space<hbm>> -> memref<416x1024xf32, #tpu.memory_space<hbm>>
        %dma_start3A_364 = arith.constant 0 : i32
        %dma_start3A_365 = tpu.memref_slice %dma_start3A_363[%multiple_of3A, %dma_start3A_364] : memref<416x1024xf32, #tpu.memory_space<hbm>> -> memref<96x1024xf32, #tpu.memory_space<hbm>>
        tpu.enqueue_dma source(%dma_start3A_365 : memref<96x1024xf32, #tpu.memory_space<hbm>>) target(%dma_start3A_359 : memref<96x1024xf32, #tpu.memory_space<vmem>>) target_semaphore(%run_scoped3A : memref<!tpu.dma_semaphore, #tpu.memory_space<semaphore_mem>>)
        %dma_wait3A = arith.constant 0 : i32
        %dma_wait3A_366 = arith.constant 0 : i32
        %dma_wait3A_367 = tpu.memref_slice %arg7[%dma_wait3A, %dma_wait3A_366] : memref<96x1024xf32, #tpu.memory_space<vmem>> -> memref<96x1024xf32, #tpu.memory_space<vmem>>
        %dma_wait3A_368 = arith.constant 0 : i32
        %dma_wait3A_369 = arith.constant 0 : i32
        %dma_wait3A_370 = tpu.memref_slice %arg4[%select_n3A, %dma_wait3A_368, %dma_wait3A_369] : memref<4x416x1024xf32, #tpu.memory_space<hbm>> -> memref<1x416x1024xf32, #tpu.memory_space<hbm>>
        %dma_wait3A_371 = tpu.memref_squeeze %dma_wait3A_370 : memref<1x416x1024xf32, #tpu.memory_space<hbm>> -> memref<416x1024xf32, #tpu.memory_space<hbm>>
        %dma_wait3A_372 = arith.constant 0 : i32
        %dma_wait3A_373 = tpu.memref_slice %dma_wait3A_371[%multiple_of3A, %dma_wait3A_372] : memref<416x1024xf32, #tpu.memory_space<hbm>> -> memref<96x1024xf32, #tpu.memory_space<hbm>>
        %dma_wait3A_374 = arith.constant 0 : i32
        %dma_wait3A_375 = arith.constant 0 : i32
        %dma_wait3A_376 = tpu.memref_slice %arg7[%dma_wait3A_374, %dma_wait3A_375] : memref<96x1024xf32, #tpu.memory_space<vmem>> -> memref<96x1024xf32, #tpu.memory_space<vmem>>
        %dma_wait3A_377 = arith.constant 0 : i32
        %dma_wait3A_378 = arith.constant 0 : i32
        %dma_wait3A_379 = tpu.memref_slice %arg4[%select_n3A, %dma_wait3A_377, %dma_wait3A_378] : memref<4x416x1024xf32, #tpu.memory_space<hbm>> -> memref<1x416x1024xf32, #tpu.memory_space<hbm>>
        %dma_wait3A_380 = tpu.memref_squeeze %dma_wait3A_379 : memref<1x416x1024xf32, #tpu.memory_space<hbm>> -> memref<416x1024xf32, #tpu.memory_space<hbm>>
        %dma_wait3A_381 = arith.constant 0 : i32
        %dma_wait3A_382 = tpu.memref_slice %dma_wait3A_380[%multiple_of3A, %dma_wait3A_381] : memref<416x1024xf32, #tpu.memory_space<hbm>> -> memref<96x1024xf32, #tpu.memory_space<hbm>>
        tpu.wait_dma2 semaphore(%run_scoped3A : memref<!tpu.dma_semaphore, #tpu.memory_space<semaphore_mem>>) src(%dma_wait3A_382 : memref<96x1024xf32, #tpu.memory_space<hbm>>) dst(%dma_wait3A_376 : memref<96x1024xf32, #tpu.memory_space<vmem>>)
        tpu.yield
      }) : () -> ()
      %add3A_346 = arith.constant 96 : i32
      %add3A_347 = arith.addi %add3A_246, %add3A_346 : i32
      %multiple_of3A_348 = tpu.assume_multiple %add3A_347, 8 : i32
      "tpu.region"() ({
        %run_scoped3A = tpu.sem_alloc : memref<!tpu.dma_semaphore, #tpu.memory_space<semaphore_mem>>
        %dma_start3A = arith.constant 0 : i32
        %dma_start3A_349 = arith.constant 0 : i32
        %dma_start3A_350 = tpu.memref_slice %arg7[%dma_start3A, %dma_start3A_349] : memref<96x1024xf32, #tpu.memory_space<vmem>> -> memref<96x1024xf32, #tpu.memory_space<vmem>>
        %dma_start3A_351 = arith.constant 0 : i32
        %dma_start3A_352 = tpu.memref_slice %arg5[%multiple_of3A_348, %dma_start3A_351] : memref<8704x1024xf32, #tpu.memory_space<hbm>> -> memref<96x1024xf32, #tpu.memory_space<hbm>>
        %dma_start3A_353 = arith.constant 0 : i32
        %dma_start3A_354 = tpu.memref_slice %arg5[%multiple_of3A_348, %dma_start3A_353] : memref<8704x1024xf32, #tpu.memory_space<hbm>> -> memref<96x1024xf32, #tpu.memory_space<hbm>>
        %dma_start3A_355 = arith.constant 0 : i32
        %dma_start3A_356 = arith.constant 0 : i32
        %dma_start3A_357 = tpu.memref_slice %arg7[%dma_start3A_355, %dma_start3A_356] : memref<96x1024xf32, #tpu.memory_space<vmem>> -> memref<96x1024xf32, #tpu.memory_space<vmem>>
        tpu.enqueue_dma source(%dma_start3A_357 : memref<96x1024xf32, #tpu.memory_space<vmem>>) target(%dma_start3A_354 : memref<96x1024xf32, #tpu.memory_space<hbm>>) target_semaphore(%run_scoped3A : memref<!tpu.dma_semaphore, #tpu.memory_space<semaphore_mem>>)
        %dma_wait3A = arith.constant 0 : i32
        %dma_wait3A_358 = arith.constant 0 : i32
        %dma_wait3A_359 = tpu.memref_slice %arg7[%dma_wait3A, %dma_wait3A_358] : memref<96x1024xf32, #tpu.memory_space<vmem>> -> memref<96x1024xf32, #tpu.memory_space<vmem>>
        %dma_wait3A_360 = arith.constant 0 : i32
        %dma_wait3A_361 = tpu.memref_slice %arg5[%multiple_of3A_348, %dma_wait3A_360] : memref<8704x1024xf32, #tpu.memory_space<hbm>> -> memref<96x1024xf32, #tpu.memory_space<hbm>>
        %dma_wait3A_362 = arith.constant 0 : i32
        %dma_wait3A_363 = tpu.memref_slice %arg5[%multiple_of3A_348, %dma_wait3A_362] : memref<8704x1024xf32, #tpu.memory_space<hbm>> -> memref<96x1024xf32, #tpu.memory_space<hbm>>
        %dma_wait3A_364 = arith.constant 0 : i32
        %dma_wait3A_365 = arith.constant 0 : i32
        %dma_wait3A_366 = tpu.memref_slice %arg7[%dma_wait3A_364, %dma_wait3A_365] : memref<96x1024xf32, #tpu.memory_space<vmem>> -> memref<96x1024xf32, #tpu.memory_space<vmem>>
        tpu.wait_dma2 semaphore(%run_scoped3A : memref<!tpu.dma_semaphore, #tpu.memory_space<semaphore_mem>>) src(%dma_wait3A_366 : memref<96x1024xf32, #tpu.memory_space<vmem>>) dst(%dma_wait3A_363 : memref<96x1024xf32, #tpu.memory_space<hbm>>)
        tpu.yield
      }) : () -> ()
    } else {
    }
    %jit3A_262 = arith.constant 96 : i32
    %div3A_263 = arith.divsi %sub3A_249, %jit3A_262 : i32
    %sign3A_264 = arith.constant 0 : i32
    %sign3A_265 = arith.cmpi sgt, %sub3A_249, %sign3A_264 : i32
    %sign3A_266 = arith.extui %sign3A_265 : i1 to i32
    %sign3A_267 = arith.constant 0 : i32
    %sign3A_268 = arith.cmpi slt, %sub3A_249, %sign3A_267 : i32
    %sign3A_269 = arith.extui %sign3A_268 : i1 to i32
    %sign3A_270 = arith.subi %sign3A_266, %sign3A_269 : i32
    %sign3A_271 = arith.constant 0 : i32
    %sign3A_272 = arith.cmpi sgt, %jit3A_262, %sign3A_271 : i32
    %sign3A_273 = arith.extui %sign3A_272 : i1 to i32
    %sign3A_274 = arith.constant 0 : i32
    %sign3A_275 = arith.cmpi slt, %jit3A_262, %sign3A_274 : i32
    %sign3A_276 = arith.extui %sign3A_275 : i1 to i32
    %sign3A_277 = arith.subi %sign3A_273, %sign3A_276 : i32
    %ne3A_278 = arith.cmpi ne, %sign3A_270, %sign3A_277 : i32
    %rem3A_279 = arith.remsi %sub3A_249, %jit3A_262 : i32
    %ne3A_280 = arith.constant 0 : i32
    %ne3A_281 = arith.cmpi ne, %rem3A_279, %ne3A_280 : i32
    %and3A_282 = arith.andi %ne3A_278, %ne3A_281 : i1
    %sub3A_283 = arith.constant 1 : i32
    %sub3A_284 = arith.subi %div3A_263, %sub3A_283 : i32
    %select_n3A_285 = arith.select %and3A_282, %sub3A_284, %div3A_263 : i32
    %mul3A_286 = arith.constant 96 : i32
    %mul3A_287 = arith.muli %select_n3A_285, %mul3A_286 : i32
    %sub3A_288 = arith.subi %sub3A_249, %mul3A_287 : i32
    %and3A_289 = arith.constant -128 : i32
    %and3A_290 = arith.andi %sub3A_288, %and3A_289 : i32
    %add3A_291 = arith.addi %mul3A_287, %and3A_290 : i32
    %and3A_292 = arith.constant 64 : i32
    %and3A_293 = arith.andi %sub3A_288, %and3A_292 : i32
    %ne3A_294 = arith.constant 0 : i32
    %ne3A_295 = arith.cmpi ne, %and3A_293, %ne3A_294 : i32
    %convert_element_type3A_296 = arith.extui %ne3A_295 : i1 to i32
    %cond3A_297 = arith.constant 136 : i32
    %cond3A_298 = arith.constant 0 : i32
    %cond3A_299 = arith.cmpi ne, %convert_element_type3A_296, %cond3A_298 : i32
    scf.if %cond3A_299 {
      %add3A_344 = arith.addi %cond3A_297, %add3A_291 : i32
      %multiple_of3A = tpu.assume_multiple %add3A_344, 8 : i32
      "tpu.region"() ({
        %run_scoped3A = tpu.sem_alloc : memref<!tpu.dma_semaphore, #tpu.memory_space<semaphore_mem>>
        %dma_start3A = arith.constant 0 : i32
        %dma_start3A_347 = arith.constant 0 : i32
        %dma_start3A_348 = tpu.memref_slice %arg7[%dma_start3A, %dma_start3A_347] : memref<96x1024xf32, #tpu.memory_space<vmem>> -> memref<64x1024xf32, #tpu.memory_space<vmem>>
        %dma_start3A_349 = arith.constant 0 : i32
        %dma_start3A_350 = arith.constant 0 : i32
        %dma_start3A_351 = tpu.memref_slice %arg4[%select_n3A, %dma_start3A_349, %dma_start3A_350] : memref<4x416x1024xf32, #tpu.memory_space<hbm>> -> memref<1x416x1024xf32, #tpu.memory_space<hbm>>
        %dma_start3A_352 = tpu.memref_squeeze %dma_start3A_351 : memref<1x416x1024xf32, #tpu.memory_space<hbm>> -> memref<416x1024xf32, #tpu.memory_space<hbm>>
        %dma_start3A_353 = arith.constant 0 : i32
        %dma_start3A_354 = tpu.memref_slice %dma_start3A_352[%multiple_of3A, %dma_start3A_353] : memref<416x1024xf32, #tpu.memory_space<hbm>> -> memref<64x1024xf32, #tpu.memory_space<hbm>>
        %dma_start3A_355 = arith.constant 0 : i32
        %dma_start3A_356 = arith.constant 0 : i32
        %dma_start3A_357 = tpu.memref_slice %arg7[%dma_start3A_355, %dma_start3A_356] : memref<96x1024xf32, #tpu.memory_space<vmem>> -> memref<64x1024xf32, #tpu.memory_space<vmem>>
        %dma_start3A_358 = arith.constant 0 : i32
        %dma_start3A_359 = arith.constant 0 : i32
        %dma_start3A_360 = tpu.memref_slice %arg4[%select_n3A, %dma_start3A_358, %dma_start3A_359] : memref<4x416x1024xf32, #tpu.memory_space<hbm>> -> memref<1x416x1024xf32, #tpu.memory_space<hbm>>
        %dma_start3A_361 = tpu.memref_squeeze %dma_start3A_360 : memref<1x416x1024xf32, #tpu.memory_space<hbm>> -> memref<416x1024xf32, #tpu.memory_space<hbm>>
        %dma_start3A_362 = arith.constant 0 : i32
        %dma_start3A_363 = tpu.memref_slice %dma_start3A_361[%multiple_of3A, %dma_start3A_362] : memref<416x1024xf32, #tpu.memory_space<hbm>> -> memref<64x1024xf32, #tpu.memory_space<hbm>>
        tpu.enqueue_dma source(%dma_start3A_363 : memref<64x1024xf32, #tpu.memory_space<hbm>>) target(%dma_start3A_357 : memref<64x1024xf32, #tpu.memory_space<vmem>>) target_semaphore(%run_scoped3A : memref<!tpu.dma_semaphore, #tpu.memory_space<semaphore_mem>>)
        %dma_wait3A = arith.constant 0 : i32
        %dma_wait3A_364 = arith.constant 0 : i32
        %dma_wait3A_365 = tpu.memref_slice %arg7[%dma_wait3A, %dma_wait3A_364] : memref<96x1024xf32, #tpu.memory_space<vmem>> -> memref<64x1024xf32, #tpu.memory_space<vmem>>
        %dma_wait3A_366 = arith.constant 0 : i32
        %dma_wait3A_367 = arith.constant 0 : i32
        %dma_wait3A_368 = tpu.memref_slice %arg4[%select_n3A, %dma_wait3A_366, %dma_wait3A_367] : memref<4x416x1024xf32, #tpu.memory_space<hbm>> -> memref<1x416x1024xf32, #tpu.memory_space<hbm>>
        %dma_wait3A_369 = tpu.memref_squeeze %dma_wait3A_368 : memref<1x416x1024xf32, #tpu.memory_space<hbm>> -> memref<416x1024xf32, #tpu.memory_space<hbm>>
        %dma_wait3A_370 = arith.constant 0 : i32
        %dma_wait3A_371 = tpu.memref_slice %dma_wait3A_369[%multiple_of3A, %dma_wait3A_370] : memref<416x1024xf32, #tpu.memory_space<hbm>> -> memref<64x1024xf32, #tpu.memory_space<hbm>>
        %dma_wait3A_372 = arith.constant 0 : i32
        %dma_wait3A_373 = arith.constant 0 : i32
        %dma_wait3A_374 = tpu.memref_slice %arg7[%dma_wait3A_372, %dma_wait3A_373] : memref<96x1024xf32, #tpu.memory_space<vmem>> -> memref<64x1024xf32, #tpu.memory_space<vmem>>
        %dma_wait3A_375 = arith.constant 0 : i32
        %dma_wait3A_376 = arith.constant 0 : i32
        %dma_wait3A_377 = tpu.memref_slice %arg4[%select_n3A, %dma_wait3A_375, %dma_wait3A_376] : memref<4x416x1024xf32, #tpu.memory_space<hbm>> -> memref<1x416x1024xf32, #tpu.memory_space<hbm>>
        %dma_wait3A_378 = tpu.memref_squeeze %dma_wait3A_377 : memref<1x416x1024xf32, #tpu.memory_space<hbm>> -> memref<416x1024xf32, #tpu.memory_space<hbm>>
        %dma_wait3A_379 = arith.constant 0 : i32
        %dma_wait3A_380 = tpu.memref_slice %dma_wait3A_378[%multiple_of3A, %dma_wait3A_379] : memref<416x1024xf32, #tpu.memory_space<hbm>> -> memref<64x1024xf32, #tpu.memory_space<hbm>>
        tpu.wait_dma2 semaphore(%run_scoped3A : memref<!tpu.dma_semaphore, #tpu.memory_space<semaphore_mem>>) src(%dma_wait3A_380 : memref<64x1024xf32, #tpu.memory_space<hbm>>) dst(%dma_wait3A_374 : memref<64x1024xf32, #tpu.memory_space<vmem>>)
        tpu.yield
      }) : () -> ()
      %add3A_345 = arith.addi %add3A_246, %add3A_291 : i32
      %multiple_of3A_346 = tpu.assume_multiple %add3A_345, 8 : i32
      "tpu.region"() ({
        %run_scoped3A = tpu.sem_alloc : memref<!tpu.dma_semaphore, #tpu.memory_space<semaphore_mem>>
        %dma_start3A = arith.constant 0 : i32
        %dma_start3A_347 = arith.constant 0 : i32
        %dma_start3A_348 = tpu.memref_slice %arg7[%dma_start3A, %dma_start3A_347] : memref<96x1024xf32, #tpu.memory_space<vmem>> -> memref<64x1024xf32, #tpu.memory_space<vmem>>
        %dma_start3A_349 = arith.constant 0 : i32
        %dma_start3A_350 = tpu.memref_slice %arg5[%multiple_of3A_346, %dma_start3A_349] : memref<8704x1024xf32, #tpu.memory_space<hbm>> -> memref<64x1024xf32, #tpu.memory_space<hbm>>
        %dma_start3A_351 = arith.constant 0 : i32
        %dma_start3A_352 = tpu.memref_slice %arg5[%multiple_of3A_346, %dma_start3A_351] : memref<8704x1024xf32, #tpu.memory_space<hbm>> -> memref<64x1024xf32, #tpu.memory_space<hbm>>
        %dma_start3A_353 = arith.constant 0 : i32
        %dma_start3A_354 = arith.constant 0 : i32
        %dma_start3A_355 = tpu.memref_slice %arg7[%dma_start3A_353, %dma_start3A_354] : memref<96x1024xf32, #tpu.memory_space<vmem>> -> memref<64x1024xf32, #tpu.memory_space<vmem>>
        tpu.enqueue_dma source(%dma_start3A_355 : memref<64x1024xf32, #tpu.memory_space<vmem>>) target(%dma_start3A_352 : memref<64x1024xf32, #tpu.memory_space<hbm>>) target_semaphore(%run_scoped3A : memref<!tpu.dma_semaphore, #tpu.memory_space<semaphore_mem>>)
        %dma_wait3A = arith.constant 0 : i32
        %dma_wait3A_356 = arith.constant 0 : i32
        %dma_wait3A_357 = tpu.memref_slice %arg7[%dma_wait3A, %dma_wait3A_356] : memref<96x1024xf32, #tpu.memory_space<vmem>> -> memref<64x1024xf32, #tpu.memory_space<vmem>>
        %dma_wait3A_358 = arith.constant 0 : i32
        %dma_wait3A_359 = tpu.memref_slice %arg5[%multiple_of3A_346, %dma_wait3A_358] : memref<8704x1024xf32, #tpu.memory_space<hbm>> -> memref<64x1024xf32, #tpu.memory_space<hbm>>
        %dma_wait3A_360 = arith.constant 0 : i32
        %dma_wait3A_361 = tpu.memref_slice %arg5[%multiple_of3A_346, %dma_wait3A_360] : memref<8704x1024xf32, #tpu.memory_space<hbm>> -> memref<64x1024xf32, #tpu.memory_space<hbm>>
        %dma_wait3A_362 = arith.constant 0 : i32
        %dma_wait3A_363 = arith.constant 0 : i32
        %dma_wait3A_364 = tpu.memref_slice %arg7[%dma_wait3A_362, %dma_wait3A_363] : memref<96x1024xf32, #tpu.memory_space<vmem>> -> memref<64x1024xf32, #tpu.memory_space<vmem>>
        tpu.wait_dma2 semaphore(%run_scoped3A : memref<!tpu.dma_semaphore, #tpu.memory_space<semaphore_mem>>) src(%dma_wait3A_364 : memref<64x1024xf32, #tpu.memory_space<vmem>>) dst(%dma_wait3A_361 : memref<64x1024xf32, #tpu.memory_space<hbm>>)
        tpu.yield
      }) : () -> ()
    } else {
    }
    %and3A_300 = arith.constant -64 : i32
    %and3A_301 = arith.andi %sub3A_288, %and3A_300 : i32
    %add3A_302 = arith.addi %mul3A_287, %and3A_301 : i32
    %and3A_303 = arith.constant 32 : i32
    %and3A_304 = arith.andi %sub3A_288, %and3A_303 : i32
    %ne3A_305 = arith.constant 0 : i32
    %ne3A_306 = arith.cmpi ne, %and3A_304, %ne3A_305 : i32
    %convert_element_type3A_307 = arith.extui %ne3A_306 : i1 to i32
    %cond3A_308 = arith.constant 136 : i32
    %cond3A_309 = arith.constant 0 : i32
    %cond3A_310 = arith.cmpi ne, %convert_element_type3A_307, %cond3A_309 : i32
    scf.if %cond3A_310 {
      %add3A_344 = arith.addi %cond3A_308, %add3A_302 : i32
      %multiple_of3A = tpu.assume_multiple %add3A_344, 8 : i32
      "tpu.region"() ({
        %run_scoped3A = tpu.sem_alloc : memref<!tpu.dma_semaphore, #tpu.memory_space<semaphore_mem>>
        %dma_start3A = arith.constant 0 : i32
        %dma_start3A_347 = arith.constant 0 : i32
        %dma_start3A_348 = tpu.memref_slice %arg7[%dma_start3A, %dma_start3A_347] : memref<96x1024xf32, #tpu.memory_space<vmem>> -> memref<32x1024xf32, #tpu.memory_space<vmem>>
        %dma_start3A_349 = arith.constant 0 : i32
        %dma_start3A_350 = arith.constant 0 : i32
        %dma_start3A_351 = tpu.memref_slice %arg4[%select_n3A, %dma_start3A_349, %dma_start3A_350] : memref<4x416x1024xf32, #tpu.memory_space<hbm>> -> memref<1x416x1024xf32, #tpu.memory_space<hbm>>
        %dma_start3A_352 = tpu.memref_squeeze %dma_start3A_351 : memref<1x416x1024xf32, #tpu.memory_space<hbm>> -> memref<416x1024xf32, #tpu.memory_space<hbm>>
        %dma_start3A_353 = arith.constant 0 : i32
        %dma_start3A_354 = tpu.memref_slice %dma_start3A_352[%multiple_of3A, %dma_start3A_353] : memref<416x1024xf32, #tpu.memory_space<hbm>> -> memref<32x1024xf32, #tpu.memory_space<hbm>>
        %dma_start3A_355 = arith.constant 0 : i32
        %dma_start3A_356 = arith.constant 0 : i32
        %dma_start3A_357 = tpu.memref_slice %arg7[%dma_start3A_355, %dma_start3A_356] : memref<96x1024xf32, #tpu.memory_space<vmem>> -> memref<32x1024xf32, #tpu.memory_space<vmem>>
        %dma_start3A_358 = arith.constant 0 : i32
        %dma_start3A_359 = arith.constant 0 : i32
        %dma_start3A_360 = tpu.memref_slice %arg4[%select_n3A, %dma_start3A_358, %dma_start3A_359] : memref<4x416x1024xf32, #tpu.memory_space<hbm>> -> memref<1x416x1024xf32, #tpu.memory_space<hbm>>
        %dma_start3A_361 = tpu.memref_squeeze %dma_start3A_360 : memref<1x416x1024xf32, #tpu.memory_space<hbm>> -> memref<416x1024xf32, #tpu.memory_space<hbm>>
        %dma_start3A_362 = arith.constant 0 : i32
        %dma_start3A_363 = tpu.memref_slice %dma_start3A_361[%multiple_of3A, %dma_start3A_362] : memref<416x1024xf32, #tpu.memory_space<hbm>> -> memref<32x1024xf32, #tpu.memory_space<hbm>>
        tpu.enqueue_dma source(%dma_start3A_363 : memref<32x1024xf32, #tpu.memory_space<hbm>>) target(%dma_start3A_357 : memref<32x1024xf32, #tpu.memory_space<vmem>>) target_semaphore(%run_scoped3A : memref<!tpu.dma_semaphore, #tpu.memory_space<semaphore_mem>>)
        %dma_wait3A = arith.constant 0 : i32
        %dma_wait3A_364 = arith.constant 0 : i32
        %dma_wait3A_365 = tpu.memref_slice %arg7[%dma_wait3A, %dma_wait3A_364] : memref<96x1024xf32, #tpu.memory_space<vmem>> -> memref<32x1024xf32, #tpu.memory_space<vmem>>
        %dma_wait3A_366 = arith.constant 0 : i32
        %dma_wait3A_367 = arith.constant 0 : i32
        %dma_wait3A_368 = tpu.memref_slice %arg4[%select_n3A, %dma_wait3A_366, %dma_wait3A_367] : memref<4x416x1024xf32, #tpu.memory_space<hbm>> -> memref<1x416x1024xf32, #tpu.memory_space<hbm>>
        %dma_wait3A_369 = tpu.memref_squeeze %dma_wait3A_368 : memref<1x416x1024xf32, #tpu.memory_space<hbm>> -> memref<416x1024xf32, #tpu.memory_space<hbm>>
        %dma_wait3A_370 = arith.constant 0 : i32
        %dma_wait3A_371 = tpu.memref_slice %dma_wait3A_369[%multiple_of3A, %dma_wait3A_370] : memref<416x1024xf32, #tpu.memory_space<hbm>> -> memref<32x1024xf32, #tpu.memory_space<hbm>>
        %dma_wait3A_372 = arith.constant 0 : i32
        %dma_wait3A_373 = arith.constant 0 : i32
        %dma_wait3A_374 = tpu.memref_slice %arg7[%dma_wait3A_372, %dma_wait3A_373] : memref<96x1024xf32, #tpu.memory_space<vmem>> -> memref<32x1024xf32, #tpu.memory_space<vmem>>
        %dma_wait3A_375 = arith.constant 0 : i32
        %dma_wait3A_376 = arith.constant 0 : i32
        %dma_wait3A_377 = tpu.memref_slice %arg4[%select_n3A, %dma_wait3A_375, %dma_wait3A_376] : memref<4x416x1024xf32, #tpu.memory_space<hbm>> -> memref<1x416x1024xf32, #tpu.memory_space<hbm>>
        %dma_wait3A_378 = tpu.memref_squeeze %dma_wait3A_377 : memref<1x416x1024xf32, #tpu.memory_space<hbm>> -> memref<416x1024xf32, #tpu.memory_space<hbm>>
        %dma_wait3A_379 = arith.constant 0 : i32
        %dma_wait3A_380 = tpu.memref_slice %dma_wait3A_378[%multiple_of3A, %dma_wait3A_379] : memref<416x1024xf32, #tpu.memory_space<hbm>> -> memref<32x1024xf32, #tpu.memory_space<hbm>>
        tpu.wait_dma2 semaphore(%run_scoped3A : memref<!tpu.dma_semaphore, #tpu.memory_space<semaphore_mem>>) src(%dma_wait3A_380 : memref<32x1024xf32, #tpu.memory_space<hbm>>) dst(%dma_wait3A_374 : memref<32x1024xf32, #tpu.memory_space<vmem>>)
        tpu.yield
      }) : () -> ()
      %add3A_345 = arith.addi %add3A_246, %add3A_302 : i32
      %multiple_of3A_346 = tpu.assume_multiple %add3A_345, 8 : i32
      "tpu.region"() ({
        %run_scoped3A = tpu.sem_alloc : memref<!tpu.dma_semaphore, #tpu.memory_space<semaphore_mem>>
        %dma_start3A = arith.constant 0 : i32
        %dma_start3A_347 = arith.constant 0 : i32
        %dma_start3A_348 = tpu.memref_slice %arg7[%dma_start3A, %dma_start3A_347] : memref<96x1024xf32, #tpu.memory_space<vmem>> -> memref<32x1024xf32, #tpu.memory_space<vmem>>
        %dma_start3A_349 = arith.constant 0 : i32
        %dma_start3A_350 = tpu.memref_slice %arg5[%multiple_of3A_346, %dma_start3A_349] : memref<8704x1024xf32, #tpu.memory_space<hbm>> -> memref<32x1024xf32, #tpu.memory_space<hbm>>
        %dma_start3A_351 = arith.constant 0 : i32
        %dma_start3A_352 = tpu.memref_slice %arg5[%multiple_of3A_346, %dma_start3A_351] : memref<8704x1024xf32, #tpu.memory_space<hbm>> -> memref<32x1024xf32, #tpu.memory_space<hbm>>
        %dma_start3A_353 = arith.constant 0 : i32
        %dma_start3A_354 = arith.constant 0 : i32
        %dma_start3A_355 = tpu.memref_slice %arg7[%dma_start3A_353, %dma_start3A_354] : memref<96x1024xf32, #tpu.memory_space<vmem>> -> memref<32x1024xf32, #tpu.memory_space<vmem>>
        tpu.enqueue_dma source(%dma_start3A_355 : memref<32x1024xf32, #tpu.memory_space<vmem>>) target(%dma_start3A_352 : memref<32x1024xf32, #tpu.memory_space<hbm>>) target_semaphore(%run_scoped3A : memref<!tpu.dma_semaphore, #tpu.memory_space<semaphore_mem>>)
        %dma_wait3A = arith.constant 0 : i32
        %dma_wait3A_356 = arith.constant 0 : i32
        %dma_wait3A_357 = tpu.memref_slice %arg7[%dma_wait3A, %dma_wait3A_356] : memref<96x1024xf32, #tpu.memory_space<vmem>> -> memref<32x1024xf32, #tpu.memory_space<vmem>>
        %dma_wait3A_358 = arith.constant 0 : i32
        %dma_wait3A_359 = tpu.memref_slice %arg5[%multiple_of3A_346, %dma_wait3A_358] : memref<8704x1024xf32, #tpu.memory_space<hbm>> -> memref<32x1024xf32, #tpu.memory_space<hbm>>
        %dma_wait3A_360 = arith.constant 0 : i32
        %dma_wait3A_361 = tpu.memref_slice %arg5[%multiple_of3A_346, %dma_wait3A_360] : memref<8704x1024xf32, #tpu.memory_space<hbm>> -> memref<32x1024xf32, #tpu.memory_space<hbm>>
        %dma_wait3A_362 = arith.constant 0 : i32
        %dma_wait3A_363 = arith.constant 0 : i32
        %dma_wait3A_364 = tpu.memref_slice %arg7[%dma_wait3A_362, %dma_wait3A_363] : memref<96x1024xf32, #tpu.memory_space<vmem>> -> memref<32x1024xf32, #tpu.memory_space<vmem>>
        tpu.wait_dma2 semaphore(%run_scoped3A : memref<!tpu.dma_semaphore, #tpu.memory_space<semaphore_mem>>) src(%dma_wait3A_364 : memref<32x1024xf32, #tpu.memory_space<vmem>>) dst(%dma_wait3A_361 : memref<32x1024xf32, #tpu.memory_space<hbm>>)
        tpu.yield
      }) : () -> ()
    } else {
    }
    %and3A_311 = arith.constant -32 : i32
    %and3A_312 = arith.andi %sub3A_288, %and3A_311 : i32
    %add3A_313 = arith.addi %mul3A_287, %and3A_312 : i32
    %and3A_314 = arith.constant 16 : i32
    %and3A_315 = arith.andi %sub3A_288, %and3A_314 : i32
    %ne3A_316 = arith.constant 0 : i32
    %ne3A_317 = arith.cmpi ne, %and3A_315, %ne3A_316 : i32
    %convert_element_type3A_318 = arith.extui %ne3A_317 : i1 to i32
    %cond3A_319 = arith.constant 136 : i32
    %cond3A_320 = arith.constant 0 : i32
    %cond3A_321 = arith.cmpi ne, %convert_element_type3A_318, %cond3A_320 : i32
    scf.if %cond3A_321 {
      %add3A_344 = arith.addi %cond3A_319, %add3A_313 : i32
      %multiple_of3A = tpu.assume_multiple %add3A_344, 8 : i32
      "tpu.region"() ({
        %run_scoped3A = tpu.sem_alloc : memref<!tpu.dma_semaphore, #tpu.memory_space<semaphore_mem>>
        %dma_start3A = arith.constant 0 : i32
        %dma_start3A_347 = arith.constant 0 : i32
        %dma_start3A_348 = tpu.memref_slice %arg7[%dma_start3A, %dma_start3A_347] : memref<96x1024xf32, #tpu.memory_space<vmem>> -> memref<16x1024xf32, #tpu.memory_space<vmem>>
        %dma_start3A_349 = arith.constant 0 : i32
        %dma_start3A_350 = arith.constant 0 : i32
        %dma_start3A_351 = tpu.memref_slice %arg4[%select_n3A, %dma_start3A_349, %dma_start3A_350] : memref<4x416x1024xf32, #tpu.memory_space<hbm>> -> memref<1x416x1024xf32, #tpu.memory_space<hbm>>
        %dma_start3A_352 = tpu.memref_squeeze %dma_start3A_351 : memref<1x416x1024xf32, #tpu.memory_space<hbm>> -> memref<416x1024xf32, #tpu.memory_space<hbm>>
        %dma_start3A_353 = arith.constant 0 : i32
        %dma_start3A_354 = tpu.memref_slice %dma_start3A_352[%multiple_of3A, %dma_start3A_353] : memref<416x1024xf32, #tpu.memory_space<hbm>> -> memref<16x1024xf32, #tpu.memory_space<hbm>>
        %dma_start3A_355 = arith.constant 0 : i32
        %dma_start3A_356 = arith.constant 0 : i32
        %dma_start3A_357 = tpu.memref_slice %arg7[%dma_start3A_355, %dma_start3A_356] : memref<96x1024xf32, #tpu.memory_space<vmem>> -> memref<16x1024xf32, #tpu.memory_space<vmem>>
        %dma_start3A_358 = arith.constant 0 : i32
        %dma_start3A_359 = arith.constant 0 : i32
        %dma_start3A_360 = tpu.memref_slice %arg4[%select_n3A, %dma_start3A_358, %dma_start3A_359] : memref<4x416x1024xf32, #tpu.memory_space<hbm>> -> memref<1x416x1024xf32, #tpu.memory_space<hbm>>
        %dma_start3A_361 = tpu.memref_squeeze %dma_start3A_360 : memref<1x416x1024xf32, #tpu.memory_space<hbm>> -> memref<416x1024xf32, #tpu.memory_space<hbm>>
        %dma_start3A_362 = arith.constant 0 : i32
        %dma_start3A_363 = tpu.memref_slice %dma_start3A_361[%multiple_of3A, %dma_start3A_362] : memref<416x1024xf32, #tpu.memory_space<hbm>> -> memref<16x1024xf32, #tpu.memory_space<hbm>>
        tpu.enqueue_dma source(%dma_start3A_363 : memref<16x1024xf32, #tpu.memory_space<hbm>>) target(%dma_start3A_357 : memref<16x1024xf32, #tpu.memory_space<vmem>>) target_semaphore(%run_scoped3A : memref<!tpu.dma_semaphore, #tpu.memory_space<semaphore_mem>>)
        %dma_wait3A = arith.constant 0 : i32
        %dma_wait3A_364 = arith.constant 0 : i32
        %dma_wait3A_365 = tpu.memref_slice %arg7[%dma_wait3A, %dma_wait3A_364] : memref<96x1024xf32, #tpu.memory_space<vmem>> -> memref<16x1024xf32, #tpu.memory_space<vmem>>
        %dma_wait3A_366 = arith.constant 0 : i32
        %dma_wait3A_367 = arith.constant 0 : i32
        %dma_wait3A_368 = tpu.memref_slice %arg4[%select_n3A, %dma_wait3A_366, %dma_wait3A_367] : memref<4x416x1024xf32, #tpu.memory_space<hbm>> -> memref<1x416x1024xf32, #tpu.memory_space<hbm>>
        %dma_wait3A_369 = tpu.memref_squeeze %dma_wait3A_368 : memref<1x416x1024xf32, #tpu.memory_space<hbm>> -> memref<416x1024xf32, #tpu.memory_space<hbm>>
        %dma_wait3A_370 = arith.constant 0 : i32
        %dma_wait3A_371 = tpu.memref_slice %dma_wait3A_369[%multiple_of3A, %dma_wait3A_370] : memref<416x1024xf32, #tpu.memory_space<hbm>> -> memref<16x1024xf32, #tpu.memory_space<hbm>>
        %dma_wait3A_372 = arith.constant 0 : i32
        %dma_wait3A_373 = arith.constant 0 : i32
        %dma_wait3A_374 = tpu.memref_slice %arg7[%dma_wait3A_372, %dma_wait3A_373] : memref<96x1024xf32, #tpu.memory_space<vmem>> -> memref<16x1024xf32, #tpu.memory_space<vmem>>
        %dma_wait3A_375 = arith.constant 0 : i32
        %dma_wait3A_376 = arith.constant 0 : i32
        %dma_wait3A_377 = tpu.memref_slice %arg4[%select_n3A, %dma_wait3A_375, %dma_wait3A_376] : memref<4x416x1024xf32, #tpu.memory_space<hbm>> -> memref<1x416x1024xf32, #tpu.memory_space<hbm>>
        %dma_wait3A_378 = tpu.memref_squeeze %dma_wait3A_377 : memref<1x416x1024xf32, #tpu.memory_space<hbm>> -> memref<416x1024xf32, #tpu.memory_space<hbm>>
        %dma_wait3A_379 = arith.constant 0 : i32
        %dma_wait3A_380 = tpu.memref_slice %dma_wait3A_378[%multiple_of3A, %dma_wait3A_379] : memref<416x1024xf32, #tpu.memory_space<hbm>> -> memref<16x1024xf32, #tpu.memory_space<hbm>>
        tpu.wait_dma2 semaphore(%run_scoped3A : memref<!tpu.dma_semaphore, #tpu.memory_space<semaphore_mem>>) src(%dma_wait3A_380 : memref<16x1024xf32, #tpu.memory_space<hbm>>) dst(%dma_wait3A_374 : memref<16x1024xf32, #tpu.memory_space<vmem>>)
        tpu.yield
      }) : () -> ()
      %add3A_345 = arith.addi %add3A_246, %add3A_313 : i32
      %multiple_of3A_346 = tpu.assume_multiple %add3A_345, 8 : i32
      "tpu.region"() ({
        %run_scoped3A = tpu.sem_alloc : memref<!tpu.dma_semaphore, #tpu.memory_space<semaphore_mem>>
        %dma_start3A = arith.constant 0 : i32
        %dma_start3A_347 = arith.constant 0 : i32
        %dma_start3A_348 = tpu.memref_slice %arg7[%dma_start3A, %dma_start3A_347] : memref<96x1024xf32, #tpu.memory_space<vmem>> -> memref<16x1024xf32, #tpu.memory_space<vmem>>
        %dma_start3A_349 = arith.constant 0 : i32
        %dma_start3A_350 = tpu.memref_slice %arg5[%multiple_of3A_346, %dma_start3A_349] : memref<8704x1024xf32, #tpu.memory_space<hbm>> -> memref<16x1024xf32, #tpu.memory_space<hbm>>
        %dma_start3A_351 = arith.constant 0 : i32
        %dma_start3A_352 = tpu.memref_slice %arg5[%multiple_of3A_346, %dma_start3A_351] : memref<8704x1024xf32, #tpu.memory_space<hbm>> -> memref<16x1024xf32, #tpu.memory_space<hbm>>
        %dma_start3A_353 = arith.constant 0 : i32
        %dma_start3A_354 = arith.constant 0 : i32
        %dma_start3A_355 = tpu.memref_slice %arg7[%dma_start3A_353, %dma_start3A_354] : memref<96x1024xf32, #tpu.memory_space<vmem>> -> memref<16x1024xf32, #tpu.memory_space<vmem>>
        tpu.enqueue_dma source(%dma_start3A_355 : memref<16x1024xf32, #tpu.memory_space<vmem>>) target(%dma_start3A_352 : memref<16x1024xf32, #tpu.memory_space<hbm>>) target_semaphore(%run_scoped3A : memref<!tpu.dma_semaphore, #tpu.memory_space<semaphore_mem>>)
        %dma_wait3A = arith.constant 0 : i32
        %dma_wait3A_356 = arith.constant 0 : i32
        %dma_wait3A_357 = tpu.memref_slice %arg7[%dma_wait3A, %dma_wait3A_356] : memref<96x1024xf32, #tpu.memory_space<vmem>> -> memref<16x1024xf32, #tpu.memory_space<vmem>>
        %dma_wait3A_358 = arith.constant 0 : i32
        %dma_wait3A_359 = tpu.memref_slice %arg5[%multiple_of3A_346, %dma_wait3A_358] : memref<8704x1024xf32, #tpu.memory_space<hbm>> -> memref<16x1024xf32, #tpu.memory_space<hbm>>
        %dma_wait3A_360 = arith.constant 0 : i32
        %dma_wait3A_361 = tpu.memref_slice %arg5[%multiple_of3A_346, %dma_wait3A_360] : memref<8704x1024xf32, #tpu.memory_space<hbm>> -> memref<16x1024xf32, #tpu.memory_space<hbm>>
        %dma_wait3A_362 = arith.constant 0 : i32
        %dma_wait3A_363 = arith.constant 0 : i32
        %dma_wait3A_364 = tpu.memref_slice %arg7[%dma_wait3A_362, %dma_wait3A_363] : memref<96x1024xf32, #tpu.memory_space<vmem>> -> memref<16x1024xf32, #tpu.memory_space<vmem>>
        tpu.wait_dma2 semaphore(%run_scoped3A : memref<!tpu.dma_semaphore, #tpu.memory_space<semaphore_mem>>) src(%dma_wait3A_364 : memref<16x1024xf32, #tpu.memory_space<vmem>>) dst(%dma_wait3A_361 : memref<16x1024xf32, #tpu.memory_space<hbm>>)
        tpu.yield
      }) : () -> ()
    } else {
    }
    %and3A_322 = arith.constant -16 : i32
    %and3A_323 = arith.andi %sub3A_288, %and3A_322 : i32
    %add3A_324 = arith.addi %mul3A_287, %and3A_323 : i32
    %and3A_325 = arith.constant 8 : i32
    %and3A_326 = arith.andi %sub3A_288, %and3A_325 : i32
    %ne3A_327 = arith.constant 0 : i32
    %ne3A_328 = arith.cmpi ne, %and3A_326, %ne3A_327 : i32
    %convert_element_type3A_329 = arith.extui %ne3A_328 : i1 to i32
    %cond3A_330 = arith.constant 136 : i32
    %cond3A_331 = arith.constant 0 : i32
    %cond3A_332 = arith.cmpi ne, %convert_element_type3A_329, %cond3A_331 : i32
    scf.if %cond3A_332 {
      %add3A_344 = arith.addi %cond3A_330, %add3A_324 : i32
      %multiple_of3A = tpu.assume_multiple %add3A_344, 8 : i32
      "tpu.region"() ({
        %run_scoped3A = tpu.sem_alloc : memref<!tpu.dma_semaphore, #tpu.memory_space<semaphore_mem>>
        %dma_start3A = arith.constant 0 : i32
        %dma_start3A_347 = arith.constant 0 : i32
        %dma_start3A_348 = tpu.memref_slice %arg7[%dma_start3A, %dma_start3A_347] : memref<96x1024xf32, #tpu.memory_space<vmem>> -> memref<8x1024xf32, #tpu.memory_space<vmem>>
        %dma_start3A_349 = arith.constant 0 : i32
        %dma_start3A_350 = arith.constant 0 : i32
        %dma_start3A_351 = tpu.memref_slice %arg4[%select_n3A, %dma_start3A_349, %dma_start3A_350] : memref<4x416x1024xf32, #tpu.memory_space<hbm>> -> memref<1x416x1024xf32, #tpu.memory_space<hbm>>
        %dma_start3A_352 = tpu.memref_squeeze %dma_start3A_351 : memref<1x416x1024xf32, #tpu.memory_space<hbm>> -> memref<416x1024xf32, #tpu.memory_space<hbm>>
        %dma_start3A_353 = arith.constant 0 : i32
        %dma_start3A_354 = tpu.memref_slice %dma_start3A_352[%multiple_of3A, %dma_start3A_353] : memref<416x1024xf32, #tpu.memory_space<hbm>> -> memref<8x1024xf32, #tpu.memory_space<hbm>>
        %dma_start3A_355 = arith.constant 0 : i32
        %dma_start3A_356 = arith.constant 0 : i32
        %dma_start3A_357 = tpu.memref_slice %arg7[%dma_start3A_355, %dma_start3A_356] : memref<96x1024xf32, #tpu.memory_space<vmem>> -> memref<8x1024xf32, #tpu.memory_space<vmem>>
        %dma_start3A_358 = arith.constant 0 : i32
        %dma_start3A_359 = arith.constant 0 : i32
        %dma_start3A_360 = tpu.memref_slice %arg4[%select_n3A, %dma_start3A_358, %dma_start3A_359] : memref<4x416x1024xf32, #tpu.memory_space<hbm>> -> memref<1x416x1024xf32, #tpu.memory_space<hbm>>
        %dma_start3A_361 = tpu.memref_squeeze %dma_start3A_360 : memref<1x416x1024xf32, #tpu.memory_space<hbm>> -> memref<416x1024xf32, #tpu.memory_space<hbm>>
        %dma_start3A_362 = arith.constant 0 : i32
        %dma_start3A_363 = tpu.memref_slice %dma_start3A_361[%multiple_of3A, %dma_start3A_362] : memref<416x1024xf32, #tpu.memory_space<hbm>> -> memref<8x1024xf32, #tpu.memory_space<hbm>>
        tpu.enqueue_dma source(%dma_start3A_363 : memref<8x1024xf32, #tpu.memory_space<hbm>>) target(%dma_start3A_357 : memref<8x1024xf32, #tpu.memory_space<vmem>>) target_semaphore(%run_scoped3A : memref<!tpu.dma_semaphore, #tpu.memory_space<semaphore_mem>>)
        %dma_wait3A = arith.constant 0 : i32
        %dma_wait3A_364 = arith.constant 0 : i32
        %dma_wait3A_365 = tpu.memref_slice %arg7[%dma_wait3A, %dma_wait3A_364] : memref<96x1024xf32, #tpu.memory_space<vmem>> -> memref<8x1024xf32, #tpu.memory_space<vmem>>
        %dma_wait3A_366 = arith.constant 0 : i32
        %dma_wait3A_367 = arith.constant 0 : i32
        %dma_wait3A_368 = tpu.memref_slice %arg4[%select_n3A, %dma_wait3A_366, %dma_wait3A_367] : memref<4x416x1024xf32, #tpu.memory_space<hbm>> -> memref<1x416x1024xf32, #tpu.memory_space<hbm>>
        %dma_wait3A_369 = tpu.memref_squeeze %dma_wait3A_368 : memref<1x416x1024xf32, #tpu.memory_space<hbm>> -> memref<416x1024xf32, #tpu.memory_space<hbm>>
        %dma_wait3A_370 = arith.constant 0 : i32
        %dma_wait3A_371 = tpu.memref_slice %dma_wait3A_369[%multiple_of3A, %dma_wait3A_370] : memref<416x1024xf32, #tpu.memory_space<hbm>> -> memref<8x1024xf32, #tpu.memory_space<hbm>>
        %dma_wait3A_372 = arith.constant 0 : i32
        %dma_wait3A_373 = arith.constant 0 : i32
        %dma_wait3A_374 = tpu.memref_slice %arg7[%dma_wait3A_372, %dma_wait3A_373] : memref<96x1024xf32, #tpu.memory_space<vmem>> -> memref<8x1024xf32, #tpu.memory_space<vmem>>
        %dma_wait3A_375 = arith.constant 0 : i32
        %dma_wait3A_376 = arith.constant 0 : i32
        %dma_wait3A_377 = tpu.memref_slice %arg4[%select_n3A, %dma_wait3A_375, %dma_wait3A_376] : memref<4x416x1024xf32, #tpu.memory_space<hbm>> -> memref<1x416x1024xf32, #tpu.memory_space<hbm>>
        %dma_wait3A_378 = tpu.memref_squeeze %dma_wait3A_377 : memref<1x416x1024xf32, #tpu.memory_space<hbm>> -> memref<416x1024xf32, #tpu.memory_space<hbm>>
        %dma_wait3A_379 = arith.constant 0 : i32
        %dma_wait3A_380 = tpu.memref_slice %dma_wait3A_378[%multiple_of3A, %dma_wait3A_379] : memref<416x1024xf32, #tpu.memory_space<hbm>> -> memref<8x1024xf32, #tpu.memory_space<hbm>>
        tpu.wait_dma2 semaphore(%run_scoped3A : memref<!tpu.dma_semaphore, #tpu.memory_space<semaphore_mem>>) src(%dma_wait3A_380 : memref<8x1024xf32, #tpu.memory_space<hbm>>) dst(%dma_wait3A_374 : memref<8x1024xf32, #tpu.memory_space<vmem>>)
        tpu.yield
      }) : () -> ()
      %add3A_345 = arith.addi %add3A_246, %add3A_324 : i32
      %multiple_of3A_346 = tpu.assume_multiple %add3A_345, 8 : i32
      "tpu.region"() ({
        %run_scoped3A = tpu.sem_alloc : memref<!tpu.dma_semaphore, #tpu.memory_space<semaphore_mem>>
        %dma_start3A = arith.constant 0 : i32
        %dma_start3A_347 = arith.constant 0 : i32
        %dma_start3A_348 = tpu.memref_slice %arg7[%dma_start3A, %dma_start3A_347] : memref<96x1024xf32, #tpu.memory_space<vmem>> -> memref<8x1024xf32, #tpu.memory_space<vmem>>
        %dma_start3A_349 = arith.constant 0 : i32
        %dma_start3A_350 = tpu.memref_slice %arg5[%multiple_of3A_346, %dma_start3A_349] : memref<8704x1024xf32, #tpu.memory_space<hbm>> -> memref<8x1024xf32, #tpu.memory_space<hbm>>
        %dma_start3A_351 = arith.constant 0 : i32
        %dma_start3A_352 = tpu.memref_slice %arg5[%multiple_of3A_346, %dma_start3A_351] : memref<8704x1024xf32, #tpu.memory_space<hbm>> -> memref<8x1024xf32, #tpu.memory_space<hbm>>
        %dma_start3A_353 = arith.constant 0 : i32
        %dma_start3A_354 = arith.constant 0 : i32
        %dma_start3A_355 = tpu.memref_slice %arg7[%dma_start3A_353, %dma_start3A_354] : memref<96x1024xf32, #tpu.memory_space<vmem>> -> memref<8x1024xf32, #tpu.memory_space<vmem>>
        tpu.enqueue_dma source(%dma_start3A_355 : memref<8x1024xf32, #tpu.memory_space<vmem>>) target(%dma_start3A_352 : memref<8x1024xf32, #tpu.memory_space<hbm>>) target_semaphore(%run_scoped3A : memref<!tpu.dma_semaphore, #tpu.memory_space<semaphore_mem>>)
        %dma_wait3A = arith.constant 0 : i32
        %dma_wait3A_356 = arith.constant 0 : i32
        %dma_wait3A_357 = tpu.memref_slice %arg7[%dma_wait3A, %dma_wait3A_356] : memref<96x1024xf32, #tpu.memory_space<vmem>> -> memref<8x1024xf32, #tpu.memory_space<vmem>>
        %dma_wait3A_358 = arith.constant 0 : i32
        %dma_wait3A_359 = tpu.memref_slice %arg5[%multiple_of3A_346, %dma_wait3A_358] : memref<8704x1024xf32, #tpu.memory_space<hbm>> -> memref<8x1024xf32, #tpu.memory_space<hbm>>
        %dma_wait3A_360 = arith.constant 0 : i32
        %dma_wait3A_361 = tpu.memref_slice %arg5[%multiple_of3A_346, %dma_wait3A_360] : memref<8704x1024xf32, #tpu.memory_space<hbm>> -> memref<8x1024xf32, #tpu.memory_space<hbm>>
        %dma_wait3A_362 = arith.constant 0 : i32
        %dma_wait3A_363 = arith.constant 0 : i32
        %dma_wait3A_364 = tpu.memref_slice %arg7[%dma_wait3A_362, %dma_wait3A_363] : memref<96x1024xf32, #tpu.memory_space<vmem>> -> memref<8x1024xf32, #tpu.memory_space<vmem>>
        tpu.wait_dma2 semaphore(%run_scoped3A : memref<!tpu.dma_semaphore, #tpu.memory_space<semaphore_mem>>) src(%dma_wait3A_364 : memref<8x1024xf32, #tpu.memory_space<vmem>>) dst(%dma_wait3A_361 : memref<8x1024xf32, #tpu.memory_space<hbm>>)
        tpu.yield
      }) : () -> ()
    } else {
    }
    %gt3A_333 = arith.constant 0 : i32
    %gt3A_334 = arith.cmpi sgt, %select_n3A_50, %gt3A_333 : i32
    %ge3A_335 = arith.cmpi sge, %sub3A_51, %mul3A_32 : i32
    %and3A_336 = arith.andi %gt3A_334, %ge3A_335 : i1
    %add3A_337 = arith.constant 272 : i32
    %add3A_338 = arith.addi %mul3A_32, %add3A_337 : i32
    %lt3A_339 = arith.cmpi slt, %sub3A_51, %add3A_338 : i32
    %and3A_340 = arith.andi %and3A_336, %lt3A_339 : i1
    %convert_element_type3A_341 = arith.extui %and3A_340 : i1 to i32
    %cond3A_342 = arith.constant 0 : i32
    %cond3A_343 = arith.cmpi ne, %convert_element_type3A_341, %cond3A_342 : i32
    scf.if %cond3A_343 {
      %mul3A_344 = arith.constant 2048 : i32
      %mul3A_345 = arith.muli %select_n3A, %mul3A_344 : i32
      %add3A_346 = arith.addi %mul3A_345, %sub3A_51 : i32
      %multiple_of3A = tpu.assume_multiple %add3A_346, 8 : i32
      "tpu.region"() ({
        %run_scoped3A = tpu.sem_alloc : memref<!tpu.dma_semaphore, #tpu.memory_space<semaphore_mem>>
        %dma_start3A = arith.constant 0 : i32
        %dma_start3A_362 = tpu.memref_slice %arg2[%multiple_of3A, %dma_start3A] : memref<8192x1024xf32, #tpu.memory_space<hbm>> -> memref<8x1024xf32, #tpu.memory_space<hbm>>
        %dma_start3A_363 = arith.constant 0 : i32
        %dma_start3A_364 = tpu.memref_slice %arg2[%multiple_of3A, %dma_start3A_363] : memref<8192x1024xf32, #tpu.memory_space<hbm>> -> memref<8x1024xf32, #tpu.memory_space<hbm>>
        tpu.enqueue_dma source(%dma_start3A_364 : memref<8x1024xf32, #tpu.memory_space<hbm>>) target(%arg8 : memref<8x1024xf32, #tpu.memory_space<vmem>>) target_semaphore(%run_scoped3A : memref<!tpu.dma_semaphore, #tpu.memory_space<semaphore_mem>>)
        %dma_wait3A = arith.constant 0 : i32
        %dma_wait3A_365 = tpu.memref_slice %arg2[%multiple_of3A, %dma_wait3A] : memref<8192x1024xf32, #tpu.memory_space<hbm>> -> memref<8x1024xf32, #tpu.memory_space<hbm>>
        %dma_wait3A_366 = arith.constant 0 : i32
        %dma_wait3A_367 = tpu.memref_slice %arg2[%multiple_of3A, %dma_wait3A_366] : memref<8192x1024xf32, #tpu.memory_space<hbm>> -> memref<8x1024xf32, #tpu.memory_space<hbm>>
        tpu.wait_dma2 semaphore(%run_scoped3A : memref<!tpu.dma_semaphore, #tpu.memory_space<semaphore_mem>>) src(%dma_wait3A_367 : memref<8x1024xf32, #tpu.memory_space<hbm>>) dst(%arg8 : memref<8x1024xf32, #tpu.memory_space<vmem>>)
        tpu.yield
      }) : () -> ()
      "tpu.region"() ({
        %run_scoped3A = tpu.sem_alloc : memref<!tpu.dma_semaphore, #tpu.memory_space<semaphore_mem>>
        %dma_start3A = arith.constant 0 : i32
        %dma_start3A_362 = arith.constant 0 : i32
        %dma_start3A_363 = tpu.memref_slice %arg4[%select_n3A, %dma_start3A, %dma_start3A_362] : memref<4x416x1024xf32, #tpu.memory_space<hbm>> -> memref<1x8x1024xf32, #tpu.memory_space<hbm>>
        %dma_start3A_364 = tpu.memref_squeeze %dma_start3A_363 : memref<1x8x1024xf32, #tpu.memory_space<hbm>> -> memref<8x1024xf32, #tpu.memory_space<hbm>>
        %dma_start3A_365 = arith.constant 0 : i32
        %dma_start3A_366 = arith.constant 0 : i32
        %dma_start3A_367 = tpu.memref_slice %arg4[%select_n3A, %dma_start3A_365, %dma_start3A_366] : memref<4x416x1024xf32, #tpu.memory_space<hbm>> -> memref<1x8x1024xf32, #tpu.memory_space<hbm>>
        %dma_start3A_368 = tpu.memref_squeeze %dma_start3A_367 : memref<1x8x1024xf32, #tpu.memory_space<hbm>> -> memref<8x1024xf32, #tpu.memory_space<hbm>>
        tpu.enqueue_dma source(%dma_start3A_368 : memref<8x1024xf32, #tpu.memory_space<hbm>>) target(%arg9 : memref<8x1024xf32, #tpu.memory_space<vmem>>) target_semaphore(%run_scoped3A : memref<!tpu.dma_semaphore, #tpu.memory_space<semaphore_mem>>)
        %dma_wait3A = arith.constant 0 : i32
        %dma_wait3A_369 = arith.constant 0 : i32
        %dma_wait3A_370 = tpu.memref_slice %arg4[%select_n3A, %dma_wait3A, %dma_wait3A_369] : memref<4x416x1024xf32, #tpu.memory_space<hbm>> -> memref<1x8x1024xf32, #tpu.memory_space<hbm>>
        %dma_wait3A_371 = tpu.memref_squeeze %dma_wait3A_370 : memref<1x8x1024xf32, #tpu.memory_space<hbm>> -> memref<8x1024xf32, #tpu.memory_space<hbm>>
        %dma_wait3A_372 = arith.constant 0 : i32
        %dma_wait3A_373 = arith.constant 0 : i32
        %dma_wait3A_374 = tpu.memref_slice %arg4[%select_n3A, %dma_wait3A_372, %dma_wait3A_373] : memref<4x416x1024xf32, #tpu.memory_space<hbm>> -> memref<1x8x1024xf32, #tpu.memory_space<hbm>>
        %dma_wait3A_375 = tpu.memref_squeeze %dma_wait3A_374 : memref<1x8x1024xf32, #tpu.memory_space<hbm>> -> memref<8x1024xf32, #tpu.memory_space<hbm>>
        tpu.wait_dma2 semaphore(%run_scoped3A : memref<!tpu.dma_semaphore, #tpu.memory_space<semaphore_mem>>) src(%dma_wait3A_375 : memref<8x1024xf32, #tpu.memory_space<hbm>>) dst(%arg9 : memref<8x1024xf32, #tpu.memory_space<vmem>>)
        tpu.yield
      }) : () -> ()
      %mul3A_347 = arith.constant 64 : i32
      %mul3A_348 = arith.muli %select_n3A_50, %mul3A_347 : i32
      %while3A = arith.constant 0 : i32
      %while3A_349 = arith.constant 0 : i32
      %while3A_350 = arith.subi %mul3A_348, %while3A : i32
      %while3A_351 = arith.addi %while3A, %while3A_350 : i32
      %while3A_352 = arith.constant 1 : i32
      %while3A_353 = arith.divsi %while3A_350, %while3A_352 : i32
      %while3A_354 = arith.muli %while3A_353, %while3A_352 : i32
      %while3A_355 = arith.addi %while3A, %while3A_354 : i32
      %while3A_356 = arith.constant 1 : i32
      %while3A_357 = scf.for %while3A_362 = %while3A to %while3A_355 step %while3A_356 iter_args(%while3A_363 = %while3A_349) -> (i32)  : i32 {
        %jit3A_364 = arith.constant 64 : i32
        %div3A_365 = arith.divsi %while3A_362, %jit3A_364 : i32
        %sign3A_366 = arith.constant 0 : i32
        %sign3A_367 = arith.cmpi sgt, %while3A_362, %sign3A_366 : i32
        %sign3A_368 = arith.extui %sign3A_367 : i1 to i32
        %sign3A_369 = arith.constant 0 : i32
        %sign3A_370 = arith.cmpi slt, %while3A_362, %sign3A_369 : i32
        %sign3A_371 = arith.extui %sign3A_370 : i1 to i32
        %sign3A_372 = arith.subi %sign3A_368, %sign3A_371 : i32
        %sign3A_373 = arith.constant 0 : i32
        %sign3A_374 = arith.cmpi sgt, %jit3A_364, %sign3A_373 : i32
        %sign3A_375 = arith.extui %sign3A_374 : i1 to i32
        %sign3A_376 = arith.constant 0 : i32
        %sign3A_377 = arith.cmpi slt, %jit3A_364, %sign3A_376 : i32
        %sign3A_378 = arith.extui %sign3A_377 : i1 to i32
        %sign3A_379 = arith.subi %sign3A_375, %sign3A_378 : i32
        %ne3A_380 = arith.cmpi ne, %sign3A_372, %sign3A_379 : i32
        %rem3A_381 = arith.remsi %while3A_362, %jit3A_364 : i32
        %ne3A_382 = arith.constant 0 : i32
        %ne3A_383 = arith.cmpi ne, %rem3A_381, %ne3A_382 : i32
        %and3A_384 = arith.andi %ne3A_380, %ne3A_383 : i1
        %sub3A_385 = arith.constant 1 : i32
        %sub3A_386 = arith.subi %div3A_365, %sub3A_385 : i32
        %select_n3A_387 = arith.select %and3A_384, %sub3A_386, %div3A_365 : i32
        %jit3A_388 = arith.constant 64 : i32
        %eq3A_389 = arith.constant 0 : i32
        %eq3A_390 = arith.cmpi eq, %jit3A_388, %eq3A_389 : i32
        %jit3A_391 = arith.constant 1 : i32
        %select_n3A_392 = arith.select %eq3A_390, %jit3A_391, %jit3A_388 : i32
        %rem3A_393 = arith.remsi %while3A_362, %select_n3A_392 : i32
        %ne3A_394 = arith.constant 0 : i32
        %ne3A_395 = arith.cmpi ne, %rem3A_393, %ne3A_394 : i32
        %lt3A_396 = arith.constant 0 : i32
        %lt3A_397 = arith.cmpi slt, %rem3A_393, %lt3A_396 : i32
        %lt3A_398 = arith.constant 0 : i32
        %lt3A_399 = arith.cmpi slt, %select_n3A_392, %lt3A_398 : i32
        %ne3A_400 = arith.xori %lt3A_397, %lt3A_399 : i1
        %and3A_401 = arith.andi %ne3A_400, %ne3A_395 : i1
        %add3A_402 = arith.addi %rem3A_393, %select_n3A_392 : i32
        %select_n3A_403 = arith.select %and3A_401, %add3A_402, %rem3A_393 : i32
        %mul3A_404 = arith.constant 16 : i32
        %mul3A_405 = arith.muli %select_n3A_403, %mul3A_404 : i32
        %get3A_406 = arith.index_cast %select_n3A_387 : i32 to index
        %get3A_407 = arith.index_cast %mul3A_405 : i32 to index
        %get3A_408 = tpu.vector_load %arg8[%get3A_406, %get3A_407] {strides = array<i32>} : memref<8x1024xf32, #tpu.memory_space<vmem>>, vector<1x16xf32>,
        %get3A_409 = vector.shape_cast %get3A_408 : vector<1x16xf32> to vector<16xf32>
        %swap3A = arith.index_cast %select_n3A_387 : i32 to index
        %swap3A_410 = arith.index_cast %mul3A_405 : i32 to index
        %swap3A_411 = tpu.vector_load %arg9[%swap3A, %swap3A_410] {strides = array<i32>} : memref<8x1024xf32, #tpu.memory_space<vmem>>, vector<1x16xf32>,
        %swap3A_412 = vector.shape_cast %swap3A_411 : vector<1x16xf32> to vector<16xf32>
        %swap3A_413 = vector.shape_cast %get3A_409 : vector<16xf32> to vector<1x16xf32>
        tpu.vector_store %arg9[%swap3A, %swap3A_410], %swap3A_413 {strides = array<i32>} : memref<8x1024xf32, #tpu.memory_space<vmem>>, vector<1x16xf32>,
        %while3A_414 = arith.constant 0 : i32
        scf.yield %while3A_414 : i32
      }
      %while3A_358 = arith.constant 1 : i32
      %while3A_359 = scf.for %while3A_362 = %while3A_355 to %while3A_351 step %while3A_358 iter_args(%while3A_363 = %while3A_357) -> (i32)  : i32 {
        %jit3A_364 = arith.constant 64 : i32
        %div3A_365 = arith.divsi %while3A_362, %jit3A_364 : i32
        %sign3A_366 = arith.constant 0 : i32
        %sign3A_367 = arith.cmpi sgt, %while3A_362, %sign3A_366 : i32
        %sign3A_368 = arith.extui %sign3A_367 : i1 to i32
        %sign3A_369 = arith.constant 0 : i32
        %sign3A_370 = arith.cmpi slt, %while3A_362, %sign3A_369 : i32
        %sign3A_371 = arith.extui %sign3A_370 : i1 to i32
        %sign3A_372 = arith.subi %sign3A_368, %sign3A_371 : i32
        %sign3A_373 = arith.constant 0 : i32
        %sign3A_374 = arith.cmpi sgt, %jit3A_364, %sign3A_373 : i32
        %sign3A_375 = arith.extui %sign3A_374 : i1 to i32
        %sign3A_376 = arith.constant 0 : i32
        %sign3A_377 = arith.cmpi slt, %jit3A_364, %sign3A_376 : i32
        %sign3A_378 = arith.extui %sign3A_377 : i1 to i32
        %sign3A_379 = arith.subi %sign3A_375, %sign3A_378 : i32
        %ne3A_380 = arith.cmpi ne, %sign3A_372, %sign3A_379 : i32
        %rem3A_381 = arith.remsi %while3A_362, %jit3A_364 : i32
        %ne3A_382 = arith.constant 0 : i32
        %ne3A_383 = arith.cmpi ne, %rem3A_381, %ne3A_382 : i32
        %and3A_384 = arith.andi %ne3A_380, %ne3A_383 : i1
        %sub3A_385 = arith.constant 1 : i32
        %sub3A_386 = arith.subi %div3A_365, %sub3A_385 : i32
        %select_n3A_387 = arith.select %and3A_384, %sub3A_386, %div3A_365 : i32
        %jit3A_388 = arith.constant 64 : i32
        %eq3A_389 = arith.constant 0 : i32
        %eq3A_390 = arith.cmpi eq, %jit3A_388, %eq3A_389 : i32
        %jit3A_391 = arith.constant 1 : i32
        %select_n3A_392 = arith.select %eq3A_390, %jit3A_391, %jit3A_388 : i32
        %rem3A_393 = arith.remsi %while3A_362, %select_n3A_392 : i32
        %ne3A_394 = arith.constant 0 : i32
        %ne3A_395 = arith.cmpi ne, %rem3A_393, %ne3A_394 : i32
        %lt3A_396 = arith.constant 0 : i32
        %lt3A_397 = arith.cmpi slt, %rem3A_393, %lt3A_396 : i32
        %lt3A_398 = arith.constant 0 : i32
        %lt3A_399 = arith.cmpi slt, %select_n3A_392, %lt3A_398 : i32
        %ne3A_400 = arith.xori %lt3A_397, %lt3A_399 : i1
        %and3A_401 = arith.andi %ne3A_400, %ne3A_395 : i1
        %add3A_402 = arith.addi %rem3A_393, %select_n3A_392 : i32
        %select_n3A_403 = arith.select %and3A_401, %add3A_402, %rem3A_393 : i32
        %mul3A_404 = arith.constant 16 : i32
        %mul3A_405 = arith.muli %select_n3A_403, %mul3A_404 : i32
        %get3A_406 = arith.index_cast %select_n3A_387 : i32 to index
        %get3A_407 = arith.index_cast %mul3A_405 : i32 to index
        %get3A_408 = tpu.vector_load %arg8[%get3A_406, %get3A_407] {strides = array<i32>} : memref<8x1024xf32, #tpu.memory_space<vmem>>, vector<1x16xf32>,
        %get3A_409 = vector.shape_cast %get3A_408 : vector<1x16xf32> to vector<16xf32>
        %swap3A = arith.index_cast %select_n3A_387 : i32 to index
        %swap3A_410 = arith.index_cast %mul3A_405 : i32 to index
        %swap3A_411 = tpu.vector_load %arg9[%swap3A, %swap3A_410] {strides = array<i32>} : memref<8x1024xf32, #tpu.memory_space<vmem>>, vector<1x16xf32>,
        %swap3A_412 = vector.shape_cast %swap3A_411 : vector<1x16xf32> to vector<16xf32>
        %swap3A_413 = vector.shape_cast %get3A_409 : vector<16xf32> to vector<1x16xf32>
        tpu.vector_store %arg9[%swap3A, %swap3A_410], %swap3A_413 {strides = array<i32>} : memref<8x1024xf32, #tpu.memory_space<vmem>>, vector<1x16xf32>,
        %while3A_414 = arith.constant 0 : i32
        scf.yield %while3A_414 : i32
      }
      %add3A_360 = arith.addi %mul3A_55, %sub3A_51 : i32
      %multiple_of3A_361 = tpu.assume_multiple %add3A_360, 8 : i32
      "tpu.region"() ({
        %run_scoped3A = tpu.sem_alloc : memref<!tpu.dma_semaphore, #tpu.memory_space<semaphore_mem>>
        %dma_start3A = arith.constant 0 : i32
        %dma_start3A_362 = tpu.memref_slice %arg5[%multiple_of3A_361, %dma_start3A] : memref<8704x1024xf32, #tpu.memory_space<hbm>> -> memref<8x1024xf32, #tpu.memory_space<hbm>>
        %dma_start3A_363 = arith.constant 0 : i32
        %dma_start3A_364 = tpu.memref_slice %arg5[%multiple_of3A_361, %dma_start3A_363] : memref<8704x1024xf32, #tpu.memory_space<hbm>> -> memref<8x1024xf32, #tpu.memory_space<hbm>>
        tpu.enqueue_dma source(%arg9 : memref<8x1024xf32, #tpu.memory_space<vmem>>) target(%dma_start3A_364 : memref<8x1024xf32, #tpu.memory_space<hbm>>) target_semaphore(%run_scoped3A : memref<!tpu.dma_semaphore, #tpu.memory_space<semaphore_mem>>)
        %dma_wait3A = arith.constant 0 : i32
        %dma_wait3A_365 = tpu.memref_slice %arg5[%multiple_of3A_361, %dma_wait3A] : memref<8704x1024xf32, #tpu.memory_space<hbm>> -> memref<8x1024xf32, #tpu.memory_space<hbm>>
        %dma_wait3A_366 = arith.constant 0 : i32
        %dma_wait3A_367 = tpu.memref_slice %arg5[%multiple_of3A_361, %dma_wait3A_366] : memref<8704x1024xf32, #tpu.memory_space<hbm>> -> memref<8x1024xf32, #tpu.memory_space<hbm>>
        tpu.wait_dma2 semaphore(%run_scoped3A : memref<!tpu.dma_semaphore, #tpu.memory_space<semaphore_mem>>) src(%arg9 : memref<8x1024xf32, #tpu.memory_space<vmem>>) dst(%dma_wait3A_367 : memref<8x1024xf32, #tpu.memory_space<hbm>>)
        tpu.yield
      }) : () -> ()
    } else {
    }
    return
  }
}

module attributes {stable_mosaic.version = 14 : i64} {
  func.func @_mlp_body(%arg0: memref<4xi32, #tpu.memory_space<smem>>, %arg1: memref<128x1024xf32, #tpu.memory_space<vmem>>, %arg2: memref<1024x1024xf32, #tpu.memory_space<vmem>>, %arg3: memref<1x1024xf32, #tpu.memory_space<vmem>>, %arg4: memref<1024x1024xf32, #tpu.memory_space<vmem>>, %arg5: memref<1x1024xf32, #tpu.memory_space<vmem>>, %arg6: memref<4x416x1024xf32, #tpu.memory_space<vmem>>) attributes {dimension_semantics = [], scalar_prefetch = 0 : i64, scratch_operands = 0 : i64, tpu.core_type = #tpu.core_type<tc>} {
    %get3A = arith.constant 0 : index
    %get3A_0 = arith.constant 0 : index
    %get3A_1 = vector.load %arg1[%get3A, %get3A_0] : memref<128x1024xf32, #tpu.memory_space<vmem>>, vector<128x1024xf32>
    %get3A_2 = arith.constant 0 : index
    %get3A_3 = arith.constant 0 : index
    %get3A_4 = vector.load %arg2[%get3A_2, %get3A_3] : memref<1024x1024xf32, #tpu.memory_space<vmem>>, vector<1024x1024xf32>
    %dot_general3A = arith.constant dense<0.000000e+00> : vector<128x1024xf32>
    %dot_general3A_5 = tpu.matmul %get3A_1, %get3A_4, %dot_general3A {dimension_numbers = #tpu.dot_dimension_numbers<[1], [0], [0], [1], [0, 0, 1, 1], [], []>, transpose_lhs_hint = false} : vector<128x1024xf32>, vector<1024x1024xf32>, vector<128x1024xf32> -> vector<128x1024xf32>
    %get3A_6 = arith.constant 0 : index
    %get3A_7 = arith.constant 0 : index
    %get3A_8 = vector.load %arg3[%get3A_6, %get3A_7] : memref<1x1024xf32, #tpu.memory_space<vmem>>, vector<1x1024xf32>
    %add3A = vector.broadcast %get3A_8 : vector<1x1024xf32> to vector<128x1024xf32>
    %add3A_9 = arith.addf %dot_general3A_5, %add3A : vector<128x1024xf32>
    %tanh3A = math.tanh %add3A_9 : vector<128x1024xf32>
    %get3A_10 = arith.constant 0 : index
    %get3A_11 = arith.constant 0 : index
    %get3A_12 = vector.load %arg4[%get3A_10, %get3A_11] : memref<1024x1024xf32, #tpu.memory_space<vmem>>, vector<1024x1024xf32>
    %dot_general3A_13 = arith.constant dense<0.000000e+00> : vector<128x1024xf32>
    %dot_general3A_14 = tpu.matmul %tanh3A, %get3A_12, %dot_general3A_13 {dimension_numbers = #tpu.dot_dimension_numbers<[1], [0], [0], [1], [0, 0, 1, 1], [], []>, transpose_lhs_hint = false} : vector<128x1024xf32>, vector<1024x1024xf32>, vector<128x1024xf32> -> vector<128x1024xf32>
    %get3A_15 = arith.constant 0 : index
    %get3A_16 = arith.constant 0 : index
    %get3A_17 = vector.load %arg5[%get3A_15, %get3A_16] : memref<1x1024xf32, #tpu.memory_space<vmem>>, vector<1x1024xf32>
    %add3A_18 = vector.broadcast %get3A_17 : vector<1x1024xf32> to vector<128x1024xf32>
    %add3A_19 = arith.addf %dot_general3A_14, %add3A_18 : vector<128x1024xf32>
    %broadcast_in_dim3A = arith.constant 0.000000e+00 : f32
    %broadcast_in_dim3A_20 = vector.broadcast %broadcast_in_dim3A : f32 to vector<4x416x1024xf32>
    %swap3A = arith.constant 0 : index
    %swap3A_21 = arith.constant 0 : index
    %swap3A_22 = arith.constant 0 : index
    %swap3A_23 = vector.load %arg6[%swap3A, %swap3A_21, %swap3A_22] : memref<4x416x1024xf32, #tpu.memory_space<vmem>>, vector<4x416x1024xf32>
    tpu.vector_store %arg6[%swap3A, %swap3A_21, %swap3A_22], %broadcast_in_dim3A_20 {strides = array<i32>} : memref<4x416x1024xf32, #tpu.memory_space<vmem>>, vector<4x416x1024xf32>,
    %get3A_24 = arith.constant 0 : index
    %get3A_25 = memref.load %arg0[%get3A_24] : memref<4xi32, #tpu.memory_space<smem>>
    %jit3A = arith.constant 8 : i32
    %eq3A = arith.constant 0 : i32
    %eq3A_26 = arith.cmpi eq, %jit3A, %eq3A : i32
    %jit3A_27 = arith.constant 1 : i32
    %select_n3A = arith.select %eq3A_26, %jit3A_27, %jit3A : i32
    %rem3A = arith.remsi %get3A_25, %select_n3A : i32
    %ne3A = arith.constant 0 : i32
    %ne3A_28 = arith.cmpi ne, %rem3A, %ne3A : i32
    %lt3A = arith.constant 0 : i32
    %lt3A_29 = arith.cmpi slt, %rem3A, %lt3A : i32
    %lt3A_30 = arith.constant 0 : i32
    %lt3A_31 = arith.cmpi slt, %select_n3A, %lt3A_30 : i32
    %ne3A_32 = arith.xori %lt3A_29, %lt3A_31 : i1
    %and3A = arith.andi %ne3A_32, %ne3A_28 : i1
    %add3A_33 = arith.addi %rem3A, %select_n3A : i32
    %select_n3A_34 = arith.select %and3A, %add3A_33, %rem3A : i32
    %eq3A_35 = arith.constant 0 : i32
    %eq3A_36 = arith.cmpi eq, %select_n3A_34, %eq3A_35 : i32
    %convert_element_type3A = arith.extui %eq3A_36 : i1 to i32
    %cond3A = arith.constant 0 : i32
    %cond3A_37 = arith.cmpi ne, %convert_element_type3A, %cond3A : i32
    scf.if %cond3A_37 {
      %swap3A_247 = arith.constant 0 : index
      %swap3A_248 = arith.constant 0 : index
      %swap3A_249 = arith.constant 0 : index
      %swap3A_250 = vector.load %arg6[%swap3A_247, %swap3A_248, %swap3A_249] : memref<4x416x1024xf32, #tpu.memory_space<vmem>>, vector<1x128x1024xf32>
      %swap3A_251 = vector.shape_cast %swap3A_250 : vector<1x128x1024xf32> to vector<128x1024xf32>
      %swap3A_252 = vector.shape_cast %add3A_19 : vector<128x1024xf32> to vector<1x128x1024xf32>
      tpu.vector_store %arg6[%swap3A_247, %swap3A_248, %swap3A_249], %swap3A_252 {strides = array<i32>} : memref<4x416x1024xf32, #tpu.memory_space<vmem>>, vector<1x128x1024xf32>,
    } else {
    }
    %eq3A_38 = arith.constant 1 : i32
    %eq3A_39 = arith.cmpi eq, %select_n3A_34, %eq3A_38 : i32
    %convert_element_type3A_40 = arith.extui %eq3A_39 : i1 to i32
    %cond3A_41 = arith.constant 0 : i32
    %cond3A_42 = arith.cmpi ne, %convert_element_type3A_40, %cond3A_41 : i32
    scf.if %cond3A_42 {
      %swap3A_247 = arith.constant 0 : index
      %swap3A_248 = arith.constant 1 : index
      %swap3A_249 = arith.constant 0 : index
      %swap3A_250 = vector.load %arg6[%swap3A_247, %swap3A_248, %swap3A_249] : memref<4x416x1024xf32, #tpu.memory_space<vmem>>, vector<1x128x1024xf32>
      %swap3A_251 = vector.shape_cast %swap3A_250 : vector<1x128x1024xf32> to vector<128x1024xf32>
      %swap3A_252 = vector.shape_cast %add3A_19 : vector<128x1024xf32> to vector<1x128x1024xf32>
      tpu.vector_store %arg6[%swap3A_247, %swap3A_248, %swap3A_249], %swap3A_252 {strides = array<i32>} : memref<4x416x1024xf32, #tpu.memory_space<vmem>>, vector<1x128x1024xf32>,
    } else {
    }
    %eq3A_43 = arith.constant 2 : i32
    %eq3A_44 = arith.cmpi eq, %select_n3A_34, %eq3A_43 : i32
    %convert_element_type3A_45 = arith.extui %eq3A_44 : i1 to i32
    %cond3A_46 = arith.constant 0 : i32
    %cond3A_47 = arith.cmpi ne, %convert_element_type3A_45, %cond3A_46 : i32
    scf.if %cond3A_47 {
      %swap3A_247 = arith.constant 0 : index
      %swap3A_248 = arith.constant 2 : index
      %swap3A_249 = arith.constant 0 : index
      %swap3A_250 = vector.load %arg6[%swap3A_247, %swap3A_248, %swap3A_249] : memref<4x416x1024xf32, #tpu.memory_space<vmem>>, vector<1x128x1024xf32>
      %swap3A_251 = vector.shape_cast %swap3A_250 : vector<1x128x1024xf32> to vector<128x1024xf32>
      %swap3A_252 = vector.shape_cast %add3A_19 : vector<128x1024xf32> to vector<1x128x1024xf32>
      tpu.vector_store %arg6[%swap3A_247, %swap3A_248, %swap3A_249], %swap3A_252 {strides = array<i32>} : memref<4x416x1024xf32, #tpu.memory_space<vmem>>, vector<1x128x1024xf32>,
    } else {
    }
    %eq3A_48 = arith.constant 3 : i32
    %eq3A_49 = arith.cmpi eq, %select_n3A_34, %eq3A_48 : i32
    %convert_element_type3A_50 = arith.extui %eq3A_49 : i1 to i32
    %cond3A_51 = arith.constant 0 : i32
    %cond3A_52 = arith.cmpi ne, %convert_element_type3A_50, %cond3A_51 : i32
    scf.if %cond3A_52 {
      %swap3A_247 = arith.constant 0 : index
      %swap3A_248 = arith.constant 3 : index
      %swap3A_249 = arith.constant 0 : index
      %swap3A_250 = vector.load %arg6[%swap3A_247, %swap3A_248, %swap3A_249] : memref<4x416x1024xf32, #tpu.memory_space<vmem>>, vector<1x128x1024xf32>
      %swap3A_251 = vector.shape_cast %swap3A_250 : vector<1x128x1024xf32> to vector<128x1024xf32>
      %swap3A_252 = vector.shape_cast %add3A_19 : vector<128x1024xf32> to vector<1x128x1024xf32>
      tpu.vector_store %arg6[%swap3A_247, %swap3A_248, %swap3A_249], %swap3A_252 {strides = array<i32>} : memref<4x416x1024xf32, #tpu.memory_space<vmem>>, vector<1x128x1024xf32>,
    } else {
    }
    %eq3A_53 = arith.constant 4 : i32
    %eq3A_54 = arith.cmpi eq, %select_n3A_34, %eq3A_53 : i32
    %convert_element_type3A_55 = arith.extui %eq3A_54 : i1 to i32
    %cond3A_56 = arith.constant 0 : i32
    %cond3A_57 = arith.cmpi ne, %convert_element_type3A_55, %cond3A_56 : i32
    scf.if %cond3A_57 {
      %swap3A_247 = arith.constant 0 : index
      %swap3A_248 = arith.constant 4 : index
      %swap3A_249 = arith.constant 0 : index
      %swap3A_250 = vector.load %arg6[%swap3A_247, %swap3A_248, %swap3A_249] : memref<4x416x1024xf32, #tpu.memory_space<vmem>>, vector<1x128x1024xf32>
      %swap3A_251 = vector.shape_cast %swap3A_250 : vector<1x128x1024xf32> to vector<128x1024xf32>
      %swap3A_252 = vector.shape_cast %add3A_19 : vector<128x1024xf32> to vector<1x128x1024xf32>
      tpu.vector_store %arg6[%swap3A_247, %swap3A_248, %swap3A_249], %swap3A_252 {strides = array<i32>} : memref<4x416x1024xf32, #tpu.memory_space<vmem>>, vector<1x128x1024xf32>,
    } else {
    }
    %eq3A_58 = arith.constant 5 : i32
    %eq3A_59 = arith.cmpi eq, %select_n3A_34, %eq3A_58 : i32
    %convert_element_type3A_60 = arith.extui %eq3A_59 : i1 to i32
    %cond3A_61 = arith.constant 0 : i32
    %cond3A_62 = arith.cmpi ne, %convert_element_type3A_60, %cond3A_61 : i32
    scf.if %cond3A_62 {
      %swap3A_247 = arith.constant 0 : index
      %swap3A_248 = arith.constant 5 : index
      %swap3A_249 = arith.constant 0 : index
      %swap3A_250 = vector.load %arg6[%swap3A_247, %swap3A_248, %swap3A_249] : memref<4x416x1024xf32, #tpu.memory_space<vmem>>, vector<1x128x1024xf32>
      %swap3A_251 = vector.shape_cast %swap3A_250 : vector<1x128x1024xf32> to vector<128x1024xf32>
      %swap3A_252 = vector.shape_cast %add3A_19 : vector<128x1024xf32> to vector<1x128x1024xf32>
      tpu.vector_store %arg6[%swap3A_247, %swap3A_248, %swap3A_249], %swap3A_252 {strides = array<i32>} : memref<4x416x1024xf32, #tpu.memory_space<vmem>>, vector<1x128x1024xf32>,
    } else {
    }
    %eq3A_63 = arith.constant 6 : i32
    %eq3A_64 = arith.cmpi eq, %select_n3A_34, %eq3A_63 : i32
    %convert_element_type3A_65 = arith.extui %eq3A_64 : i1 to i32
    %cond3A_66 = arith.constant 0 : i32
    %cond3A_67 = arith.cmpi ne, %convert_element_type3A_65, %cond3A_66 : i32
    scf.if %cond3A_67 {
      %swap3A_247 = arith.constant 0 : index
      %swap3A_248 = arith.constant 6 : index
      %swap3A_249 = arith.constant 0 : index
      %swap3A_250 = vector.load %arg6[%swap3A_247, %swap3A_248, %swap3A_249] : memref<4x416x1024xf32, #tpu.memory_space<vmem>>, vector<1x128x1024xf32>
      %swap3A_251 = vector.shape_cast %swap3A_250 : vector<1x128x1024xf32> to vector<128x1024xf32>
      %swap3A_252 = vector.shape_cast %add3A_19 : vector<128x1024xf32> to vector<1x128x1024xf32>
      tpu.vector_store %arg6[%swap3A_247, %swap3A_248, %swap3A_249], %swap3A_252 {strides = array<i32>} : memref<4x416x1024xf32, #tpu.memory_space<vmem>>, vector<1x128x1024xf32>,
    } else {
    }
    %eq3A_68 = arith.constant 7 : i32
    %eq3A_69 = arith.cmpi eq, %select_n3A_34, %eq3A_68 : i32
    %convert_element_type3A_70 = arith.extui %eq3A_69 : i1 to i32
    %cond3A_71 = arith.constant 0 : i32
    %cond3A_72 = arith.cmpi ne, %convert_element_type3A_70, %cond3A_71 : i32
    scf.if %cond3A_72 {
      %swap3A_247 = arith.constant 0 : index
      %swap3A_248 = arith.constant 7 : index
      %swap3A_249 = arith.constant 0 : index
      %swap3A_250 = vector.load %arg6[%swap3A_247, %swap3A_248, %swap3A_249] : memref<4x416x1024xf32, #tpu.memory_space<vmem>>, vector<1x128x1024xf32>
      %swap3A_251 = vector.shape_cast %swap3A_250 : vector<1x128x1024xf32> to vector<128x1024xf32>
      %swap3A_252 = vector.shape_cast %add3A_19 : vector<128x1024xf32> to vector<1x128x1024xf32>
      tpu.vector_store %arg6[%swap3A_247, %swap3A_248, %swap3A_249], %swap3A_252 {strides = array<i32>} : memref<4x416x1024xf32, #tpu.memory_space<vmem>>, vector<1x128x1024xf32>,
    } else {
    }
    %get3A_73 = arith.constant 1 : index
    %get3A_74 = memref.load %arg0[%get3A_73] : memref<4xi32, #tpu.memory_space<smem>>
    %jit3A_75 = arith.constant 8 : i32
    %eq3A_76 = arith.constant 0 : i32
    %eq3A_77 = arith.cmpi eq, %jit3A_75, %eq3A_76 : i32
    %jit3A_78 = arith.constant 1 : i32
    %select_n3A_79 = arith.select %eq3A_77, %jit3A_78, %jit3A_75 : i32
    %rem3A_80 = arith.remsi %get3A_74, %select_n3A_79 : i32
    %ne3A_81 = arith.constant 0 : i32
    %ne3A_82 = arith.cmpi ne, %rem3A_80, %ne3A_81 : i32
    %lt3A_83 = arith.constant 0 : i32
    %lt3A_84 = arith.cmpi slt, %rem3A_80, %lt3A_83 : i32
    %lt3A_85 = arith.constant 0 : i32
    %lt3A_86 = arith.cmpi slt, %select_n3A_79, %lt3A_85 : i32
    %ne3A_87 = arith.xori %lt3A_84, %lt3A_86 : i1
    %and3A_88 = arith.andi %ne3A_87, %ne3A_82 : i1
    %add3A_89 = arith.addi %rem3A_80, %select_n3A_79 : i32
    %select_n3A_90 = arith.select %and3A_88, %add3A_89, %rem3A_80 : i32
    %eq3A_91 = arith.constant 0 : i32
    %eq3A_92 = arith.cmpi eq, %select_n3A_90, %eq3A_91 : i32
    %convert_element_type3A_93 = arith.extui %eq3A_92 : i1 to i32
    %cond3A_94 = arith.constant 0 : i32
    %cond3A_95 = arith.cmpi ne, %convert_element_type3A_93, %cond3A_94 : i32
    scf.if %cond3A_95 {
      %swap3A_247 = arith.constant 1 : index
      %swap3A_248 = arith.constant 0 : index
      %swap3A_249 = arith.constant 0 : index
      %swap3A_250 = vector.load %arg6[%swap3A_247, %swap3A_248, %swap3A_249] : memref<4x416x1024xf32, #tpu.memory_space<vmem>>, vector<1x128x1024xf32>
      %swap3A_251 = vector.shape_cast %swap3A_250 : vector<1x128x1024xf32> to vector<128x1024xf32>
      %swap3A_252 = vector.shape_cast %add3A_19 : vector<128x1024xf32> to vector<1x128x1024xf32>
      tpu.vector_store %arg6[%swap3A_247, %swap3A_248, %swap3A_249], %swap3A_252 {strides = array<i32>} : memref<4x416x1024xf32, #tpu.memory_space<vmem>>, vector<1x128x1024xf32>,
    } else {
    }
    %eq3A_96 = arith.constant 1 : i32
    %eq3A_97 = arith.cmpi eq, %select_n3A_90, %eq3A_96 : i32
    %convert_element_type3A_98 = arith.extui %eq3A_97 : i1 to i32
    %cond3A_99 = arith.constant 0 : i32
    %cond3A_100 = arith.cmpi ne, %convert_element_type3A_98, %cond3A_99 : i32
    scf.if %cond3A_100 {
      %swap3A_247 = arith.constant 1 : index
      %swap3A_248 = arith.constant 1 : index
      %swap3A_249 = arith.constant 0 : index
      %swap3A_250 = vector.load %arg6[%swap3A_247, %swap3A_248, %swap3A_249] : memref<4x416x1024xf32, #tpu.memory_space<vmem>>, vector<1x128x1024xf32>
      %swap3A_251 = vector.shape_cast %swap3A_250 : vector<1x128x1024xf32> to vector<128x1024xf32>
      %swap3A_252 = vector.shape_cast %add3A_19 : vector<128x1024xf32> to vector<1x128x1024xf32>
      tpu.vector_store %arg6[%swap3A_247, %swap3A_248, %swap3A_249], %swap3A_252 {strides = array<i32>} : memref<4x416x1024xf32, #tpu.memory_space<vmem>>, vector<1x128x1024xf32>,
    } else {
    }
    %eq3A_101 = arith.constant 2 : i32
    %eq3A_102 = arith.cmpi eq, %select_n3A_90, %eq3A_101 : i32
    %convert_element_type3A_103 = arith.extui %eq3A_102 : i1 to i32
    %cond3A_104 = arith.constant 0 : i32
    %cond3A_105 = arith.cmpi ne, %convert_element_type3A_103, %cond3A_104 : i32
    scf.if %cond3A_105 {
      %swap3A_247 = arith.constant 1 : index
      %swap3A_248 = arith.constant 2 : index
      %swap3A_249 = arith.constant 0 : index
      %swap3A_250 = vector.load %arg6[%swap3A_247, %swap3A_248, %swap3A_249] : memref<4x416x1024xf32, #tpu.memory_space<vmem>>, vector<1x128x1024xf32>
      %swap3A_251 = vector.shape_cast %swap3A_250 : vector<1x128x1024xf32> to vector<128x1024xf32>
      %swap3A_252 = vector.shape_cast %add3A_19 : vector<128x1024xf32> to vector<1x128x1024xf32>
      tpu.vector_store %arg6[%swap3A_247, %swap3A_248, %swap3A_249], %swap3A_252 {strides = array<i32>} : memref<4x416x1024xf32, #tpu.memory_space<vmem>>, vector<1x128x1024xf32>,
    } else {
    }
    %eq3A_106 = arith.constant 3 : i32
    %eq3A_107 = arith.cmpi eq, %select_n3A_90, %eq3A_106 : i32
    %convert_element_type3A_108 = arith.extui %eq3A_107 : i1 to i32
    %cond3A_109 = arith.constant 0 : i32
    %cond3A_110 = arith.cmpi ne, %convert_element_type3A_108, %cond3A_109 : i32
    scf.if %cond3A_110 {
      %swap3A_247 = arith.constant 1 : index
      %swap3A_248 = arith.constant 3 : index
      %swap3A_249 = arith.constant 0 : index
      %swap3A_250 = vector.load %arg6[%swap3A_247, %swap3A_248, %swap3A_249] : memref<4x416x1024xf32, #tpu.memory_space<vmem>>, vector<1x128x1024xf32>
      %swap3A_251 = vector.shape_cast %swap3A_250 : vector<1x128x1024xf32> to vector<128x1024xf32>
      %swap3A_252 = vector.shape_cast %add3A_19 : vector<128x1024xf32> to vector<1x128x1024xf32>
      tpu.vector_store %arg6[%swap3A_247, %swap3A_248, %swap3A_249], %swap3A_252 {strides = array<i32>} : memref<4x416x1024xf32, #tpu.memory_space<vmem>>, vector<1x128x1024xf32>,
    } else {
    }
    %eq3A_111 = arith.constant 4 : i32
    %eq3A_112 = arith.cmpi eq, %select_n3A_90, %eq3A_111 : i32
    %convert_element_type3A_113 = arith.extui %eq3A_112 : i1 to i32
    %cond3A_114 = arith.constant 0 : i32
    %cond3A_115 = arith.cmpi ne, %convert_element_type3A_113, %cond3A_114 : i32
    scf.if %cond3A_115 {
      %swap3A_247 = arith.constant 1 : index
      %swap3A_248 = arith.constant 4 : index
      %swap3A_249 = arith.constant 0 : index
      %swap3A_250 = vector.load %arg6[%swap3A_247, %swap3A_248, %swap3A_249] : memref<4x416x1024xf32, #tpu.memory_space<vmem>>, vector<1x128x1024xf32>
      %swap3A_251 = vector.shape_cast %swap3A_250 : vector<1x128x1024xf32> to vector<128x1024xf32>
      %swap3A_252 = vector.shape_cast %add3A_19 : vector<128x1024xf32> to vector<1x128x1024xf32>
      tpu.vector_store %arg6[%swap3A_247, %swap3A_248, %swap3A_249], %swap3A_252 {strides = array<i32>} : memref<4x416x1024xf32, #tpu.memory_space<vmem>>, vector<1x128x1024xf32>,
    } else {
    }
    %eq3A_116 = arith.constant 5 : i32
    %eq3A_117 = arith.cmpi eq, %select_n3A_90, %eq3A_116 : i32
    %convert_element_type3A_118 = arith.extui %eq3A_117 : i1 to i32
    %cond3A_119 = arith.constant 0 : i32
    %cond3A_120 = arith.cmpi ne, %convert_element_type3A_118, %cond3A_119 : i32
    scf.if %cond3A_120 {
      %swap3A_247 = arith.constant 1 : index
      %swap3A_248 = arith.constant 5 : index
      %swap3A_249 = arith.constant 0 : index
      %swap3A_250 = vector.load %arg6[%swap3A_247, %swap3A_248, %swap3A_249] : memref<4x416x1024xf32, #tpu.memory_space<vmem>>, vector<1x128x1024xf32>
      %swap3A_251 = vector.shape_cast %swap3A_250 : vector<1x128x1024xf32> to vector<128x1024xf32>
      %swap3A_252 = vector.shape_cast %add3A_19 : vector<128x1024xf32> to vector<1x128x1024xf32>
      tpu.vector_store %arg6[%swap3A_247, %swap3A_248, %swap3A_249], %swap3A_252 {strides = array<i32>} : memref<4x416x1024xf32, #tpu.memory_space<vmem>>, vector<1x128x1024xf32>,
    } else {
    }
    %eq3A_121 = arith.constant 6 : i32
    %eq3A_122 = arith.cmpi eq, %select_n3A_90, %eq3A_121 : i32
    %convert_element_type3A_123 = arith.extui %eq3A_122 : i1 to i32
    %cond3A_124 = arith.constant 0 : i32
    %cond3A_125 = arith.cmpi ne, %convert_element_type3A_123, %cond3A_124 : i32
    scf.if %cond3A_125 {
      %swap3A_247 = arith.constant 1 : index
      %swap3A_248 = arith.constant 6 : index
      %swap3A_249 = arith.constant 0 : index
      %swap3A_250 = vector.load %arg6[%swap3A_247, %swap3A_248, %swap3A_249] : memref<4x416x1024xf32, #tpu.memory_space<vmem>>, vector<1x128x1024xf32>
      %swap3A_251 = vector.shape_cast %swap3A_250 : vector<1x128x1024xf32> to vector<128x1024xf32>
      %swap3A_252 = vector.shape_cast %add3A_19 : vector<128x1024xf32> to vector<1x128x1024xf32>
      tpu.vector_store %arg6[%swap3A_247, %swap3A_248, %swap3A_249], %swap3A_252 {strides = array<i32>} : memref<4x416x1024xf32, #tpu.memory_space<vmem>>, vector<1x128x1024xf32>,
    } else {
    }
    %eq3A_126 = arith.constant 7 : i32
    %eq3A_127 = arith.cmpi eq, %select_n3A_90, %eq3A_126 : i32
    %convert_element_type3A_128 = arith.extui %eq3A_127 : i1 to i32
    %cond3A_129 = arith.constant 0 : i32
    %cond3A_130 = arith.cmpi ne, %convert_element_type3A_128, %cond3A_129 : i32
    scf.if %cond3A_130 {
      %swap3A_247 = arith.constant 1 : index
      %swap3A_248 = arith.constant 7 : index
      %swap3A_249 = arith.constant 0 : index
      %swap3A_250 = vector.load %arg6[%swap3A_247, %swap3A_248, %swap3A_249] : memref<4x416x1024xf32, #tpu.memory_space<vmem>>, vector<1x128x1024xf32>
      %swap3A_251 = vector.shape_cast %swap3A_250 : vector<1x128x1024xf32> to vector<128x1024xf32>
      %swap3A_252 = vector.shape_cast %add3A_19 : vector<128x1024xf32> to vector<1x128x1024xf32>
      tpu.vector_store %arg6[%swap3A_247, %swap3A_248, %swap3A_249], %swap3A_252 {strides = array<i32>} : memref<4x416x1024xf32, #tpu.memory_space<vmem>>, vector<1x128x1024xf32>,
    } else {
    }
    %get3A_131 = arith.constant 2 : index
    %get3A_132 = memref.load %arg0[%get3A_131] : memref<4xi32, #tpu.memory_space<smem>>
    %jit3A_133 = arith.constant 8 : i32
    %eq3A_134 = arith.constant 0 : i32
    %eq3A_135 = arith.cmpi eq, %jit3A_133, %eq3A_134 : i32
    %jit3A_136 = arith.constant 1 : i32
    %select_n3A_137 = arith.select %eq3A_135, %jit3A_136, %jit3A_133 : i32
    %rem3A_138 = arith.remsi %get3A_132, %select_n3A_137 : i32
    %ne3A_139 = arith.constant 0 : i32
    %ne3A_140 = arith.cmpi ne, %rem3A_138, %ne3A_139 : i32
    %lt3A_141 = arith.constant 0 : i32
    %lt3A_142 = arith.cmpi slt, %rem3A_138, %lt3A_141 : i32
    %lt3A_143 = arith.constant 0 : i32
    %lt3A_144 = arith.cmpi slt, %select_n3A_137, %lt3A_143 : i32
    %ne3A_145 = arith.xori %lt3A_142, %lt3A_144 : i1
    %and3A_146 = arith.andi %ne3A_145, %ne3A_140 : i1
    %add3A_147 = arith.addi %rem3A_138, %select_n3A_137 : i32
    %select_n3A_148 = arith.select %and3A_146, %add3A_147, %rem3A_138 : i32
    %eq3A_149 = arith.constant 0 : i32
    %eq3A_150 = arith.cmpi eq, %select_n3A_148, %eq3A_149 : i32
    %convert_element_type3A_151 = arith.extui %eq3A_150 : i1 to i32
    %cond3A_152 = arith.constant 0 : i32
    %cond3A_153 = arith.cmpi ne, %convert_element_type3A_151, %cond3A_152 : i32
    scf.if %cond3A_153 {
      %swap3A_247 = arith.constant 2 : index
      %swap3A_248 = arith.constant 0 : index
      %swap3A_249 = arith.constant 0 : index
      %swap3A_250 = vector.load %arg6[%swap3A_247, %swap3A_248, %swap3A_249] : memref<4x416x1024xf32, #tpu.memory_space<vmem>>, vector<1x128x1024xf32>
      %swap3A_251 = vector.shape_cast %swap3A_250 : vector<1x128x1024xf32> to vector<128x1024xf32>
      %swap3A_252 = vector.shape_cast %add3A_19 : vector<128x1024xf32> to vector<1x128x1024xf32>
      tpu.vector_store %arg6[%swap3A_247, %swap3A_248, %swap3A_249], %swap3A_252 {strides = array<i32>} : memref<4x416x1024xf32, #tpu.memory_space<vmem>>, vector<1x128x1024xf32>,
    } else {
    }
    %eq3A_154 = arith.constant 1 : i32
    %eq3A_155 = arith.cmpi eq, %select_n3A_148, %eq3A_154 : i32
    %convert_element_type3A_156 = arith.extui %eq3A_155 : i1 to i32
    %cond3A_157 = arith.constant 0 : i32
    %cond3A_158 = arith.cmpi ne, %convert_element_type3A_156, %cond3A_157 : i32
    scf.if %cond3A_158 {
      %swap3A_247 = arith.constant 2 : index
      %swap3A_248 = arith.constant 1 : index
      %swap3A_249 = arith.constant 0 : index
      %swap3A_250 = vector.load %arg6[%swap3A_247, %swap3A_248, %swap3A_249] : memref<4x416x1024xf32, #tpu.memory_space<vmem>>, vector<1x128x1024xf32>
      %swap3A_251 = vector.shape_cast %swap3A_250 : vector<1x128x1024xf32> to vector<128x1024xf32>
      %swap3A_252 = vector.shape_cast %add3A_19 : vector<128x1024xf32> to vector<1x128x1024xf32>
      tpu.vector_store %arg6[%swap3A_247, %swap3A_248, %swap3A_249], %swap3A_252 {strides = array<i32>} : memref<4x416x1024xf32, #tpu.memory_space<vmem>>, vector<1x128x1024xf32>,
    } else {
    }
    %eq3A_159 = arith.constant 2 : i32
    %eq3A_160 = arith.cmpi eq, %select_n3A_148, %eq3A_159 : i32
    %convert_element_type3A_161 = arith.extui %eq3A_160 : i1 to i32
    %cond3A_162 = arith.constant 0 : i32
    %cond3A_163 = arith.cmpi ne, %convert_element_type3A_161, %cond3A_162 : i32
    scf.if %cond3A_163 {
      %swap3A_247 = arith.constant 2 : index
      %swap3A_248 = arith.constant 2 : index
      %swap3A_249 = arith.constant 0 : index
      %swap3A_250 = vector.load %arg6[%swap3A_247, %swap3A_248, %swap3A_249] : memref<4x416x1024xf32, #tpu.memory_space<vmem>>, vector<1x128x1024xf32>
      %swap3A_251 = vector.shape_cast %swap3A_250 : vector<1x128x1024xf32> to vector<128x1024xf32>
      %swap3A_252 = vector.shape_cast %add3A_19 : vector<128x1024xf32> to vector<1x128x1024xf32>
      tpu.vector_store %arg6[%swap3A_247, %swap3A_248, %swap3A_249], %swap3A_252 {strides = array<i32>} : memref<4x416x1024xf32, #tpu.memory_space<vmem>>, vector<1x128x1024xf32>,
    } else {
    }
    %eq3A_164 = arith.constant 3 : i32
    %eq3A_165 = arith.cmpi eq, %select_n3A_148, %eq3A_164 : i32
    %convert_element_type3A_166 = arith.extui %eq3A_165 : i1 to i32
    %cond3A_167 = arith.constant 0 : i32
    %cond3A_168 = arith.cmpi ne, %convert_element_type3A_166, %cond3A_167 : i32
    scf.if %cond3A_168 {
      %swap3A_247 = arith.constant 2 : index
      %swap3A_248 = arith.constant 3 : index
      %swap3A_249 = arith.constant 0 : index
      %swap3A_250 = vector.load %arg6[%swap3A_247, %swap3A_248, %swap3A_249] : memref<4x416x1024xf32, #tpu.memory_space<vmem>>, vector<1x128x1024xf32>
      %swap3A_251 = vector.shape_cast %swap3A_250 : vector<1x128x1024xf32> to vector<128x1024xf32>
      %swap3A_252 = vector.shape_cast %add3A_19 : vector<128x1024xf32> to vector<1x128x1024xf32>
      tpu.vector_store %arg6[%swap3A_247, %swap3A_248, %swap3A_249], %swap3A_252 {strides = array<i32>} : memref<4x416x1024xf32, #tpu.memory_space<vmem>>, vector<1x128x1024xf32>,
    } else {
    }
    %eq3A_169 = arith.constant 4 : i32
    %eq3A_170 = arith.cmpi eq, %select_n3A_148, %eq3A_169 : i32
    %convert_element_type3A_171 = arith.extui %eq3A_170 : i1 to i32
    %cond3A_172 = arith.constant 0 : i32
    %cond3A_173 = arith.cmpi ne, %convert_element_type3A_171, %cond3A_172 : i32
    scf.if %cond3A_173 {
      %swap3A_247 = arith.constant 2 : index
      %swap3A_248 = arith.constant 4 : index
      %swap3A_249 = arith.constant 0 : index
      %swap3A_250 = vector.load %arg6[%swap3A_247, %swap3A_248, %swap3A_249] : memref<4x416x1024xf32, #tpu.memory_space<vmem>>, vector<1x128x1024xf32>
      %swap3A_251 = vector.shape_cast %swap3A_250 : vector<1x128x1024xf32> to vector<128x1024xf32>
      %swap3A_252 = vector.shape_cast %add3A_19 : vector<128x1024xf32> to vector<1x128x1024xf32>
      tpu.vector_store %arg6[%swap3A_247, %swap3A_248, %swap3A_249], %swap3A_252 {strides = array<i32>} : memref<4x416x1024xf32, #tpu.memory_space<vmem>>, vector<1x128x1024xf32>,
    } else {
    }
    %eq3A_174 = arith.constant 5 : i32
    %eq3A_175 = arith.cmpi eq, %select_n3A_148, %eq3A_174 : i32
    %convert_element_type3A_176 = arith.extui %eq3A_175 : i1 to i32
    %cond3A_177 = arith.constant 0 : i32
    %cond3A_178 = arith.cmpi ne, %convert_element_type3A_176, %cond3A_177 : i32
    scf.if %cond3A_178 {
      %swap3A_247 = arith.constant 2 : index
      %swap3A_248 = arith.constant 5 : index
      %swap3A_249 = arith.constant 0 : index
      %swap3A_250 = vector.load %arg6[%swap3A_247, %swap3A_248, %swap3A_249] : memref<4x416x1024xf32, #tpu.memory_space<vmem>>, vector<1x128x1024xf32>
      %swap3A_251 = vector.shape_cast %swap3A_250 : vector<1x128x1024xf32> to vector<128x1024xf32>
      %swap3A_252 = vector.shape_cast %add3A_19 : vector<128x1024xf32> to vector<1x128x1024xf32>
      tpu.vector_store %arg6[%swap3A_247, %swap3A_248, %swap3A_249], %swap3A_252 {strides = array<i32>} : memref<4x416x1024xf32, #tpu.memory_space<vmem>>, vector<1x128x1024xf32>,
    } else {
    }
    %eq3A_179 = arith.constant 6 : i32
    %eq3A_180 = arith.cmpi eq, %select_n3A_148, %eq3A_179 : i32
    %convert_element_type3A_181 = arith.extui %eq3A_180 : i1 to i32
    %cond3A_182 = arith.constant 0 : i32
    %cond3A_183 = arith.cmpi ne, %convert_element_type3A_181, %cond3A_182 : i32
    scf.if %cond3A_183 {
      %swap3A_247 = arith.constant 2 : index
      %swap3A_248 = arith.constant 6 : index
      %swap3A_249 = arith.constant 0 : index
      %swap3A_250 = vector.load %arg6[%swap3A_247, %swap3A_248, %swap3A_249] : memref<4x416x1024xf32, #tpu.memory_space<vmem>>, vector<1x128x1024xf32>
      %swap3A_251 = vector.shape_cast %swap3A_250 : vector<1x128x1024xf32> to vector<128x1024xf32>
      %swap3A_252 = vector.shape_cast %add3A_19 : vector<128x1024xf32> to vector<1x128x1024xf32>
      tpu.vector_store %arg6[%swap3A_247, %swap3A_248, %swap3A_249], %swap3A_252 {strides = array<i32>} : memref<4x416x1024xf32, #tpu.memory_space<vmem>>, vector<1x128x1024xf32>,
    } else {
    }
    %eq3A_184 = arith.constant 7 : i32
    %eq3A_185 = arith.cmpi eq, %select_n3A_148, %eq3A_184 : i32
    %convert_element_type3A_186 = arith.extui %eq3A_185 : i1 to i32
    %cond3A_187 = arith.constant 0 : i32
    %cond3A_188 = arith.cmpi ne, %convert_element_type3A_186, %cond3A_187 : i32
    scf.if %cond3A_188 {
      %swap3A_247 = arith.constant 2 : index
      %swap3A_248 = arith.constant 7 : index
      %swap3A_249 = arith.constant 0 : index
      %swap3A_250 = vector.load %arg6[%swap3A_247, %swap3A_248, %swap3A_249] : memref<4x416x1024xf32, #tpu.memory_space<vmem>>, vector<1x128x1024xf32>
      %swap3A_251 = vector.shape_cast %swap3A_250 : vector<1x128x1024xf32> to vector<128x1024xf32>
      %swap3A_252 = vector.shape_cast %add3A_19 : vector<128x1024xf32> to vector<1x128x1024xf32>
      tpu.vector_store %arg6[%swap3A_247, %swap3A_248, %swap3A_249], %swap3A_252 {strides = array<i32>} : memref<4x416x1024xf32, #tpu.memory_space<vmem>>, vector<1x128x1024xf32>,
    } else {
    }
    %get3A_189 = arith.constant 3 : index
    %get3A_190 = memref.load %arg0[%get3A_189] : memref<4xi32, #tpu.memory_space<smem>>
    %jit3A_191 = arith.constant 8 : i32
    %eq3A_192 = arith.constant 0 : i32
    %eq3A_193 = arith.cmpi eq, %jit3A_191, %eq3A_192 : i32
    %jit3A_194 = arith.constant 1 : i32
    %select_n3A_195 = arith.select %eq3A_193, %jit3A_194, %jit3A_191 : i32
    %rem3A_196 = arith.remsi %get3A_190, %select_n3A_195 : i32
    %ne3A_197 = arith.constant 0 : i32
    %ne3A_198 = arith.cmpi ne, %rem3A_196, %ne3A_197 : i32
    %lt3A_199 = arith.constant 0 : i32
    %lt3A_200 = arith.cmpi slt, %rem3A_196, %lt3A_199 : i32
    %lt3A_201 = arith.constant 0 : i32
    %lt3A_202 = arith.cmpi slt, %select_n3A_195, %lt3A_201 : i32
    %ne3A_203 = arith.xori %lt3A_200, %lt3A_202 : i1
    %and3A_204 = arith.andi %ne3A_203, %ne3A_198 : i1
    %add3A_205 = arith.addi %rem3A_196, %select_n3A_195 : i32
    %select_n3A_206 = arith.select %and3A_204, %add3A_205, %rem3A_196 : i32
    %eq3A_207 = arith.constant 0 : i32
    %eq3A_208 = arith.cmpi eq, %select_n3A_206, %eq3A_207 : i32
    %convert_element_type3A_209 = arith.extui %eq3A_208 : i1 to i32
    %cond3A_210 = arith.constant 0 : i32
    %cond3A_211 = arith.cmpi ne, %convert_element_type3A_209, %cond3A_210 : i32
    scf.if %cond3A_211 {
      %swap3A_247 = arith.constant 3 : index
      %swap3A_248 = arith.constant 0 : index
      %swap3A_249 = arith.constant 0 : index
      %swap3A_250 = vector.load %arg6[%swap3A_247, %swap3A_248, %swap3A_249] : memref<4x416x1024xf32, #tpu.memory_space<vmem>>, vector<1x128x1024xf32>
      %swap3A_251 = vector.shape_cast %swap3A_250 : vector<1x128x1024xf32> to vector<128x1024xf32>
      %swap3A_252 = vector.shape_cast %add3A_19 : vector<128x1024xf32> to vector<1x128x1024xf32>
      tpu.vector_store %arg6[%swap3A_247, %swap3A_248, %swap3A_249], %swap3A_252 {strides = array<i32>} : memref<4x416x1024xf32, #tpu.memory_space<vmem>>, vector<1x128x1024xf32>,
    } else {
    }
    %eq3A_212 = arith.constant 1 : i32
    %eq3A_213 = arith.cmpi eq, %select_n3A_206, %eq3A_212 : i32
    %convert_element_type3A_214 = arith.extui %eq3A_213 : i1 to i32
    %cond3A_215 = arith.constant 0 : i32
    %cond3A_216 = arith.cmpi ne, %convert_element_type3A_214, %cond3A_215 : i32
    scf.if %cond3A_216 {
      %swap3A_247 = arith.constant 3 : index
      %swap3A_248 = arith.constant 1 : index
      %swap3A_249 = arith.constant 0 : index
      %swap3A_250 = vector.load %arg6[%swap3A_247, %swap3A_248, %swap3A_249] : memref<4x416x1024xf32, #tpu.memory_space<vmem>>, vector<1x128x1024xf32>
      %swap3A_251 = vector.shape_cast %swap3A_250 : vector<1x128x1024xf32> to vector<128x1024xf32>
      %swap3A_252 = vector.shape_cast %add3A_19 : vector<128x1024xf32> to vector<1x128x1024xf32>
      tpu.vector_store %arg6[%swap3A_247, %swap3A_248, %swap3A_249], %swap3A_252 {strides = array<i32>} : memref<4x416x1024xf32, #tpu.memory_space<vmem>>, vector<1x128x1024xf32>,
    } else {
    }
    %eq3A_217 = arith.constant 2 : i32
    %eq3A_218 = arith.cmpi eq, %select_n3A_206, %eq3A_217 : i32
    %convert_element_type3A_219 = arith.extui %eq3A_218 : i1 to i32
    %cond3A_220 = arith.constant 0 : i32
    %cond3A_221 = arith.cmpi ne, %convert_element_type3A_219, %cond3A_220 : i32
    scf.if %cond3A_221 {
      %swap3A_247 = arith.constant 3 : index
      %swap3A_248 = arith.constant 2 : index
      %swap3A_249 = arith.constant 0 : index
      %swap3A_250 = vector.load %arg6[%swap3A_247, %swap3A_248, %swap3A_249] : memref<4x416x1024xf32, #tpu.memory_space<vmem>>, vector<1x128x1024xf32>
      %swap3A_251 = vector.shape_cast %swap3A_250 : vector<1x128x1024xf32> to vector<128x1024xf32>
      %swap3A_252 = vector.shape_cast %add3A_19 : vector<128x1024xf32> to vector<1x128x1024xf32>
      tpu.vector_store %arg6[%swap3A_247, %swap3A_248, %swap3A_249], %swap3A_252 {strides = array<i32>} : memref<4x416x1024xf32, #tpu.memory_space<vmem>>, vector<1x128x1024xf32>,
    } else {
    }
    %eq3A_222 = arith.constant 3 : i32
    %eq3A_223 = arith.cmpi eq, %select_n3A_206, %eq3A_222 : i32
    %convert_element_type3A_224 = arith.extui %eq3A_223 : i1 to i32
    %cond3A_225 = arith.constant 0 : i32
    %cond3A_226 = arith.cmpi ne, %convert_element_type3A_224, %cond3A_225 : i32
    scf.if %cond3A_226 {
      %swap3A_247 = arith.constant 3 : index
      %swap3A_248 = arith.constant 3 : index
      %swap3A_249 = arith.constant 0 : index
      %swap3A_250 = vector.load %arg6[%swap3A_247, %swap3A_248, %swap3A_249] : memref<4x416x1024xf32, #tpu.memory_space<vmem>>, vector<1x128x1024xf32>
      %swap3A_251 = vector.shape_cast %swap3A_250 : vector<1x128x1024xf32> to vector<128x1024xf32>
      %swap3A_252 = vector.shape_cast %add3A_19 : vector<128x1024xf32> to vector<1x128x1024xf32>
      tpu.vector_store %arg6[%swap3A_247, %swap3A_248, %swap3A_249], %swap3A_252 {strides = array<i32>} : memref<4x416x1024xf32, #tpu.memory_space<vmem>>, vector<1x128x1024xf32>,
    } else {
    }
    %eq3A_227 = arith.constant 4 : i32
    %eq3A_228 = arith.cmpi eq, %select_n3A_206, %eq3A_227 : i32
    %convert_element_type3A_229 = arith.extui %eq3A_228 : i1 to i32
    %cond3A_230 = arith.constant 0 : i32
    %cond3A_231 = arith.cmpi ne, %convert_element_type3A_229, %cond3A_230 : i32
    scf.if %cond3A_231 {
      %swap3A_247 = arith.constant 3 : index
      %swap3A_248 = arith.constant 4 : index
      %swap3A_249 = arith.constant 0 : index
      %swap3A_250 = vector.load %arg6[%swap3A_247, %swap3A_248, %swap3A_249] : memref<4x416x1024xf32, #tpu.memory_space<vmem>>, vector<1x128x1024xf32>
      %swap3A_251 = vector.shape_cast %swap3A_250 : vector<1x128x1024xf32> to vector<128x1024xf32>
      %swap3A_252 = vector.shape_cast %add3A_19 : vector<128x1024xf32> to vector<1x128x1024xf32>
      tpu.vector_store %arg6[%swap3A_247, %swap3A_248, %swap3A_249], %swap3A_252 {strides = array<i32>} : memref<4x416x1024xf32, #tpu.memory_space<vmem>>, vector<1x128x1024xf32>,
    } else {
    }
    %eq3A_232 = arith.constant 5 : i32
    %eq3A_233 = arith.cmpi eq, %select_n3A_206, %eq3A_232 : i32
    %convert_element_type3A_234 = arith.extui %eq3A_233 : i1 to i32
    %cond3A_235 = arith.constant 0 : i32
    %cond3A_236 = arith.cmpi ne, %convert_element_type3A_234, %cond3A_235 : i32
    scf.if %cond3A_236 {
      %swap3A_247 = arith.constant 3 : index
      %swap3A_248 = arith.constant 5 : index
      %swap3A_249 = arith.constant 0 : index
      %swap3A_250 = vector.load %arg6[%swap3A_247, %swap3A_248, %swap3A_249] : memref<4x416x1024xf32, #tpu.memory_space<vmem>>, vector<1x128x1024xf32>
      %swap3A_251 = vector.shape_cast %swap3A_250 : vector<1x128x1024xf32> to vector<128x1024xf32>
      %swap3A_252 = vector.shape_cast %add3A_19 : vector<128x1024xf32> to vector<1x128x1024xf32>
      tpu.vector_store %arg6[%swap3A_247, %swap3A_248, %swap3A_249], %swap3A_252 {strides = array<i32>} : memref<4x416x1024xf32, #tpu.memory_space<vmem>>, vector<1x128x1024xf32>,
    } else {
    }
    %eq3A_237 = arith.constant 6 : i32
    %eq3A_238 = arith.cmpi eq, %select_n3A_206, %eq3A_237 : i32
    %convert_element_type3A_239 = arith.extui %eq3A_238 : i1 to i32
    %cond3A_240 = arith.constant 0 : i32
    %cond3A_241 = arith.cmpi ne, %convert_element_type3A_239, %cond3A_240 : i32
    scf.if %cond3A_241 {
      %swap3A_247 = arith.constant 3 : index
      %swap3A_248 = arith.constant 6 : index
      %swap3A_249 = arith.constant 0 : index
      %swap3A_250 = vector.load %arg6[%swap3A_247, %swap3A_248, %swap3A_249] : memref<4x416x1024xf32, #tpu.memory_space<vmem>>, vector<1x128x1024xf32>
      %swap3A_251 = vector.shape_cast %swap3A_250 : vector<1x128x1024xf32> to vector<128x1024xf32>
      %swap3A_252 = vector.shape_cast %add3A_19 : vector<128x1024xf32> to vector<1x128x1024xf32>
      tpu.vector_store %arg6[%swap3A_247, %swap3A_248, %swap3A_249], %swap3A_252 {strides = array<i32>} : memref<4x416x1024xf32, #tpu.memory_space<vmem>>, vector<1x128x1024xf32>,
    } else {
    }
    %eq3A_242 = arith.constant 7 : i32
    %eq3A_243 = arith.cmpi eq, %select_n3A_206, %eq3A_242 : i32
    %convert_element_type3A_244 = arith.extui %eq3A_243 : i1 to i32
    %cond3A_245 = arith.constant 0 : i32
    %cond3A_246 = arith.cmpi ne, %convert_element_type3A_244, %cond3A_245 : i32
    scf.if %cond3A_246 {
      %swap3A_247 = arith.constant 3 : index
      %swap3A_248 = arith.constant 7 : index
      %swap3A_249 = arith.constant 0 : index
      %swap3A_250 = vector.load %arg6[%swap3A_247, %swap3A_248, %swap3A_249] : memref<4x416x1024xf32, #tpu.memory_space<vmem>>, vector<1x128x1024xf32>
      %swap3A_251 = vector.shape_cast %swap3A_250 : vector<1x128x1024xf32> to vector<128x1024xf32>
      %swap3A_252 = vector.shape_cast %add3A_19 : vector<128x1024xf32> to vector<1x128x1024xf32>
      tpu.vector_store %arg6[%swap3A_247, %swap3A_248, %swap3A_249], %swap3A_252 {strides = array<i32>} : memref<4x416x1024xf32, #tpu.memory_space<vmem>>, vector<1x128x1024xf32>,
    } else {
    }
    return
  }
}

</mosaic_0001>

<sc_bundles>
// kernel: kernel.4.cloned.1.call-start
scs
__scs_entry_jumppad:
0x0: {  	(pc) =	sbr.rel $0x88, $3  }
0x1: {  	(tag) =	ssettag $0x0;
	lr =	simm.s32 $0x1  }
0x2: {  	[smem:$0x3F9A] =	sst lr;
	_ =	strace $0xD0000000  }
0x3: {  	_ = 	snop  }
0x4: {  	_ = 	snop  }
0x5: {  	_ = 	snop  }
0x6: {  	_ = 	snop  }
0x7: {  	_ = 	snop  }
__scs_overlays_trampoline_lowered:
0x8: {  	[smem:$0x3FA9] =	sst s0  }
0x9: {  	[smem:$0x3FAA] =	sst s1  }
0xa: {  	[smem:$0x3FAB] =	sst s2  }
0xb: {  	[smem:$0x3FAC] =	sst s3  }
0xc: {  	[smem:$0x3FAD] =	sst s4  }
0xd: {  	[smem:$0x3FAE] =	sst s5  }
0xe: {  	[smem:$0x3FAF] =	sst s6  }
0xf: {  	[smem:$0x3FB0] =	sst s7  }
0x10: {  	[smem:$0x3FB1] =	sst s8  }
0x11: {  	[smem:$0x3FB2] =	sst s9;
	s0 =	simm.s32 @!p0 $0x0  }
0x12: {  	s1 =	sld [smem:$0x3F98];
	s0 =	simm.s32 @p0 $0x1  }
0x13: {  	[smem:$0x3FB3] =	sst s0;
	s0 =	simm.s32 @!p1 $0x0  }
0x14: {  	s2 =	sld [smem:$0x3F97];
	s0 =	simm.s32 @p1 $0x1  }
0x15: {  	[smem:$0x3FB4] =	sst s0;
	s0 =	simm.s32 @!p2 $0x0  }
0x16: {  	s3 =	sld [smem:$0x3FDB];
	s0 =	simm.s32 @p2 $0x1  }
0x17: {  	s4 =	simm.s32 $0x1BF5;
	[smem:$0x3FB6] =	sst s0  }
0x18: {  	s0 =	sld [smem:$0x3F99];
	_ =	swait.ge [sflag:s4], $0x0  }
0x19: {  	s7 =	sld [smem:$0x3F9A]  }
0x1a: {  	s8 =	sadd.s32 $0xFFFFE003, lr  }
0x1b: {  	s9 =	sadd.s32 $0xFFFFFEF7, lr;
	s5 =	simm.s32 $0xFFFFFFFF;
	p2 =	slt.u32 s8, $0xFFFFF086  }
0x1c: {  	p1 =	slt.u32 s9, $0xF7A;
	s5 =	simm.s32 @!p2 $0x0  }
0x1d: {  	s5 =	simm.s32 @p1 $0x1;
	p0 =	seq.s32 s7, s2  }
0x1e: {  	s7 =	smul.u32 @!p0 $0xF7A, s2;
	p2 =	seq.s32 @!p0 s5, $0x0  }
0x1f: {  	s9 =	smul.u32 $0xF7A, s1;
	s8 =	simm.s32 @!p0 $0x1BF5;
	p2 =	por !p2, p0  }
0x20: {  	[sflag:s8] =	ssyncset.s32 @!p0 $0xFFFFF086;
	s6 =	sadd.s32 @!p0 s3, s7;
	s7 =	simm.s32 @!p0 $0x108  }
0x21: {  	s3 =	sadd.s32 s3, s9;
	s6 =	sadd.s32 @!p0 $0x88, s6;
	s7 =	simm.s32 @p2 $0x1082  }
0x22: {  	[simem:s7], [sflag:s8] =	dma.local @!p0 [hbm:s6], $0xF7A  }
0x23: {  	s9 =	sor.u32 $0xD0000000, s2;
	s6 =	simm.s32 $0x108;
	_ =	swait.ge @!p0 [sflag:s8], $0x0  }
0x24: {  	s3 =	sadd.s32 $0x88, s3;
	s6 =	simm.s32 @!p1 $0x1082;
	[sflag:s4] =	ssyncset.s32 $0xFFFFF086  }
0x25: {  	[simem:s6], [sflag:s4] =	dma.local [hbm:s3], $0xF7A  }
0x26: {  	[smem:$0x3F9A] =	sst s1;
	(tag) =	ssettag s2;
	_ =	strace s9  }
0x27: {  	s1 =	sld [smem:$0x3FAA]  }
0x28: {  	s2 =	sld [smem:$0x3FAB]  }
0x29: {  	s4 =	sld [smem:$0x3FAD]  }
0x2a: {  	p0 =	seq.s32 s5, $0x0;
	s5 =	sld [smem:$0x3FAE]  }
0x2b: {  	s6 =	sld [smem:$0x3FAF]  }
0x2c: {  	s7 =	sld [smem:$0x3FB0]  }
0x2d: {  	s3 =	simm.s32 $0x108;
	s8 =	sld [smem:$0x3FB1]  }
0x2e: {  	s3 =	simm.s32 @!p0 $0x1082;
	s9 =	sld [smem:$0x3FB2]  }
0x2f: {  	lr =	sadd.s32 s0, s3;
	s0 =	sld [smem:$0x3FA9]  }
0x30: {  	s3 =	sld [smem:$0x3FAC]  }
0x31: {  	[smem:$0x3FB5] =	sst s10  }
0x32: {  	s10 =	sld [smem:$0x3FB3];
	_ =	sdelay $0x3  }
0x33: {  	p0 =	seq.s32 s10, $0x1;
	s10 =	sld [smem:$0x3FB5];
	_ =	sdelay $0x3  }
0x34: {  	[smem:$0x3FB5] =	sst s10  }
0x35: {  	s10 =	sld [smem:$0x3FB4];
	_ =	sdelay $0x3  }
0x36: {  	p1 =	seq.s32 s10, $0x1;
	s10 =	sld [smem:$0x3FB5];
	_ =	sdelay $0x3  }
0x37: {  	[smem:$0x3FB5] =	sst s10  }
0x38: {  	s10 =	sld [smem:$0x3FB6]  }
0x39: {  	_ = 	snop;
	(pc) =	sbr.ind lr, $3  }
0x3a: {  	_ = 	snop  }
0x3b: {  	_ = 	snop  }
0x3c: {  	p2 =	seq.s32 s10, $0x1;
	s10 =	sld [smem:$0x3FB5]  }
0x3d: {  	_ =	shalt  }
0x3e: {  	_ =	shalt  }
0x3f: {  	_ =	shalt  }
0x40: {  	_ =	shalt  }
0x41: {  	_ =	shalt  }
0x42: {  	_ =	shalt  }
0x43: {  	_ =	shalt  }
0x44: {  	_ =	shalt  }
0x45: {  	_ =	shalt  }
0x46: {  	_ =	shalt  }
0x47: {  	_ =	shalt  }
0x48: {  	_ =	shalt  }
0x49: {  	_ =	shalt  }
0x4a: {  	_ =	shalt  }
0x4b: {  	_ =	shalt  }
0x4c: {  	_ =	shalt  }
0x4d: {  	_ =	shalt  }
0x4e: {  	_ =	shalt  }
0x4f: {  	_ =	shalt  }
0x50: {  	_ =	shalt  }
0x51: {  	_ =	shalt  }
0x52: {  	_ =	shalt  }
0x53: {  	_ =	shalt  }
0x54: {  	_ =	shalt  }
0x55: {  	_ =	shalt  }
0x56: {  	_ =	shalt  }
0x57: {  	_ =	shalt  }
0x58: {  	_ =	shalt  }
0x59: {  	_ =	shalt  }
0x5a: {  	_ =	shalt  }
0x5b: {  	_ =	shalt  }
0x5c: {  	_ =	shalt  }
0x5d: {  	_ =	shalt  }
0x5e: {  	_ =	shalt  }
0x5f: {  	_ =	shalt  }
0x60: {  	_ =	shalt  }
0x61: {  	_ =	shalt  }
0x62: {  	_ =	shalt  }
0x63: {  	_ =	shalt  }
0x64: {  	_ =	shalt  }
0x65: {  	_ =	shalt  }
0x66: {  	_ =	shalt  }
0x67: {  	_ =	shalt  }
0x68: {  	_ =	shalt  }
0x69: {  	_ =	shalt  }
0x6a: {  	_ =	shalt  }
0x6b: {  	_ =	shalt  }
0x6c: {  	_ =	shalt  }
0x6d: {  	_ =	shalt  }
0x6e: {  	_ =	shalt  }
0x6f: {  	_ =	shalt  }
0x70: {  	_ =	shalt  }
0x71: {  	_ =	shalt  }
0x72: {  	_ =	shalt  }
0x73: {  	_ =	shalt  }
0x74: {  	_ =	shalt  }
0x75: {  	_ =	shalt  }
0x76: {  	_ =	shalt  }
0x77: {  	_ =	shalt  }
0x78: {  	_ =	shalt  }
0x79: {  	_ =	shalt  }
0x7a: {  	_ =	shalt  }
0x7b: {  	_ =	shalt  }
0x7c: {  	_ =	shalt  }
0x7d: {  	_ =	shalt  }
0x7e: {  	_ =	shalt  }
0x7f: {  	_ =	shalt  }
0x80: {  	_ =	shalt  }
0x81: {  	_ =	shalt  }
0x82: {  	_ =	shalt  }
0x83: {  	_ =	shalt  }
0x84: {  	_ =	shalt  }
0x85: {  	_ =	shalt  }
0x86: {  	_ =	shalt  }
0x87: {  	_ =	shalt  }
.Lfunc_end0:
.L_simem_size_0:
called_computation_lowered:
.L_overlay_start_0:
0x88: {  	s2 =	sld [smem:$0x3FD9]  }
0x89: {  	s3 =	sld [smem:$0x3FFE];
	_ =	sdelay $0x1  }
0x8a: {  	s1 =	srdreg.scid  }
0x8b: {  	s0 =	sand.u32 $0x1, s1  }
0x8c: {  	s14 =	sshll.u32 s0, $0xA;
	s2 =	sadd.s32 s3, s2  }
0x8d: {  	s2 =	sadd.s32 s2, s14  }
0x8e: {  	[smem:$0x3FC1] =	sst s2  }
0x8f: {  	_ = 	snop  }
0x90: {  	s2 =	sld [smem:$0x3FD0];
	_ =	sdelay $0x2  }
0x91: {  	s4 =	simm.s32 $0xA;
	s5 =	simm.s32 $0x10;
	s15 =	sld [smem:$0x3FC9]  }
0x92: {  	[smem:s5], [sflag:s4] =	dma.local [hbm:s2], $0x1  }
0x93: {  	_ =	swait.eq [sflag:s4], $0x1  }
0x94: {  	[sflag:s4] =	ssyncset.done $0x0  }
0x95: {  	[sflag:s4] =	ssyncadd.s32 $0xFFFFFFFF  }
0x96: {  	s16 =	sld [smem:$0x10];
	(tm) =	ssettm $0x1  }
0x97: {  	s17 =	sld [smem:$0x3FFB];
	_ =	sdelay $0x3  }
0x98: {  	_ =	strace s17  }
0x99: {  	s4 =	sld [smem:$0x3FFC];
	_ =	sdelay $0x3  }
0x9a: {  	_ =	strace s4  }
0x9b: {  	s4 =	sld [smem:$0x3FFD];
	_ =	sdelay $0x3  }
0x9c: {  	_ =	strace s4  }
0x9d: {  	_ =	strace $0x8FFFFFFF  }
0x9e: {  	s18 =	sld [smem:$0x3FDB];
	_ =	sdelay $0x1  }
0x9f: {  	s19 =	simm.s32 $_scs_section_size  }
0xa0: {  	s6 =	simm.s32 $_size__tile_overlayer_lowered;
	s7 =	simm.s32 $_tile_overlayer_lowered  }
0xa1: {  	s22 =	simm.s32 $0x1BFF;
	s21 =	sshll.u32 s7, $0x1;
	s4 =	sadd.s32 s19, s18  }
0xa2: {  	s8 =	simm.s32 $0x0;
	s20 =	sshll.u32 s6, $0x1;
	s6 =	sadd.s32 s21, s4  }
0xa3: {  	[timem:s8], [sflag:s22] =	dma.local [hbm:s6], s20  }
0xa4: {  	_ =	swait.ge [sflag:s22], s20  }
0xa5: {  	s5 =	ssub.s32 $0x0, s20;
	[sflag:s22] =	ssyncset.done $0x0  }
0xa6: {  	[sflag:s22] =	ssyncadd.s32 s5;
	_ =	sdelay $0x1  }
0xa7: {  	s23 =	simm.s32 $0x1B8B  }
0xa8: {  	_ =	swait.ge [sflag:s23], $0x1  }
0xa9: {  	[sflag:s23] =	ssyncset.done $0x0  }
0xaa: {  	s25 =	simm.s32 $0x1B8E;
	s24 =	sld [smem:$0x3FFE];
	[sflag:s23] =	ssyncadd.s32 $0xFFFFFFFF  }
0xab: {  	s26 =	simm.s32 $execute0_lowered;
	[smem:$0x3FD2] =	sst s25  }
0xac: {  	s6 =	sshll.u32 s26, $0x1;
	_ =	strace $0x80000046;
	[dreg:$0x1] =	wrdreg $0xFFFFFFFF  }
0xad: {  	s28 =	simm.s32 $_size_execute0_lowered;
	s4 =	sadd.s32 s4, s6;
	[dreg:$0x0] =	wrdreg $0x0  }
0xae: {  	s6 =	sshll.u32 s28, $0x1;
	[dreg:$0x2] =	wrdreg s4  }
0xaf: {  	[dreg:$0x3] =	wrdreg s6  }
0xb0: {  	[dreg:$0x4] =	wrdreg $0xC0  }
0xb1: {  	_ =	task [dreg:s8], $0x5FFFF  }
0xb2: {  	[dreg:$0x1] =	wrdreg $0xFFFFFFFF  }
0xb3: {  	[dreg:$0x0] =	wrdreg $0x60  }
0xb4: {  	[dreg:$0x2] =	wrdreg s15  }
0xb5: {  	[dreg:$0x3] =	wrdreg s24  }
0xb6: {  	[dreg:$0x4] =	wrdreg s16  }
0xb7: {  	[dreg:$0x5] =	wrdreg $0x9  }
0xb8: {  	_ =	task.clear_ibuf [dreg:s8], $0x6FFFF;
	_ =	strace $0x90000046  }
0xb9: {  	s29 =	simm.s32 $0x9;
	_ =	strace $0x80000048  }
0xba: {  	_ =	swait.ge [sflag:s29], $0x1  }
0xbb: {  	[sflag:s29] =	ssyncadd.s32 $0xFFFFFFFF  }
0xbc: {  	_ =	strace $0x90000048  }
0xbd: {  	_ =	sfence  }
0xbe: {  	s30 =	sld [smem:$0x0];
	_ =	sdelay $0x2  }
0xbf: {  	s31 =	sshll.u32 s1, $0xD;
	s1 =	sshrl.u32 s1, $0x2  }
0xc0: {  	s3 =	sand.u32 $0x4000, s31;
	s1 =	sadd.s32 s1, s30  }
0xc1: {  	s0 =	sor.u32 s3, s0;
	s1 =	sshll.u32 s1, $0x11  }
0xc2: {  	s0 =	sor.u32 s1, s0  }
0xc3: {  	s0 =	sadd.s32 $0x8F2B, s0  }
0xc4: {  	[sflag:s0] =	ssyncadd.remote.s32 $0x1  }
0xc5: {  	_ =	sfence.sel $0xFFFF  }
0xc6: {  	[dreg:$0x0] =	wrdreg $0xFFFFFFFF;
	(pc) =	sbr.abs _section_cstart, $3  }
0xc7: {  	[dreg:$0x1] =	wrdreg $0xFFFFFFFF  }
0xc8: {  	_ =	task.clear_ibuf [dreg:s8], $0x2FFFF;
	_ =	strace $0x9FFFFFFF  }
0xc9: {  	(tm) =	ssettm $0x7FFFFFFF  }
tec
execute0_lowered:
.L_overlay_start_1:
0x0: {  	(tag) =	ssettag $0x1  }
0x1: {  	s2 =	rddreg [dreg:$0x0]  }
0x2: {  	s0 =	rddreg [dreg:$0x1]  }
0x3: {  	s3 =	rddreg [dreg:$0x2]  }
0x4: {  	s4 =	stileid.u32;
	s1 =	srdreg.scid;
	s28 =	simm.s32 $0x0  }
0x5: {  	s20 =	simm.s32 $0x1;
	s23 =	simm.s32 $0x0;
	s5 =	sshll.u32 s4, $0x1  }
0x6: {  	s4 =	sshrl.u32 s4, $0x2;
	s1 =	sand.u32 $0x1, s1;
	[smem:$0x7FF] =	sst s28  }
0x7: {  	s29 =	sadd.s32 $0x1200, s0;
	s14 =	sadd.s32 $0x3000, s3;
	s6 =	sand.u32 $0x6, s5  }
0x8: {  	s9 =	smul.u32 $0xD000, s4;
	_ =	strace $0x80000047;
	[dreg:$0x4] =	wrdreg s29  }
0x9: {  	s8 =	smul.u32 $0x880, s4;
	s30 =	sshll.u32 s4, $0xB;
	s6 =	sor.u32 s1, s6  }
0xa: {  	s1 =	ssub.s32 $0x2, s1;
	[dreg:$0x5] =	wrdreg s30;
	s6 =	smul.u32 $0x110, s6  }
.Ltmp0:
0xb: {  	s0 =	sadd.s32 s9, s0;
	s12 =	sshrl.u32 s1, $0x1;
	(pc) =	sbr.rel .LBB2_1-.Ltmp0, $4  }
0xc: {  	s1 =	ssub.s32 s1, s12;
	s18 =	sadd.s32 $0x1400, s0;
	s10 =	sor.u32 s30, s6  }
0xd: {  	s11 =	sadd.s32 s8, s6;
	s17 =	sadd.s32 $0x110, s6;
	s31 =	sshll.u32 s10, $0x7  }
0xe: {  	s19 =	smax.u32 s1, $0x1;
	s16 =	sshll.u32 s11, $0x7;
	s12 =	sadd.s32 s2, s31  }
0xf: {  	s13 =	sadd.s32 s3, s16;
	s16 =	sadd.s32 s16, s14;
	s15 =	sadd.s32 $0x3000, s12  }
.LBB2_3:
0x10: {  	_ = 	snop  }
.LBB2_6:
0x11: {  	s0 =	sor.u32 s26, s28;
	[tilespmem:s1+$0x1A080] =	vst @p0 v0  }
0x12: {  	v0 =	vld [tilespmem:s0+$0x18080];
	_ =	sdelay $0x2  }
0x13: {  	s29 =	sadd.s32 s8, s24  }
0x14: {  	s1 =	sshll.u32 s29, $0x7  }
0x15: {  	s31 =	simm.s32 $0x0;
	s5 =	simm.s32 $0x1A080;
	s30 =	sadd.s32 s3, s1;
	[tilespmem:s0+$0x1A080] =	vst v0  }
0x16: {  	[hbm4b:s30+s31] =	stream.linear.scatter [tilespmem:s5], [sflag:$0x1], $0x2000, $0x38;
	[tilespmem:$0x1C080] =	vst v63  }
0x17: {  	_ =	swait.ge [sflag:s20], $0x2000  }
0x18: {  	[sflag:s20] =	ssyncset.done $0x0  }
0x19: {  	[sflag:s20] =	ssyncadd.s32 $0xFFFFE000  }
.LBB2_7:
0x1a: {  	s23 =	sadd.s32 $0x1, s23  }
0x1b: {  	p0 =	sne.s32 s23, s19  }
.Ltmp1:
0x1c: {  	_ = 	snop;
	(pc) =	sbr.rel @!p0 .LBB2_8-.Ltmp1, $1  }
0x1d: {  	_ =	sdelay $0x3  }
.LBB2_1:
0x1e: {  	s0 =	simm.s32 $0x0;
	s1 =	rddreg [dreg:$0x4]  }
0x1f: {  	[tilespmem:s0], [sflag:$0x1] =	stream.linear.gather [hbm4b:s1+s0], $0x80, $0x38;
	[tilespmem:$0x1C080] =	vst v63  }
0x20: {  	_ =	swait.ge [sflag:s20], $0x80  }
0x21: {  	[sflag:s20] =	ssyncset.done $0x0  }
0x22: {  	[sflag:s20] =	ssyncadd.s32 $0xFFFFFF80  }
0x23: {  	v0 =	vld [tilespmem:s4+$0x0];
	_ =	sdelay $0x4  }
0x24: {  	(v2sf) =	vpush v0, $0x0;
	_ =	sdelay $0xe  }
0x25: {  	s25 =	spop (v2sf)  }
0x26: {  	s24 =	sand.u32 $0xFFFFFFF8, s25  }
0x27: {  	s0 =	ssub.s32 s24, s6  }
0x28: {  	p0 =	slt.s32 s0, $0x60  }
0x29: {  	s1 =	simm.s32 @!p0 $0x0;
	s26 =	simm.s32 @!p0 $0x80;
	s28 =	simm.s32 @!p0 $0x1  }
0x2a: {  	[tilespmem:s26], [sflag:$0x1] =	stream.linear.gather @!p0 [hbm4b:s12+s1], $0x18000, $0x38;
	[tilespmem:$0x1C080] =	vst v63  }
0x2b: {  	_ =	swait.ge @!p0 [sflag:s28], $0x18000  }
0x2c: {  	[sflag:s28] =	ssyncset.done @!p0 $0x0  }
0x2d: {  	[sflag:s28] =	ssyncadd.s32 @!p0 $0xFFFE8000  }
0x2e: {  	[hbm4b:s13+s1] =	stream.linear.scatter @!p0 [tilespmem:s26], [sflag:$0x1], $0x18000, $0x38;
	[tilespmem:$0x1C080] =	vst v63  }
0x2f: {  	p1 =	sgt.s32 s0, $0x0;
	s1 =	smov.u32 s0;
	_ =	swait.ge @!p0 [sflag:s28], $0x18000  }
0x30: {  	s1 =	simm.s32 @!p1 $0x0;
	p1 =	slt.u32 @!p0 s0, $0xC0;
	[sflag:s28] =	ssyncset.done @!p0 $0x0  }
0x31: {  	s9 =	smin.u32 s1, $0x110;
	[sflag:s28] =	ssyncadd.s32 @!p0 $0xFFFE8000;
	p0 =	por p1, p0  }
0x32: {  	s21 =	smul.u32 $0xFFFFAAAB, s9;
	s1 =	simm.s32 @!p0 $0x0;
	s29 =	simm.s32 @!p0 $0x80  }
0x33: {  	[tilespmem:s29], [sflag:$0x1] =	stream.linear.gather @!p0 [hbm4b:s15+s1], $0x18000, $0x38;
	[tilespmem:$0x1C080] =	vst v63  }
0x34: {  	s30 =	sand.u32 $0xFFE0, s21  }
0x35: {  	s28 =	sshll.u32 s21, $0xB;
	s30 =	sshrl.u32 s30, $0x5  }
0x36: {  	s28 =	sor.u32 s28, s30  }
0x37: {  	s28 =	sand.u32 $0xFFFF, s28  }
0x38: {  	p6 =	slt.s32 s0, $0x1;
	p2 =	sgt.u32 s28, $0x2AA  }
0x39: {  	s22 =	smul.u32 $0x2AB, s9;
	p1 =	por !p6, !p2  }
0x3a: {  	s30 =	simm.s32 @!p0 $0x1;
	s28 =	simm.s32 $0x1;
	p1 =	por !p1, !p1  }
0x3b: {  	s0 =	sshrl.u32 s22, $0x10;
	_ =	swait.ge @!p0 [sflag:s30], $0x18000;
	s28 =	simm.s32 @!p1 $0x0  }
0x3c: {  	[sflag:s30] =	ssyncset.done @!p0 $0x0;
	s0 =	ssub.s32 s0, s28  }
0x3d: {  	[sflag:s30] =	ssyncadd.s32 @!p0 $0xFFFE8000;
	s28 =	smul.u32 $0x60, s0  }
0x3e: {  	[hbm4b:s16+s1] =	stream.linear.scatter @!p0 [tilespmem:s29], [sflag:$0x1], $0x18000, $0x38;
	[tilespmem:$0x1C080] =	vst v63  }
0x3f: {  	s0 =	ssub.s32 s9, s28  }
0x40: {  	s31 =	sand.u32 $0x40, s0  }
0x41: {  	p1 =	seq.s32 s31, $0x0  }
0x42: {  	s1 =	sand.u32 @!p1 $0xFFFFFF80, s0  }
0x43: {  	_ =	swait.ge @!p0 [sflag:s30], $0x18000;
	s1 =	sadd.s32 @!p1 s28, s1  }
0x44: {  	[sflag:s30] =	ssyncset.done @!p0 $0x0;
	s29 =	sadd.s32 @!p1 s10, s1  }
0x45: {  	[sflag:s30] =	ssyncadd.s32 @!p0 $0xFFFE8000;
	s29 =	sshll.u32 @!p1 s29, $0x7  }
0x46: {  	s30 =	simm.s32 @!p1 $0x0;
	s31 =	simm.s32 @!p1 $0x80;
	s29 =	sadd.s32 @!p1 s2, s29  }
0x47: {  	[tilespmem:s31], [sflag:$0x1] =	stream.linear.gather @!p1 [hbm4b:s29+s30], $0x10000, $0x38;
	[tilespmem:$0x1C080] =	vst v63  }
0x48: {  	s29 =	simm.s32 @!p1 $0x1  }
0x49: {  	s1 =	sadd.s32 @!p1 s11, s1;
	_ =	swait.ge @!p1 [sflag:s29], $0x10000  }
0x4a: {  	s5 =	sand.u32 $0x20, s0;
	s1 =	sshll.u32 @!p1 s1, $0x7;
	[sflag:s29] =	ssyncset.done @!p1 $0x0  }
0x4b: {  	p0 =	seq.s32 s5, $0x0;
	s1 =	sadd.s32 @!p1 s3, s1;
	[sflag:s29] =	ssyncadd.s32 @!p1 $0xFFFF0000  }
0x4c: {  	[hbm4b:s1+s30] =	stream.linear.scatter @!p1 [tilespmem:s31], [sflag:$0x1], $0x10000, $0x38;
	[tilespmem:$0x1C080] =	vst v63  }
0x4d: {  	s1 =	sand.u32 @!p0 $0xFFFFFFC0, s0  }
0x4e: {  	_ =	swait.ge @!p1 [sflag:s29], $0x10000;
	s1 =	sadd.s32 @!p0 s28, s1  }
0x4f: {  	[sflag:s29] =	ssyncset.done @!p1 $0x0;
	s30 =	sadd.s32 @!p0 s10, s1  }
0x50: {  	[sflag:s29] =	ssyncadd.s32 @!p1 $0xFFFF0000;
	s29 =	sshll.u32 @!p0 s30, $0x7  }
0x51: {  	s31 =	simm.s32 @!p0 $0x80;
	s30 =	simm.s32 @!p0 $0x0;
	s29 =	sadd.s32 @!p0 s2, s29  }
0x52: {  	[tilespmem:s31], [sflag:$0x1] =	stream.linear.gather @!p0 [hbm4b:s29+s30], $0x8000, $0x38;
	[tilespmem:$0x1C080] =	vst v63  }
0x53: {  	s29 =	simm.s32 @!p0 $0x1  }
0x54: {  	s1 =	sadd.s32 @!p0 s11, s1;
	_ =	swait.ge @!p0 [sflag:s29], $0x8000  }
0x55: {  	s7 =	sand.u32 $0x10, s9;
	s1 =	sshll.u32 @!p0 s1, $0x7;
	[sflag:s29] =	ssyncset.done @!p0 $0x0  }
0x56: {  	p2 =	seq.s32 s7, $0x0;
	s1 =	sadd.s32 @!p0 s3, s1;
	[sflag:s29] =	ssyncadd.s32 @!p0 $0xFFFF8000  }
0x57: {  	[hbm4b:s1+s30] =	stream.linear.scatter @!p0 [tilespmem:s31], [sflag:$0x1], $0x8000, $0x38;
	[tilespmem:$0x1C080] =	vst v63  }
0x58: {  	s1 =	sand.u32 @!p2 $0xFFFFFFE0, s0  }
0x59: {  	_ =	swait.ge @!p0 [sflag:s29], $0x8000;
	s1 =	sadd.s32 @!p2 s28, s1  }
0x5a: {  	[sflag:s29] =	ssyncset.done @!p0 $0x0;
	s30 =	sadd.s32 @!p2 s10, s1  }
0x5b: {  	[sflag:s29] =	ssyncadd.s32 @!p0 $0xFFFF8000;
	s29 =	sshll.u32 @!p2 s30, $0x7  }
0x5c: {  	s31 =	simm.s32 @!p2 $0x80;
	s30 =	simm.s32 @!p2 $0x0;
	s29 =	sadd.s32 @!p2 s2, s29  }
0x5d: {  	[tilespmem:s31], [sflag:$0x1] =	stream.linear.gather @!p2 [hbm4b:s29+s30], $0x4000, $0x38;
	[tilespmem:$0x1C080] =	vst v63  }
0x5e: {  	s9 =	sand.u32 $0x8, s9;
	s29 =	simm.s32 @!p2 $0x1  }
0x5f: {  	p1 =	seq.s32 s9, $0x0;
	s1 =	sadd.s32 @!p2 s11, s1;
	_ =	swait.ge @!p2 [sflag:s29], $0x4000  }
0x60: {  	s0 =	sand.u32 @!p1 $0xFFFFFFF0, s0;
	s1 =	sshll.u32 @!p2 s1, $0x7;
	[sflag:s29] =	ssyncset.done @!p2 $0x0  }
0x61: {  	s0 =	sadd.s32 @!p1 s28, s0;
	s1 =	sadd.s32 @!p2 s3, s1;
	[sflag:s29] =	ssyncadd.s32 @!p2 $0xFFFFC000  }
0x62: {  	[hbm4b:s1+s30] =	stream.linear.scatter @!p2 [tilespmem:s31], [sflag:$0x1], $0x4000, $0x38;
	[tilespmem:$0x1C080] =	vst v63  }
0x63: {  	s1 =	sadd.s32 @!p1 s10, s0;
	_ =	swait.ge @!p2 [sflag:s29], $0x4000  }
0x64: {  	s26 =	simm.s32 @!p1 $0x0;
	s1 =	sshll.u32 @!p1 s1, $0x7;
	[sflag:s29] =	ssyncset.done @!p2 $0x0  }
0x65: {  	s28 =	simm.s32 @!p1 $0x80;
	s1 =	sadd.s32 @!p1 s2, s1;
	[sflag:s29] =	ssyncadd.s32 @!p2 $0xFFFFC000  }
0x66: {  	[tilespmem:s28], [sflag:$0x1] =	stream.linear.gather @!p1 [hbm4b:s1+s26], $0x2000, $0x38;
	[tilespmem:$0x1C080] =	vst v63  }
0x67: {  	s1 =	simm.s32 @!p1 $0x1  }
0x68: {  	s0 =	sadd.s32 @!p1 s11, s0;
	_ =	swait.ge @!p1 [sflag:s1], $0x2000  }
0x69: {  	s0 =	sshll.u32 @!p1 s0, $0x7;
	[sflag:s1] =	ssyncset.done @!p1 $0x0  }
0x6a: {  	s25 =	sand.u32 $0x7, s25;
	s0 =	sadd.s32 @!p1 s3, s0;
	[sflag:s1] =	ssyncadd.s32 @!p1 $0xFFFFE000  }
0x6b: {  	[hbm4b:s0+s26] =	stream.linear.scatter @!p1 [tilespmem:s28], [sflag:$0x1], $0x2000, $0x38;
	[tilespmem:$0x1C080] =	vst v63  }
0x6c: {  	p0 =	sne.s32 s25, $0x0;
	s26 =	simm.s32 $0x8  }
0x6d: {  	s26 =	simm.s32 @!p0 $0x0  }
0x6e: {  	s28 =	sadd.s32 $0x80, s24;
	s0 =	sadd.s32 s24, s26  }
0x6f: {  	p2 =	sgt.s32 s6, s28;
	s29 =	smov.u32 s28;
	p0 =	sgt.s32 s6, s0  }
0x70: {  	_ =	swait.ge @!p1 [sflag:s1], $0x2000;
	s29 =	smov.u32 @p2 s6;
	s0 =	smov.u32 @p0 s6  }
0x71: {  	[sflag:s1] =	ssyncset.done @!p1 $0x0;
	s31 =	smin.u32 s17, s29;
	s0 =	smin.u32 s17, s0  }
0x72: {  	[sflag:s1] =	ssyncadd.s32 @!p1 $0xFFFFE000;
	s30 =	ssub.s32 s31, s0  }
0x73: {  	s29 =	ssub.s32 s0, s24;
	p0 =	slt.s32 s30, $0x60;
	s21 =	smulhi.u32 $0x2AAAAAAB, s30  }
0x74: {  	s22 =	sshra.s32 s30, $0x1F;
	s1 =	sshll.u32 @!p0 s29, $0x7;
	s9 =	simm.s32 @!p0 $0x0  }
0x75: {  	s5 =	simm.s32 @!p0 $0x80;
	s7 =	smul.u32 $0x2AAAAAAB, s22;
	s1 =	sadd.s32 @!p0 s1, s18  }
0x76: {  	[tilespmem:s5], [sflag:$0x1] =	stream.linear.gather @!p0 [hbm4b:s1+s9], $0x18000, $0x38;
	[tilespmem:$0x1C080] =	vst v63  }
0x77: {  	s21 =	sadd.s32 s7, s21  }
0x78: {  	s7 =	sshrl.u32 s21, $0x1F;
	s1 =	sshra.s32 s21, $0x4  }
0x79: {  	p1 =	sne.s32 s31, s0;
	s1 =	sadd.s32 s7, s1;
	s7 =	simm.s32 $0x1  }
0x7a: {  	s7 =	simm.s32 @!p1 $0x0;
	s21 =	smul.u32 $0xFFFFFFA0, s1  }
0x7b: {  	s31 =	ssub.s32 $0x0, s30;
	s7 =	sor.u32 s7, s22  }
0x7c: {  	p3 =	sne.s32 s7, $0x1;
	p4 =	sne.s32 s21, s31  }
0x7d: {  	p1 =	por !p4, !p3  }
0x7e: {  	s7 =	simm.s32 @!p0 $0x1;
	s21 =	simm.s32 $0x1;
	p1 =	por !p1, !p1  }
0x7f: {  	s31 =	sadd.s32 s8, s0;
	_ =	swait.ge @!p0 [sflag:s7], $0x18000;
	s21 =	simm.s32 @!p1 $0x0  }
0x80: {  	s0 =	sshll.u32 @!p0 s31, $0x7;
	[sflag:s7] =	ssyncset.done @!p0 $0x0;
	s1 =	ssub.s32 s1, s21  }
0x81: {  	[sflag:s7] =	ssyncadd.s32 @!p0 $0xFFFE8000;
	s21 =	sadd.s32 @!p0 s3, s0;
	s0 =	smul.u32 $0x60, s1  }
0x82: {  	[hbm4b:s21+s9] =	stream.linear.scatter @!p0 [tilespmem:s5], [sflag:$0x1], $0x18000, $0x38;
	[tilespmem:$0x1C080] =	vst v63  }
0x83: {  	s1 =	ssub.s32 s30, s0  }
0x84: {  	s22 =	sand.u32 $0x40, s1  }
0x85: {  	p1 =	seq.s32 s22, $0x0  }
0x86: {  	s5 =	sand.u32 @!p1 $0xFFFFFF80, s1  }
0x87: {  	_ =	swait.ge @!p0 [sflag:s7], $0x18000;
	s5 =	sadd.s32 @!p1 s0, s5  }
0x88: {  	[sflag:s7] =	ssyncset.done @!p0 $0x0;
	s9 =	sadd.s32 @!p1 s29, s5  }
0x89: {  	[sflag:s7] =	ssyncadd.s32 @!p0 $0xFFFE8000;
	s7 =	sshll.u32 @!p1 s9, $0x7  }
0x8a: {  	s21 =	simm.s32 @!p1 $0x80;
	s9 =	simm.s32 @!p1 $0x0;
	s7 =	sadd.s32 @!p1 s7, s18  }
0x8b: {  	[tilespmem:s21], [sflag:$0x1] =	stream.linear.gather @!p1 [hbm4b:s7+s9], $0x10000, $0x38;
	[tilespmem:$0x1C080] =	vst v63  }
0x8c: {  	s7 =	simm.s32 @!p1 $0x1  }
0x8d: {  	s5 =	sadd.s32 @!p1 s31, s5;
	_ =	swait.ge @!p1 [sflag:s7], $0x10000  }
0x8e: {  	s5 =	sshll.u32 @!p1 s5, $0x7;
	[sflag:s7] =	ssyncset.done @!p1 $0x0  }
0x8f: {  	s5 =	sadd.s32 @!p1 s3, s5;
	[sflag:s7] =	ssyncadd.s32 @!p1 $0xFFFF0000  }
0x90: {  	[hbm4b:s5+s9] =	stream.linear.scatter @!p1 [tilespmem:s21], [sflag:$0x1], $0x10000, $0x38;
	[tilespmem:$0x1C080] =	vst v63  }
0x91: {  	s9 =	sand.u32 $0x20, s1  }
0x92: {  	p0 =	seq.s32 s9, $0x0  }
0x93: {  	s5 =	sand.u32 @!p0 $0xFFFFFFC0, s1  }
0x94: {  	_ =	swait.ge @!p1 [sflag:s7], $0x10000;
	s5 =	sadd.s32 @!p0 s0, s5  }
0x95: {  	[sflag:s7] =	ssyncset.done @!p1 $0x0;
	s9 =	sadd.s32 @!p0 s29, s5  }
0x96: {  	[sflag:s7] =	ssyncadd.s32 @!p1 $0xFFFF0000;
	s7 =	sshll.u32 @!p0 s9, $0x7  }
0x97: {  	s21 =	simm.s32 @!p0 $0x80;
	s9 =	simm.s32 @!p0 $0x0;
	s7 =	sadd.s32 @!p0 s7, s18  }
0x98: {  	[tilespmem:s21], [sflag:$0x1] =	stream.linear.gather @!p0 [hbm4b:s7+s9], $0x8000, $0x38;
	[tilespmem:$0x1C080] =	vst v63  }
0x99: {  	s7 =	simm.s32 @!p0 $0x1  }
0x9a: {  	s5 =	sadd.s32 @!p0 s31, s5;
	_ =	swait.ge @!p0 [sflag:s7], $0x8000  }
0x9b: {  	s5 =	sshll.u32 @!p0 s5, $0x7;
	[sflag:s7] =	ssyncset.done @!p0 $0x0  }
0x9c: {  	s5 =	sadd.s32 @!p0 s3, s5;
	[sflag:s7] =	ssyncadd.s32 @!p0 $0xFFFF8000  }
0x9d: {  	[hbm4b:s5+s9] =	stream.linear.scatter @!p0 [tilespmem:s21], [sflag:$0x1], $0x8000, $0x38;
	[tilespmem:$0x1C080] =	vst v63  }
0x9e: {  	s21 =	sand.u32 $0x10, s30  }
0x9f: {  	p1 =	seq.s32 s21, $0x0  }
0xa0: {  	s5 =	sand.u32 @!p1 $0xFFFFFFE0, s1  }
0xa1: {  	_ =	swait.ge @!p0 [sflag:s7], $0x8000;
	s5 =	sadd.s32 @!p1 s0, s5  }
0xa2: {  	[sflag:s7] =	ssyncset.done @!p0 $0x0;
	s9 =	sadd.s32 @!p1 s29, s5  }
0xa3: {  	s22 =	sand.u32 $0x8, s30;
	[sflag:s7] =	ssyncadd.s32 @!p0 $0xFFFF8000;
	s7 =	sshll.u32 @!p1 s9, $0x7  }
0xa4: {  	s21 =	simm.s32 @!p1 $0x80;
	s9 =	simm.s32 @!p1 $0x0;
	s7 =	sadd.s32 @!p1 s7, s18  }
0xa5: {  	[tilespmem:s21], [sflag:$0x1] =	stream.linear.gather @!p1 [hbm4b:s7+s9], $0x4000, $0x38;
	[tilespmem:$0x1C080] =	vst v63  }
0xa6: {  	p2 =	seq.s32 s22, $0x0;
	s7 =	simm.s32 @!p1 $0x1  }
0xa7: {  	s1 =	sand.u32 @!p2 $0xFFFFFFF0, s1;
	s5 =	sadd.s32 @!p1 s31, s5;
	_ =	swait.ge @!p1 [sflag:s7], $0x4000  }
0xa8: {  	s0 =	sadd.s32 @!p2 s0, s1;
	s5 =	sshll.u32 @!p1 s5, $0x7;
	[sflag:s7] =	ssyncset.done @!p1 $0x0  }
0xa9: {  	s1 =	sadd.s32 @!p2 s29, s0;
	s5 =	sadd.s32 @!p1 s3, s5;
	[sflag:s7] =	ssyncadd.s32 @!p1 $0xFFFFC000  }
0xaa: {  	[hbm4b:s5+s9] =	stream.linear.scatter @!p1 [tilespmem:s21], [sflag:$0x1], $0x4000, $0x38;
	[tilespmem:$0x1C080] =	vst v63  }
0xab: {  	s1 =	sshll.u32 @!p2 s1, $0x7;
	_ =	swait.ge @!p1 [sflag:s7], $0x4000  }
0xac: {  	p0 =	seq.s32 s25, $0x0;
	s1 =	sadd.s32 @!p2 s1, s18;
	[sflag:s7] =	ssyncset.done @!p1 $0x0  }
0xad: {  	s5 =	simm.s32 @!p2 $0x0;
	[sflag:s7] =	ssyncadd.s32 @!p1 $0xFFFFC000;
	s7 =	simm.s32 @!p2 $0x80  }
0xae: {  	[tilespmem:s7], [sflag:$0x1] =	stream.linear.gather @!p2 [hbm4b:s1+s5], $0x2000, $0x38;
	[tilespmem:$0x1C080] =	vst v63  }
0xaf: {  	p1 =	slt.s32 @!p0 s28, s6;
	s1 =	simm.s32 @!p2 $0x1  }
0xb0: {  	s0 =	sadd.s32 @!p2 s31, s0;
	p3 =	por p1, p0;
	_ =	swait.ge @!p2 [sflag:s1], $0x2000  }
0xb1: {  	s0 =	sshll.u32 @!p2 s0, $0x7;
	p3 =	sge.s32 @!p3 s28, s17;
	[sflag:s1] =	ssyncset.done @!p2 $0x0  }
0xb2: {  	s0 =	sadd.s32 @!p2 s3, s0;
	p1 =	por @!p0 p3, p1;
	[sflag:s1] =	ssyncadd.s32 @!p2 $0xFFFFE000  }
0xb3: {  	[hbm4b:s0+s5] =	stream.linear.scatter @!p2 [tilespmem:s7], [sflag:$0x1], $0x2000, $0x38;
	[tilespmem:$0x1C080] =	vst v63  }
0xb4: {  	p1 =	por p1, p0;
	_ =	swait.ge @!p2 [sflag:s1], $0x2000  }
0xb5: {  	s0 =	sadd.s32 @!p1 $0x4000, s18;
	[sflag:s1] =	ssyncset.done @!p2 $0x0  }
0xb6: {  	s5 =	simm.s32 @!p1 $0x80;
	[sflag:s1] =	ssyncadd.s32 @!p2 $0xFFFFE000;
	s1 =	simm.s32 @!p1 $0x0  }
0xb7: {  	[tilespmem:s5], [sflag:$0x1] =	stream.linear.gather @!p1 [hbm4b:s0+s1], $0x2000, $0x38;
	[tilespmem:$0x1C080] =	vst v63  }
0xb8: {  	s0 =	simm.s32 @!p1 $0x1  }
0xb9: {  	s7 =	sadd.s32 @!p1 s8, s28;
	_ =	swait.ge @!p1 [sflag:s0], $0x2000  }
0xba: {  	s7 =	sshll.u32 @!p1 s7, $0x7;
	[sflag:s0] =	ssyncset.done @!p1 $0x0  }
0xbb: {  	s7 =	sadd.s32 @!p1 s3, s7;
	[sflag:s0] =	ssyncadd.s32 @!p1 $0xFFFFE000  }
0xbc: {  	[hbm4b:s7+s1] =	stream.linear.scatter @!p1 [tilespmem:s5], [sflag:$0x1], $0x2000, $0x38;
	[tilespmem:$0x1C080] =	vst v63  }
0xbd: {  	s1 =	sadd.s32 s28, s26  }
0xbe: {  	p2 =	sgt.s32 s6, s1  }
0xbf: {  	s1 =	smov.u32 @p2 s6  }
0xc0: {  	_ =	swait.ge @!p1 [sflag:s0], $0x2000;
	s1 =	smin.u32 s17, s1  }
0xc1: {  	[sflag:s0] =	ssyncset.done @!p1 $0x0;
	s28 =	ssub.s32 s17, s1  }
0xc2: {  	[sflag:s0] =	ssyncadd.s32 @!p1 $0xFFFFE000;
	p2 =	slt.s32 s28, $0x60  }
0xc3: {  	s0 =	sadd.s32 @!p2 $0x4400, s18;
	s5 =	simm.s32 @!p2 $0x0;
	s7 =	simm.s32 @!p2 $0x80  }
0xc4: {  	[tilespmem:s7], [sflag:$0x1] =	stream.linear.gather @!p2 [hbm4b:s0+s5], $0x18000, $0x38;
	[tilespmem:$0x1C080] =	vst v63  }
0xc5: {  	s0 =	simm.s32 @!p2 $0x1  }
0xc6: {  	s26 =	sadd.s32 s8, s1;
	_ =	swait.ge @!p2 [sflag:s0], $0x18000  }
0xc7: {  	s29 =	smul.u32 $0xAAAAAAAB, s28;
	s1 =	sshll.u32 @!p2 s26, $0x7;
	[sflag:s0] =	ssyncset.done @!p2 $0x0  }
0xc8: {  	p1 =	slt.u32 @!p2 s28, $0xC0;
	s9 =	sadd.s32 @!p2 s3, s1;
	[sflag:s0] =	ssyncadd.s32 @!p2 $0xFFFE8000  }
0xc9: {  	[hbm4b:s9+s5] =	stream.linear.scatter @!p2 [tilespmem:s7], [sflag:$0x1], $0x18000, $0x38;
	[tilespmem:$0x1C080] =	vst v63  }
0xca: {  	p1 =	por p1, p2;
	s30 =	sshll.u32 s29, $0x1B;
	_ =	swait.ge @!p2 [sflag:s0], $0x18000  }
0xcb: {  	s5 =	simm.s32 @!p1 $0x0;
	s7 =	simm.s32 @!p1 $0x80;
	[sflag:s0] =	ssyncset.done @!p2 $0x0  }
0xcc: {  	s9 =	sshrl.u32 s29, $0x5;
	[sflag:s0] =	ssyncadd.s32 @!p2 $0xFFFE8000;
	s0 =	sadd.s32 @!p1 $0x7400, s18  }
0xcd: {  	[tilespmem:s7], [sflag:$0x1] =	stream.linear.gather @!p1 [hbm4b:s0+s5], $0x18000, $0x38;
	[tilespmem:$0x1C080] =	vst v63  }
0xce: {  	s0 =	sor.u32 s30, s9  }
0xcf: {  	p5 =	slt.s32 s28, $0x1;
	p6 =	sgt.u32 s0, $0x2AAAAAA  }
0xd0: {  	s31 =	smulhi.u32 $0xAAAAAAAB, s28;
	p2 =	por !p5, !p6  }
0xd1: {  	s21 =	simm.s32 $0x1;
	s9 =	simm.s32 @!p1 $0x1;
	p2 =	por !p2, !p2  }
0xd2: {  	_ =	swait.ge @!p1 [sflag:s9], $0x18000;
	s0 =	sshrl.u32 s31, $0x6;
	s21 =	simm.s32 @!p2 $0x0  }
0xd3: {  	s1 =	sand.u32 @!p1 $0x1FFC00, s1;
	[sflag:s9] =	ssyncset.done @!p1 $0x0;
	s0 =	ssub.s32 s0, s21  }
0xd4: {  	s1 =	sadd.s32 @!p1 s1, s14;
	[sflag:s9] =	ssyncadd.s32 @!p1 $0xFFFE8000;
	s29 =	smul.u32 $0x60, s0  }
0xd5: {  	[hbm4b:s1+s5] =	stream.linear.scatter @!p1 [tilespmem:s7], [sflag:$0x1], $0x18000, $0x38;
	[tilespmem:$0x1C080] =	vst v63  }
0xd6: {  	s30 =	ssub.s32 s28, s29  }
0xd7: {  	s7 =	sand.u32 $0x40, s30  }
0xd8: {  	p2 =	seq.s32 s7, $0x0  }
0xd9: {  	s0 =	sand.u32 @!p2 $0xFFFFFF80, s30  }
0xda: {  	s0 =	sadd.s32 @!p2 s29, s0  }
0xdb: {  	_ =	swait.ge @!p1 [sflag:s9], $0x18000;
	s1 =	sshll.u32 @!p2 s0, $0xA  }
0xdc: {  	[sflag:s9] =	ssyncset.done @!p1 $0x0;
	s1 =	sadd.s32 @!p2 $0x22000, s1  }
0xdd: {  	[sflag:s9] =	ssyncadd.s32 @!p1 $0xFFFE8000;
	s1 =	sshrl.u32 @!p2 s1, $0x3  }
0xde: {  	s5 =	simm.s32 @!p2 $0x0;
	s7 =	simm.s32 @!p2 $0x80;
	s1 =	sadd.s32 @!p2 s1, s18  }
0xdf: {  	[tilespmem:s7], [sflag:$0x1] =	stream.linear.gather @!p2 [hbm4b:s1+s5], $0x10000, $0x38;
	[tilespmem:$0x1C080] =	vst v63  }
0xe0: {  	s0 =	sadd.s32 @!p2 s26, s0;
	s1 =	simm.s32 @!p2 $0x1  }
0xe1: {  	s0 =	sshll.u32 @!p2 s0, $0x7;
	_ =	swait.ge @!p2 [sflag:s1], $0x10000  }
0xe2: {  	s21 =	sand.u32 $0x20, s30;
	s0 =	sand.u32 @!p2 $0xFFFFC00, s0;
	[sflag:s1] =	ssyncset.done @!p2 $0x0  }
0xe3: {  	p1 =	seq.s32 s21, $0x0;
	s0 =	sadd.s32 @!p2 s3, s0;
	[sflag:s1] =	ssyncadd.s32 @!p2 $0xFFFF0000  }
0xe4: {  	[hbm4b:s0+s5] =	stream.linear.scatter @!p2 [tilespmem:s7], [sflag:$0x1], $0x10000, $0x38;
	[tilespmem:$0x1C080] =	vst v63  }
0xe5: {  	s0 =	sand.u32 @!p1 $0xFFFFFFC0, s30  }
0xe6: {  	s0 =	sadd.s32 @!p1 s29, s0  }
0xe7: {  	_ =	swait.ge @!p2 [sflag:s1], $0x10000;
	s5 =	sshll.u32 @!p1 s0, $0xA  }
0xe8: {  	[sflag:s1] =	ssyncset.done @!p2 $0x0;
	s5 =	sadd.s32 @!p1 $0x22000, s5  }
0xe9: {  	[sflag:s1] =	ssyncadd.s32 @!p2 $0xFFFF0000;
	s1 =	sshrl.u32 @!p1 s5, $0x3  }
0xea: {  	s7 =	simm.s32 @!p1 $0x80;
	s5 =	simm.s32 @!p1 $0x0;
	s1 =	sadd.s32 @!p1 s1, s18  }
0xeb: {  	[tilespmem:s7], [sflag:$0x1] =	stream.linear.gather @!p1 [hbm4b:s1+s5], $0x8000, $0x38;
	[tilespmem:$0x1C080] =	vst v63  }
0xec: {  	s0 =	sadd.s32 @!p1 s26, s0;
	s1 =	simm.s32 @!p1 $0x1  }
0xed: {  	s0 =	sshll.u32 @!p1 s0, $0x7;
	_ =	swait.ge @!p1 [sflag:s1], $0x8000  }
0xee: {  	s22 =	sand.u32 $0x10, s28;
	s0 =	sand.u32 @!p1 $0xFFFFC00, s0;
	[sflag:s1] =	ssyncset.done @!p1 $0x0  }
0xef: {  	p2 =	seq.s32 s22, $0x0;
	s0 =	sadd.s32 @!p1 s3, s0;
	[sflag:s1] =	ssyncadd.s32 @!p1 $0xFFFF8000  }
0xf0: {  	[hbm4b:s0+s5] =	stream.linear.scatter @!p1 [tilespmem:s7], [sflag:$0x1], $0x8000, $0x38;
	[tilespmem:$0x1C080] =	vst v63  }
0xf1: {  	s0 =	sand.u32 @!p2 $0xFFFFFFE0, s30  }
0xf2: {  	s0 =	sadd.s32 @!p2 s29, s0  }
0xf3: {  	_ =	swait.ge @!p1 [sflag:s1], $0x8000;
	s5 =	sshll.u32 @!p2 s0, $0xA  }
0xf4: {  	[sflag:s1] =	ssyncset.done @!p1 $0x0;
	s5 =	sadd.s32 @!p2 $0x22000, s5  }
0xf5: {  	[sflag:s1] =	ssyncadd.s32 @!p1 $0xFFFF8000;
	s1 =	sshrl.u32 @!p2 s5, $0x3  }
0xf6: {  	s7 =	simm.s32 @!p2 $0x80;
	s5 =	simm.s32 @!p2 $0x0;
	s1 =	sadd.s32 @!p2 s1, s18  }
0xf7: {  	[tilespmem:s7], [sflag:$0x1] =	stream.linear.gather @!p2 [hbm4b:s1+s5], $0x4000, $0x38;
	[tilespmem:$0x1C080] =	vst v63  }
0xf8: {  	s0 =	sadd.s32 @!p2 s26, s0;
	s1 =	simm.s32 @!p2 $0x1  }
0xf9: {  	s0 =	sshll.u32 @!p2 s0, $0x7;
	_ =	swait.ge @!p2 [sflag:s1], $0x4000  }
0xfa: {  	s31 =	sand.u32 $0x8, s28;
	s0 =	sand.u32 @!p2 $0xFFFFC00, s0;
	[sflag:s1] =	ssyncset.done @!p2 $0x0  }
0xfb: {  	p1 =	seq.s32 s31, $0x0;
	s0 =	sadd.s32 @!p2 s3, s0;
	[sflag:s1] =	ssyncadd.s32 @!p2 $0xFFFFC000  }
0xfc: {  	[hbm4b:s0+s5] =	stream.linear.scatter @!p2 [tilespmem:s7], [sflag:$0x1], $0x4000, $0x38;
	[tilespmem:$0x1C080] =	vst v63  }
0xfd: {  	s0 =	sand.u32 @!p1 $0xFFFFFFF0, s30  }
0xfe: {  	s0 =	sadd.s32 @!p1 s29, s0  }
0xff: {  	_ =	swait.ge @!p2 [sflag:s1], $0x4000;
	s5 =	sshll.u32 @!p1 s0, $0xA  }
0x100: {  	[sflag:s1] =	ssyncset.done @!p2 $0x0;
	s5 =	sadd.s32 @!p1 $0x22000, s5  }
0x101: {  	s7 =	simm.s32 @!p1 $0x80;
	[sflag:s1] =	ssyncadd.s32 @!p2 $0xFFFFC000;
	s1 =	sshrl.u32 @!p1 s5, $0x3  }
0x102: {  	p2 =	slt.s32 @!p0 s24, s6;
	s5 =	simm.s32 @!p1 $0x0;
	s1 =	sadd.s32 @!p1 s1, s18  }
0x103: {  	[tilespmem:s7], [sflag:$0x1] =	stream.linear.gather @!p1 [hbm4b:s1+s5], $0x2000, $0x38;
	[tilespmem:$0x1C080] =	vst v63  }
0x104: {  	s0 =	sadd.s32 @!p1 s26, s0;
	p0 =	por p0, p2;
	s1 =	simm.s32 @!p1 $0x1  }
0x105: {  	s0 =	sshll.u32 @!p1 s0, $0x7;
	p2 =	sge.s32 @!p0 s24, s17;
	_ =	swait.ge @!p1 [sflag:s1], $0x2000  }
0x106: {  	s0 =	sand.u32 @!p1 $0xFFFFC00, s0;
	p0 =	por p0, p2;
	[sflag:s1] =	ssyncset.done @!p1 $0x0  }
.Ltmp2:
0x107: {  	s0 =	sadd.s32 @!p1 s3, s0;
	[sflag:s1] =	ssyncadd.s32 @!p1 $0xFFFFE000;
	(pc) =	sbr.rel @p0 .LBB2_7-.Ltmp2, $4  }
0x108: {  	[hbm4b:s0+s5] =	stream.linear.scatter @!p1 [tilespmem:s7], [sflag:$0x1], $0x2000, $0x38;
	[tilespmem:$0x1C080] =	vst v63  }
0x109: {  	_ =	swait.ge @!p1 [sflag:s1], $0x2000  }
0x10a: {  	[sflag:s1] =	ssyncset.done @!p1 $0x0  }
0x10b: {  	[sflag:s1] =	ssyncadd.s32 @!p1 $0xFFFFE000  }
0x10c: {  	s0 =	rddreg [dreg:$0x5]  }
0x10d: {  	s0 =	sadd.s32 s0, s24  }
0x10e: {  	s1 =	simm.s32 $0x0;
	s5 =	simm.s32 $0x18080;
	s0 =	sshll.u32 s0, $0x7  }
0x10f: {  	s26 =	simm.s32 $0x1A080;
	s29 =	simm.s32 $0x0;
	s0 =	sadd.s32 s2, s0  }
0x110: {  	[tilespmem:s5], [sflag:$0x1] =	stream.linear.gather [hbm4b:s0+s1], $0x2000, $0x38;
	[tilespmem:$0x1C080] =	vst v63  }
0x111: {  	s30 =	simm.s32 $0x0;
	s0 =	sshll.u32 s25, $0x6;
	_ =	swait.ge [sflag:s20], $0x2000  }
0x112: {  	s9 =	simm.s32 $0x0;
	p1 =	sne.s32 s0, $0x1;
	[sflag:s20] =	ssyncset.done $0x0  }
.Ltmp3:
0x113: {  	p0 =	por $0x0, $0x0;
	[sflag:s20] =	ssyncadd.s32 $0xFFFFE000;
	(pc) =	sbr.rel @!p1 .LBB2_3-.Ltmp3, $4  }
0x114: {  	[tilespmem:s26], [sflag:$0x1] =	stream.linear.gather [hbm4b:s18+s1], $0x2000, $0x38;
	[tilespmem:$0x1C080] =	vst v63  }
0x115: {  	s7 =	sand.u32 $0xFFFFE000, s29;
	s5 =	sand.u32 $0x1C00, s30;
	_ =	swait.ge [sflag:s20], $0x2000  }
0x116: {  	s31 =	sand.u32 $0x380, s9;
	s5 =	sor.u32 s5, s7;
	[sflag:s20] =	ssyncset.done $0x0  }
0x117: {  	s28 =	sor.u32 s31, s5;
	s26 =	sand.u32 $0x70, s29;
	[sflag:s20] =	ssyncadd.s32 $0xFFFFE000  }
0x118: {  	s1 =	sor.u32 s26, s28;
	p1 =	sne.s32 s0, $0x2  }
.Ltmp4:
0x119: {  	v0 =	vld [tilespmem:s1+$0x18080];
	(pc) =	sbr.rel @!p1 .LBB2_6-.Ltmp4, $4  }
0x11a: {  	s5 =	simm.s32 $0x10;
	s7 =	simm.s32 $0x80  }
0x11b: {  	s21 =	simm.s32 $0x2;
	s9 =	sand.u32 $0xFFFFE000, s5;
	s7 =	sand.u32 $0x1C00, s7  }
0x11c: {  	s25 =	simm.s32 $0x2;
	s31 =	sand.u32 $0x380, s21;
	s7 =	sor.u32 s7, s9  }
0x11d: {  	p0 =	por $0x1, $0x1;
	s26 =	sand.u32 $0x70, s5;
	s28 =	sor.u32 s31, s7  }
.LBB2_5:
0x11e: {  	s5 =	smov.u32 s25;
	s25 =	sadd.s32 $0x1, s25  }
0x11f: {  	[tilespmem:s1+$0x1A080] =	vst v0;
	s1 =	sor.u32 s26, s28;
	p1 =	sne.s32 s0, s25  }
.Ltmp5:
0x120: {  	v0 =	vld [tilespmem:s1+$0x18080];
	(pc) =	sbr.rel @p1 .LBB2_5-.Ltmp5, $4  }
0x121: {  	s7 =	sshll.u32 s5, $0x4;
	s9 =	sshll.u32 s5, $0x7  }
0x122: {  	s5 =	sshll.u32 s5, $0x1;
	s21 =	sand.u32 $0xFFFFE000, s7;
	s9 =	sand.u32 $0x1C00, s9  }
0x123: {  	s5 =	sand.u32 $0x380, s5;
	s9 =	sor.u32 s9, s21  }
0x124: {  	s26 =	sand.u32 $0x70, s7;
	s28 =	sor.u32 s5, s9  }
.Ltmp6:
0x125: {  	_ = 	snop;
	(pc) =	sbr.rel .LBB2_6-.Ltmp6, $1  }
0x126: {  	_ =	sdelay $0x3  }
.LBB2_8:
0x127: {  	_ =	sfence.sel $0x180000  }
0x128: {  	[bflag:$0x0] =	sbarrier.arrive $0xFFFF  }
0x129: {  	_ =	strace $0x90000047  }
0x12a: {  	s0 =	stileid.u32;
	[bflag:$0x2] =	sbarrier.arrive $0xFFFF  }
0x12b: {  	p0 =	sne.s32 s0, $0x0;
	s0 =	rddreg [dreg:$0x3]  }
0x12c: {  	s0 =	sadd.s32 @!p0 $0x100000, s0  }
0x12d: {  	[sflag:s0] =	ssyncadd.tile.s32 @!p0 $0x1;
	_ =	shalt  }
.Lfunc_end2:
_tile_overlayer_lowered:
.L_overlay_start_2:
0x12e: {  	(tag) =	ssettag $0x2  }
0x12f: {  	s0 =	rddreg [dreg:$0x0];
	s2 =	stileid.u32  }
0x130: {  	s1 =	rddreg [dreg:$0x1];
	p0 =	sne.s32 s2, $0x0  }
0x131: {  	s3 =	rddreg [dreg:$0x2];
	[bflag:$0x3] =	sbarrier.arrive $0xFFFF;
	s2 =	simm.s32 @!p0 $0x1C01  }
0x132: {  	[timem:s3], [sflag:s2] =	dma.local @!p0 [hbm:s0], s1  }
0x133: {  	s0 =	simm.s32 @!p0 $0x1  }
0x134: {  	_ =	swait.ge @!p0 [sflag:s0], s1  }
0x135: {  	s1 =	ssub.s32 @!p0 $0x0, s1;
	[sflag:s0] =	ssyncset.done @!p0 $0x0  }
0x136: {  	[sflag:s0] =	ssyncadd.s32 @!p0 s1  }
0x137: {  	[bflag:$0x3] =	sbarrier.arrive $0xFFFF  }
0x138: {  	_ =	shalt  }

</sc_bundles>
